<compile_context>
chip_gen: v7x
topology: tpu7x:2x2x1
jax: 0.10.2.dev20260603
libtpu: 0.0.44.dev20260713+nightly
codegen_flags: <defaults>
</compile_context>

<pallas_src>
import functools

import jax
import jax.numpy as jnp
from jax import lax
from jax.experimental import pallas as pl
from jax.experimental.pallas import tpu as pltpu
from jax.experimental.pallas import tpu_sc as plsc

NMS_THR = 0.45
NT = 16
L = 16
CB = 64

def _sort16(v, lane):
    for k in (2, 4, 8, 16):
        j = k // 2
        while j >= 1:
            pv = v[jnp.bitwise_xor(lane, j)]
            takemin = ((lane & j) == 0) == ((lane & k) == 0)
            v = jnp.where(takemin, jnp.minimum(v, pv), jnp.maximum(v, pv))
            j //= 2
    return v


def _tec_body(x1h, y1h, x2h, y2h, confh, outh,
              vx1, vy1, vx2, vy2, outs, act, pubv, candv, kbuf, cand_sp,
              *, n, npad, sl):
    t = lax.axis_index("s")
    sent = jnp.int32(npad)
    lane = lax.iota(jnp.int32, L)
    zf = jnp.zeros((L,), jnp.float32)

    pltpu.sync_copy(x1h, vx1)
    pltpu.sync_copy(y1h, vy1)
    pltpu.sync_copy(x2h, vx2)
    pltpu.sync_copy(y2h, vy2)
    pltpu.sync_copy(confh.at[t], outs)

    def init_chunk(c, _):
        act[pl.ds(c * L, L)] = jnp.minimum((c * L + lane) * NT + t, sent - 1)
        return 0

    lax.fori_loop(0, sl // L, init_chunk, 0)
    cnt0 = (jnp.maximum(jnp.int32(n) - t, 0) + (NT - 1)) // NT

    def round_fn(cnt, par):
        v0 = act[pl.ds(0, L)]
        front = jnp.where(cnt > 0, v0[0], sent)
        second = jnp.where(cnt > 1, v0[1], sent)
        pubv[pl.ds(0, L)] = jnp.full((L,), front, jnp.int32)
        pubv[pl.ds(L, L)] = jnp.full((L,), second, jnp.int32)
        pltpu.sync_copy(pubv,
                        cand_sp.at[pl.ds((par * NT + t) * (2 * L), 2 * L)])
        plsc.subcore_barrier()
        pltpu.sync_copy(cand_sp.at[pl.ds(par * NT * 2 * L, NT * 2 * L)],
                        candv)

        fronts = jnp.full((L,), sent, jnp.int32)
        seconds = jnp.full((L,), sent, jnp.int32)
        for r in range(NT):
            sel = lane == r
            fronts = jnp.where(sel, candv[pl.ds(r * 2 * L, L)], fronts)
            seconds = jnp.where(sel, candv[pl.ds(r * 2 * L + L, L)], seconds)

        m = seconds
        for d in (8, 4, 2, 1):
            m = jnp.minimum(m, m[jnp.bitwise_xor(lane, d)])
        lim = m[0]
        limv = jnp.full((L,), lim, jnp.int32)

        cand = _sort16(fronts, lane)
        gdone = cand[0] >= sent
        cg = jnp.minimum(cand, sent - 1)
        cx1 = plsc.load_gather(vx1, [cg])
        cy1 = plsc.load_gather(vy1, [cg])
        cx2 = plsc.load_gather(vx2, [cg])
        cy2 = plsc.load_gather(vy2, [cg])
        carea = (jnp.maximum(cx2 - cx1, 0.0) * jnp.maximum(cy2 - cy1, 0.0))
        eligible = cand < limv
        ne = plsc.all_reduce_population_count(eligible)[0]

        def greedy_step(k, suppi):
            kf = jnp.full((L,), k, jnp.int32)
            kept_k = suppi[kf] == 0
            bx1 = cx1[kf]
            by1 = cy1[kf]
            bx2 = cx2[kf]
            by2 = cy2[kf]
            ba = carea[kf]
            xx1 = jnp.maximum(cx1, bx1)
            yy1 = jnp.maximum(cy1, by1)
            xx2 = jnp.minimum(cx2, bx2)
            yy2 = jnp.minimum(cy2, by2)
            inter = (jnp.maximum(xx2 - xx1, 0.0)
                     * jnp.maximum(yy2 - yy1, 0.0))
            iou = inter / (ba + carea - inter + 1e-12)
            hit = (iou > NMS_THR) & (lane > kf) & kept_k
            return suppi | hit.astype(jnp.int32)

        suppi = lax.fori_loop(0, ne, greedy_step, jnp.zeros((L,), jnp.int32))
        supp = suppi != 0
        keep = eligible & jnp.logical_not(supp)

        frontv = jnp.full((L,), front, jnp.int32)
        mydecided = front < lim
        mysupp_cnt = plsc.all_reduce_population_count(
            (cand == frontv) & supp & eligible)[0]
        myslot = jnp.minimum(front // NT, jnp.int32(sl - 1))
        plsc.store_scatter(outs, [jnp.full((L,), myslot, jnp.int32)], zf,
                           mask=(lane == 0) & mydecided & (mysupp_cnt > 0))

        nkept = plsc.all_reduce_population_count(keep)[0]
        plsc.store_compressed(kbuf.at[pl.ds(0, L)], cand, mask=keep)
        kidx = kbuf[pl.ds(0, L)]
        kmask = lane < jnp.full((L,), nkept, jnp.int32)
        kx1 = plsc.load_gather(vx1, [kidx], mask=kmask)
        ky1 = plsc.load_gather(vy1, [kidx], mask=kmask)
        kx2 = plsc.load_gather(vx2, [kidx], mask=kmask)
        ky2 = plsc.load_gather(vy2, [kidx], mask=kmask)
        karea = (jnp.maximum(kx2 - kx1, 0.0) * jnp.maximum(ky2 - ky1, 0.0))

        skip = jnp.where(mydecided, jnp.int32(1), jnp.int32(0))
        ncand = cnt - skip
        nchunks = (ncand + (L - 1)) // L

        def chunk(c, w):
            idxv = act[pl.ds(skip + c * L, L)]
            valid = (c * L + lane) < ncand
            gx1 = plsc.load_gather(vx1, [idxv], mask=valid)
            gy1 = plsc.load_gather(vy1, [idxv], mask=valid)
            gx2 = plsc.load_gather(vx2, [idxv], mask=valid)
            gy2 = plsc.load_gather(vy2, [idxv], mask=valid)
            ga = (jnp.maximum(gx2 - gx1, 0.0) * jnp.maximum(gy2 - gy1, 0.0))

            def kept_step(k, sacci):
                kf = jnp.full((L,), k, jnp.int32)
                bx1 = kx1[kf]
                by1 = ky1[kf]
                bx2 = kx2[kf]
                by2 = ky2[kf]
                ba = karea[kf]
                xx1 = jnp.maximum(gx1, bx1)
                yy1 = jnp.maximum(gy1, by1)
                xx2 = jnp.minimum(gx2, bx2)
                yy2 = jnp.minimum(gy2, by2)
                inter = (jnp.maximum(xx2 - xx1, 0.0)
                         * jnp.maximum(yy2 - yy1, 0.0))
                iou = inter / (ba + ga - inter + 1e-12)
                return sacci | (iou > NMS_THR).astype(jnp.int32)

            sacci = lax.fori_loop(0, nkept, kept_step,
                                  jnp.zeros((L,), jnp.int32))
            sacc = (sacci != 0) & valid
            keepv = valid & (sacci == 0)
            plsc.store_scatter(outs, [idxv // NT], zf, mask=sacc)
            plsc.store_compressed(act.at[pl.ds(w, L)], idxv, mask=keepv)
            return w + plsc.all_reduce_population_count(keepv)[0]

        newcnt = lax.fori_loop(0, nchunks, chunk, jnp.int32(0))
        return newcnt, gdone.astype(jnp.int32)

    def block_fn(b, carry):
        def run_block(carry):
            def one_round(i, carry):
                cnt, done = carry
                return lax.cond(done == 1, lambda c: (c, jnp.int32(1)),
                                lambda c: round_fn(c, i % 2), cnt)
            return lax.fori_loop(0, CB, one_round, carry)

        return lax.cond(carry[1] == 1, lambda c: c, run_block, carry)

    nblocks = (n + 1 + CB - 1) // CB
    lax.fori_loop(0, nblocks, block_fn, (cnt0, jnp.int32(0)))

    pltpu.sync_copy(outs, outh.at[t])


@functools.lru_cache(maxsize=None)
def _build(n):
    npad = -(-n // (NT * L)) * (NT * L)
    sl = npad // NT
    mesh = plsc.VectorSubcoreMesh(core_axis_name="c", subcore_axis_name="s",
                                  num_cores=1, num_subcores=NT)
    body = functools.partial(_tec_body, n=n, npad=npad, sl=sl)
    call = pl.kernel(
        body,
        out_type=jax.ShapeDtypeStruct((NT, sl), jnp.float32),
        mesh=mesh,
        compiler_params=pltpu.CompilerParams(needs_layout_passes=False),
        scratch_types=[
            pltpu.VMEM((npad,), jnp.float32),
            pltpu.VMEM((npad,), jnp.float32),
            pltpu.VMEM((npad,), jnp.float32),
            pltpu.VMEM((npad,), jnp.float32),
            pltpu.VMEM((sl,), jnp.float32),
            pltpu.VMEM((sl + L,), jnp.int32),
            pltpu.VMEM((2 * L,), jnp.int32),
            pltpu.VMEM((NT * 2 * L,), jnp.int32),
            pltpu.VMEM((L,), jnp.int32),
            pltpu.VMEM_SHARED((2 * NT * 2 * L,), jnp.int32),
        ],
    )
    return call, npad, sl


def kernel(bbs, conf):
    n = conf.shape[0]
    call, npad, sl = _build(n)
    order = jnp.argsort(-conf)
    sb = bbs[order]
    sconf = conf[order]
    x1 = sb[:, 0]
    y1 = sb[:, 1]
    x2 = sb[:, 0] + sb[:, 2]
    y2 = sb[:, 1] + sb[:, 3]
    pad = npad - n

    def p(a):
        return jnp.concatenate([a, jnp.zeros((pad,), a.dtype)])

    conf_t = p(sconf).reshape(sl, NT).T
    out_t = call(p(x1), p(y1), p(x2), p(y2), conf_t)
    out_sorted = out_t.T.reshape(npad)
    return jnp.zeros_like(conf).at[order].set(out_sorted[:n])

# --- scband reference (transcript-rebuilt; emitter-appended) ---
"""Pipeline reference for scband-nmsfilter-83700322664661 (READ-ONLY COPY).

The authoritative reference and input builder live on the scoring server;
editing this copy changes nothing except your own understanding.
"""

import jax, jax.numpy as jnp
import numpy as np

NMS_THRESHOLD = 0.45


def setup_inputs(seed: int = 0) -> dict:
    key = jax.random.key(seed)
    k1, k2 = jax.random.split(key)
    bbs = jax.random.uniform(k1, (20000, 4), dtype=jnp.float32)
    conf = jax.random.uniform(k2, (20000,), dtype=jnp.float32)
    return {"bbs": bbs, "conf": conf}


def _nms_suppressed_mask(bbs, conf, nms_threshold):
    # Boxes interpreted as (x, y, w, h). Greedy NMS in descending-confidence order.
    N = bbs.shape[0]
    x1 = bbs[:, 0]
    y1 = bbs[:, 1]
    x2 = bbs[:, 0] + bbs[:, 2]
    y2 = bbs[:, 1] + bbs[:, 3]
    area = jnp.maximum(x2 - x1, 0.0) * jnp.maximum(y2 - y1, 0.0)
    order = jnp.argsort(-conf)          # descending confidence
    rank = jnp.argsort(order)           # rank[j] = position of box j in the order

    def body(i, suppressed):
        idx = order[i]
        alive = jnp.logical_not(suppressed[idx])
        xx1 = jnp.maximum(x1[idx], x1)
        yy1 = jnp.maximum(y1[idx], y1)
        xx2 = jnp.minimum(x2[idx], x2)
        yy2 = jnp.minimum(y2[idx], y2)
        inter = jnp.maximum(xx2 - xx1, 0.0) * jnp.maximum(yy2 - yy1, 0.0)
        iou = inter / (area[idx] + area - inter + 1e-12)
        # suppress strictly lower-confidence boxes that overlap the current kept box
        supp_new = (iou > nms_threshold) & (rank > i) & alive
        return suppressed | supp_new

    suppressed0 = jnp.zeros((N,), dtype=bool)
    return jax.lax.fori_loop(0, N, body, suppressed0)


def reference(bbs, conf):
    # NMSFilter(nms_threshold=0.45, classes=1, pre_threshold=-1.0 (disabled),
    #           first_class=0, max_output_boxes=-1 (disabled), return_bbs=False)
    # Returns confidences with suppressed boxes zeroed out (same shape as conf).
    suppressed = _nms_suppressed_mask(bbs, conf, NMS_THRESHOLD)
    return jnp.where(suppressed, jnp.float32(0.0), conf)

if __name__ == "__main__":
    import jax
    _d = setup_inputs()
    print(jax.jit(kernel)(*tuple(_d.values())))

</pallas_src>

<mosaic_0001>
#map = affine_map<(d0, d1) -> (0)>
#map1 = affine_map<(d0, d1) -> (0, 0)>
module attributes {stable_mosaic.version = 14 : i64} {
  func.func @_tec_body(%arg0: i32, %arg1: i32, %arg2: memref<20224xf32, #tpu.memory_space<hbm>>, %arg3: memref<20224xf32, #tpu.memory_space<hbm>>, %arg4: memref<20224xf32, #tpu.memory_space<hbm>>, %arg5: memref<20224xf32, #tpu.memory_space<hbm>>, %arg6: memref<16x1264xf32, #tpu.memory_space<hbm>>, %arg7: memref<16x1264xf32, #tpu.memory_space<hbm>>, %arg8: memref<20224xf32, #tpu.memory_space<vmem>>, %arg9: memref<20224xf32, #tpu.memory_space<vmem>>, %arg10: memref<20224xf32, #tpu.memory_space<vmem>>, %arg11: memref<20224xf32, #tpu.memory_space<vmem>>, %arg12: memref<1264xf32, #tpu.memory_space<vmem>>, %arg13: memref<1280xi32, #tpu.memory_space<vmem>>, %arg14: memref<32xi32, #tpu.memory_space<vmem>>, %arg15: memref<512xi32, #tpu.memory_space<vmem>>, %arg16: memref<16xi32, #tpu.memory_space<vmem>>, %arg17: memref<1024xi32, #tpu.memory_space<vmem_shared>>) attributes {dimension_semantics = [#tpu.dimension_semantics<core_parallel>, #tpu.dimension_semantics<subcore_parallel>], iteration_bounds = array<i64: 1, 16>, scalar_prefetch = 0 : i64, scratch_operands = 10 : i64, tpu.core_type = #tpu.core_type<sc_vector_subcore>, window_params = [{transform_indices = #map}, {transform_indices = #map}, {transform_indices = #map}, {transform_indices = #map}, {transform_indices = #map1}, {transform_indices = #map1}]} {
    %iota3A = tpu.iota {dimensions = array<i32: 0>} : vector<16xi32>
    %broadcast_in_dim3A = arith.constant 0.000000e+00 : f32
    %broadcast_in_dim3A_0 = vector.broadcast %broadcast_in_dim3A : f32 to vector<16xf32>
    "tpu.region"() ({
      %run_scoped3A = tpu.sem_alloc : memref<!tpu.dma_semaphore, #tpu.memory_space<semaphore_mem>>
      tpu.enqueue_dma source(%arg2 : memref<20224xf32, #tpu.memory_space<hbm>>) target(%arg8 : memref<20224xf32, #tpu.memory_space<vmem>>) target_semaphore(%run_scoped3A : memref<!tpu.dma_semaphore, #tpu.memory_space<semaphore_mem>>)
      tpu.wait_dma2 semaphore(%run_scoped3A : memref<!tpu.dma_semaphore, #tpu.memory_space<semaphore_mem>>) src(%arg2 : memref<20224xf32, #tpu.memory_space<hbm>>) dst(%arg8 : memref<20224xf32, #tpu.memory_space<vmem>>)
      tpu.yield
    }) : () -> ()
    "tpu.region"() ({
      %run_scoped3A = tpu.sem_alloc : memref<!tpu.dma_semaphore, #tpu.memory_space<semaphore_mem>>
      tpu.enqueue_dma source(%arg3 : memref<20224xf32, #tpu.memory_space<hbm>>) target(%arg9 : memref<20224xf32, #tpu.memory_space<vmem>>) target_semaphore(%run_scoped3A : memref<!tpu.dma_semaphore, #tpu.memory_space<semaphore_mem>>)
      tpu.wait_dma2 semaphore(%run_scoped3A : memref<!tpu.dma_semaphore, #tpu.memory_space<semaphore_mem>>) src(%arg3 : memref<20224xf32, #tpu.memory_space<hbm>>) dst(%arg9 : memref<20224xf32, #tpu.memory_space<vmem>>)
      tpu.yield
    }) : () -> ()
    "tpu.region"() ({
      %run_scoped3A = tpu.sem_alloc : memref<!tpu.dma_semaphore, #tpu.memory_space<semaphore_mem>>
      tpu.enqueue_dma source(%arg4 : memref<20224xf32, #tpu.memory_space<hbm>>) target(%arg10 : memref<20224xf32, #tpu.memory_space<vmem>>) target_semaphore(%run_scoped3A : memref<!tpu.dma_semaphore, #tpu.memory_space<semaphore_mem>>)
      tpu.wait_dma2 semaphore(%run_scoped3A : memref<!tpu.dma_semaphore, #tpu.memory_space<semaphore_mem>>) src(%arg4 : memref<20224xf32, #tpu.memory_space<hbm>>) dst(%arg10 : memref<20224xf32, #tpu.memory_space<vmem>>)
      tpu.yield
    }) : () -> ()
    "tpu.region"() ({
      %run_scoped3A = tpu.sem_alloc : memref<!tpu.dma_semaphore, #tpu.memory_space<semaphore_mem>>
      tpu.enqueue_dma source(%arg5 : memref<20224xf32, #tpu.memory_space<hbm>>) target(%arg11 : memref<20224xf32, #tpu.memory_space<vmem>>) target_semaphore(%run_scoped3A : memref<!tpu.dma_semaphore, #tpu.memory_space<semaphore_mem>>)
      tpu.wait_dma2 semaphore(%run_scoped3A : memref<!tpu.dma_semaphore, #tpu.memory_space<semaphore_mem>>) src(%arg5 : memref<20224xf32, #tpu.memory_space<hbm>>) dst(%arg11 : memref<20224xf32, #tpu.memory_space<vmem>>)
      tpu.yield
    }) : () -> ()
    "tpu.region"() ({
      %run_scoped3A = tpu.sem_alloc : memref<!tpu.dma_semaphore, #tpu.memory_space<semaphore_mem>>
      %dma_start3A = arith.constant 0 : i32
      %dma_start3A_36 = tpu.memref_slice %arg6[%arg1, %dma_start3A] : memref<16x1264xf32, #tpu.memory_space<hbm>> -> memref<1x1264xf32, #tpu.memory_space<hbm>>
      %dma_start3A_37 = tpu.memref_squeeze %dma_start3A_36 : memref<1x1264xf32, #tpu.memory_space<hbm>> -> memref<1264xf32, #tpu.memory_space<hbm>>
      %dma_start3A_38 = arith.constant 0 : i32
      %dma_start3A_39 = tpu.memref_slice %arg6[%arg1, %dma_start3A_38] : memref<16x1264xf32, #tpu.memory_space<hbm>> -> memref<1x1264xf32, #tpu.memory_space<hbm>>
      %dma_start3A_40 = tpu.memref_squeeze %dma_start3A_39 : memref<1x1264xf32, #tpu.memory_space<hbm>> -> memref<1264xf32, #tpu.memory_space<hbm>>
      tpu.enqueue_dma source(%dma_start3A_40 : memref<1264xf32, #tpu.memory_space<hbm>>) target(%arg12 : memref<1264xf32, #tpu.memory_space<vmem>>) target_semaphore(%run_scoped3A : memref<!tpu.dma_semaphore, #tpu.memory_space<semaphore_mem>>)
      %dma_wait3A = arith.constant 0 : i32
      %dma_wait3A_41 = tpu.memref_slice %arg6[%arg1, %dma_wait3A] : memref<16x1264xf32, #tpu.memory_space<hbm>> -> memref<1x1264xf32, #tpu.memory_space<hbm>>
      %dma_wait3A_42 = tpu.memref_squeeze %dma_wait3A_41 : memref<1x1264xf32, #tpu.memory_space<hbm>> -> memref<1264xf32, #tpu.memory_space<hbm>>
      %dma_wait3A_43 = arith.constant 0 : i32
      %dma_wait3A_44 = tpu.memref_slice %arg6[%arg1, %dma_wait3A_43] : memref<16x1264xf32, #tpu.memory_space<hbm>> -> memref<1x1264xf32, #tpu.memory_space<hbm>>
      %dma_wait3A_45 = tpu.memref_squeeze %dma_wait3A_44 : memref<1x1264xf32, #tpu.memory_space<hbm>> -> memref<1264xf32, #tpu.memory_space<hbm>>
      tpu.wait_dma2 semaphore(%run_scoped3A : memref<!tpu.dma_semaphore, #tpu.memory_space<semaphore_mem>>) src(%dma_wait3A_45 : memref<1264xf32, #tpu.memory_space<hbm>>) dst(%arg12 : memref<1264xf32, #tpu.memory_space<vmem>>)
      tpu.yield
    }) : () -> ()
    %scan3A = arith.constant 20224 : i32
    %scan3A_1 = arith.constant 0 : i32
    %scan3A_2 = arith.constant 0 : i32
    %scan3A_3 = arith.constant 79 : i32
    %scan3A_4 = arith.addi %scan3A_2, %scan3A_3 : i32
    %scan3A_5 = arith.constant 1 : i32
    %scan3A_6 = scf.for %scan3A_36 = %scan3A_2 to %scan3A_4 step %scan3A_5 iter_args(%scan3A_37 = %scan3A_1) -> (i32)  : i32 {
      %mul3A = arith.constant 16 : i32
      %mul3A_38 = arith.muli %scan3A_36, %mul3A : i32
      %add3A_39 = vector.broadcast %mul3A_38 : i32 to vector<16xi32>
      %add3A_40 = arith.addi %add3A_39, %iota3A : vector<16xi32>
      %mul3A_41 = arith.constant 16 : i32
      %mul3A_42 = vector.broadcast %mul3A_41 : i32 to vector<16xi32>
      %mul3A_43 = arith.muli %add3A_40, %mul3A_42 : vector<16xi32>
      %add3A_44 = vector.broadcast %arg1 : i32 to vector<16xi32>
      %add3A_45 = arith.addi %mul3A_43, %add3A_44 : vector<16xi32>
      %sub3A_46 = arith.constant 1 : i32
      %sub3A_47 = arith.subi %scan3A, %sub3A_46 : i32
      %min3A = vector.broadcast %sub3A_47 : i32 to vector<16xi32>
      %min3A_48 = arith.minsi %add3A_45, %min3A : vector<16xi32>
      %mul3A_49 = arith.constant 16 : i32
      %mul3A_50 = arith.muli %scan3A_36, %mul3A_49 : i32
      %swap3A = arith.index_cast %mul3A_50 : i32 to index
      %swap3A_51 = tpu.vector_load %arg13[%swap3A] {strides = array<i32>} : memref<1280xi32, #tpu.memory_space<vmem>>, vector<16xi32>,
      tpu.vector_store %arg13[%swap3A], %min3A_48 {strides = array<i32>} : memref<1280xi32, #tpu.memory_space<vmem>>, vector<16xi32>,
      %scan3A_52 = arith.constant 0 : i32
      scf.yield %scan3A_52 : i32
    }
    %scan3A_7 = arith.constant 79 : i32
    %sub3A = arith.constant 20000 : i32
    %sub3A_8 = arith.subi %sub3A, %arg1 : i32
    %max3A = arith.constant 0 : i32
    %max3A_9 = arith.maxsi %sub3A_8, %max3A : i32
    %add3A = arith.constant 15 : i32
    %add3A_10 = arith.addi %max3A_9, %add3A : i32
    %jit3A = arith.constant 16 : i32
    %div3A = arith.divsi %add3A_10, %jit3A : i32
    %sign3A = arith.constant 0 : i32
    %sign3A_11 = arith.cmpi sgt, %add3A_10, %sign3A : i32
    %sign3A_12 = arith.extui %sign3A_11 : i1 to i32
    %sign3A_13 = arith.constant 0 : i32
    %sign3A_14 = arith.cmpi slt, %add3A_10, %sign3A_13 : i32
    %sign3A_15 = arith.extui %sign3A_14 : i1 to i32
    %sign3A_16 = arith.subi %sign3A_12, %sign3A_15 : i32
    %sign3A_17 = arith.constant 0 : i32
    %sign3A_18 = arith.cmpi sgt, %jit3A, %sign3A_17 : i32
    %sign3A_19 = arith.extui %sign3A_18 : i1 to i32
    %sign3A_20 = arith.constant 0 : i32
    %sign3A_21 = arith.cmpi slt, %jit3A, %sign3A_20 : i32
    %sign3A_22 = arith.extui %sign3A_21 : i1 to i32
    %sign3A_23 = arith.subi %sign3A_19, %sign3A_22 : i32
    %ne3A = arith.cmpi ne, %sign3A_16, %sign3A_23 : i32
    %rem3A = arith.remsi %add3A_10, %jit3A : i32
    %ne3A_24 = arith.constant 0 : i32
    %ne3A_25 = arith.cmpi ne, %rem3A, %ne3A_24 : i32
    %and3A = arith.andi %ne3A, %ne3A_25 : i1
    %sub3A_26 = arith.constant 1 : i32
    %sub3A_27 = arith.subi %div3A, %sub3A_26 : i32
    %select_n3A = arith.select %and3A, %sub3A_27, %div3A : i32
    %scan3A_28 = arith.constant 20224 : i32
    %scan3A_29 = arith.constant 0 : i32
    %scan3A_30 = arith.constant 0 : i32
    %scan3A_31 = arith.constant 313 : i32
    %scan3A_32 = arith.addi %scan3A_30, %scan3A_31 : i32
    %scan3A_33 = arith.constant 1 : i32
    %scan3A_34:2 = scf.for %scan3A_36 = %scan3A_30 to %scan3A_32 step %scan3A_33 iter_args(%scan3A_37 = %select_n3A, %scan3A_38 = %scan3A_29) -> (i32, i32)  : i32 {
      %eq3A = arith.constant 1 : i32
      %eq3A_39 = arith.cmpi eq, %scan3A_38, %eq3A : i32
      %convert_element_type3A = arith.extui %eq3A_39 : i1 to i32
      %cond3A = arith.constant 0 : i32
      %cond3A_40 = arith.cmpi ne, %convert_element_type3A, %cond3A : i32
      %cond3A_41:2 = scf.if %cond3A_40 -> (i32, i32) {
        scf.yield %scan3A_37, %scan3A_38 : i32, i32
      } else {
        %scan3A_42 = arith.constant 0 : i32
        %scan3A_43 = arith.constant 64 : i32
        %scan3A_44 = arith.addi %scan3A_42, %scan3A_43 : i32
        %scan3A_45 = arith.constant 1 : i32
        %scan3A_46:2 = scf.for %scan3A_48 = %scan3A_42 to %scan3A_44 step %scan3A_45 iter_args(%scan3A_49 = %scan3A_37, %scan3A_50 = %scan3A_38) -> (i32, i32)  : i32 {
          %eq3A_51 = arith.constant 1 : i32
          %eq3A_52 = arith.cmpi eq, %scan3A_50, %eq3A_51 : i32
          %convert_element_type3A_53 = arith.extui %eq3A_52 : i1 to i32
          %cond3A_54 = arith.constant 0 : i32
          %cond3A_55 = arith.cmpi ne, %convert_element_type3A_53, %cond3A_54 : i32
          %cond3A_56:2 = scf.if %cond3A_55 -> (i32, i32) {
            %cond3A_57 = arith.constant 1 : i32
            scf.yield %scan3A_49, %cond3A_57 : i32, i32
          } else {
            %jit3A_57 = arith.constant 2 : i32
            %eq3A_58 = arith.constant 0 : i32
            %eq3A_59 = arith.cmpi eq, %jit3A_57, %eq3A_58 : i32
            %jit3A_60 = arith.constant 1 : i32
            %select_n3A_61 = arith.select %eq3A_59, %jit3A_60, %jit3A_57 : i32
            %rem3A_62 = arith.remsi %scan3A_48, %select_n3A_61 : i32
            %ne3A_63 = arith.constant 0 : i32
            %ne3A_64 = arith.cmpi ne, %rem3A_62, %ne3A_63 : i32
            %lt3A = arith.constant 0 : i32
            %lt3A_65 = arith.cmpi slt, %rem3A_62, %lt3A : i32
            %lt3A_66 = arith.constant 0 : i32
            %lt3A_67 = arith.cmpi slt, %select_n3A_61, %lt3A_66 : i32
            %ne3A_68 = arith.xori %lt3A_65, %lt3A_67 : i1
            %and3A_69 = arith.andi %ne3A_68, %ne3A_64 : i1
            %add3A_70 = arith.addi %rem3A_62, %select_n3A_61 : i32
            %select_n3A_71 = arith.select %and3A_69, %add3A_70, %rem3A_62 : i32
            %get3A = arith.constant 0 : index
            %get3A_72 = tpu.vector_load %arg13[%get3A] {strides = array<i32>} : memref<1280xi32, #tpu.memory_space<vmem>>, vector<16xi32>,
            %gt3A = arith.constant 0 : i32
            %gt3A_73 = arith.cmpi sgt, %scan3A_49, %gt3A : i32
            %slice3A = vector.extract_strided_slice %get3A_72 {offsets = [0], sizes = [1], strides = [1]} : vector<16xi32> to vector<1xi32>
            %squeeze3A = vector.extract %slice3A[0] : i32 from vector<1xi32>
            %select_n3A_74 = arith.select %gt3A_73, %squeeze3A, %scan3A_28 : i32
            %gt3A_75 = arith.constant 1 : i32
            %gt3A_76 = arith.cmpi sgt, %scan3A_49, %gt3A_75 : i32
            %slice3A_77 = vector.extract_strided_slice %get3A_72 {offsets = [1], sizes = [1], strides = [1]} : vector<16xi32> to vector<1xi32>
            %squeeze3A_78 = vector.extract %slice3A_77[0] : i32 from vector<1xi32>
            %select_n3A_79 = arith.select %gt3A_76, %squeeze3A_78, %scan3A_28 : i32
            %broadcast_in_dim3A_80 = vector.broadcast %select_n3A_74 : i32 to vector<16xi32>
            %swap3A = arith.constant 0 : index
            %swap3A_81 = tpu.vector_load %arg14[%swap3A] {strides = array<i32>} : memref<32xi32, #tpu.memory_space<vmem>>, vector<16xi32>,
            tpu.vector_store %arg14[%swap3A], %broadcast_in_dim3A_80 {strides = array<i32>} : memref<32xi32, #tpu.memory_space<vmem>>, vector<16xi32>,
            %broadcast_in_dim3A_82 = vector.broadcast %select_n3A_79 : i32 to vector<16xi32>
            %swap3A_83 = arith.constant 16 : index
            %swap3A_84 = tpu.vector_load %arg14[%swap3A_83] {strides = array<i32>} : memref<32xi32, #tpu.memory_space<vmem>>, vector<16xi32>,
            tpu.vector_store %arg14[%swap3A_83], %broadcast_in_dim3A_82 {strides = array<i32>} : memref<32xi32, #tpu.memory_space<vmem>>, vector<16xi32>,
            %mul3A = arith.constant 16 : i32
            %mul3A_85 = arith.muli %select_n3A_71, %mul3A : i32
            %add3A_86 = arith.addi %mul3A_85, %arg1 : i32
            %mul3A_87 = arith.constant 32 : i32
            %mul3A_88 = arith.muli %add3A_86, %mul3A_87 : i32
            "tpu.region"() ({
              %run_scoped3A = tpu.sem_alloc : memref<!tpu.dma_semaphore, #tpu.memory_space<semaphore_mem>>
              %dma_start3A = tpu.memref_slice %arg17[%mul3A_88] : memref<1024xi32, #tpu.memory_space<vmem_shared>> -> memref<32xi32, #tpu.memory_space<vmem_shared>>
              %dma_start3A_755 = tpu.memref_slice %arg17[%mul3A_88] : memref<1024xi32, #tpu.memory_space<vmem_shared>> -> memref<32xi32, #tpu.memory_space<vmem_shared>>
              tpu.enqueue_dma source(%arg14 : memref<32xi32, #tpu.memory_space<vmem>>) target(%dma_start3A_755 : memref<32xi32, #tpu.memory_space<vmem_shared>>) target_semaphore(%run_scoped3A : memref<!tpu.dma_semaphore, #tpu.memory_space<semaphore_mem>>)
              %dma_wait3A = tpu.memref_slice %arg17[%mul3A_88] : memref<1024xi32, #tpu.memory_space<vmem_shared>> -> memref<32xi32, #tpu.memory_space<vmem_shared>>
              %dma_wait3A_756 = tpu.memref_slice %arg17[%mul3A_88] : memref<1024xi32, #tpu.memory_space<vmem_shared>> -> memref<32xi32, #tpu.memory_space<vmem_shared>>
              tpu.wait_dma2 semaphore(%run_scoped3A : memref<!tpu.dma_semaphore, #tpu.memory_space<semaphore_mem>>) src(%arg14 : memref<32xi32, #tpu.memory_space<vmem>>) dst(%dma_wait3A_756 : memref<32xi32, #tpu.memory_space<vmem_shared>>)
              tpu.yield
            }) : () -> ()
            %barrier3A = arith.constant 0 : index
            tpu.barrier barrier_id(%barrier3A)
            %mul3A_89 = arith.constant 16 : i32
            %mul3A_90 = arith.muli %select_n3A_71, %mul3A_89 : i32
            %mul3A_91 = arith.constant 2 : i32
            %mul3A_92 = arith.muli %mul3A_90, %mul3A_91 : i32
            %mul3A_93 = arith.constant 16 : i32
            %mul3A_94 = arith.muli %mul3A_92, %mul3A_93 : i32
            "tpu.region"() ({
              %run_scoped3A = tpu.sem_alloc : memref<!tpu.dma_semaphore, #tpu.memory_space<semaphore_mem>>
              %dma_start3A = tpu.memref_slice %arg17[%mul3A_94] : memref<1024xi32, #tpu.memory_space<vmem_shared>> -> memref<512xi32, #tpu.memory_space<vmem_shared>>
              %dma_start3A_755 = tpu.memref_slice %arg17[%mul3A_94] : memref<1024xi32, #tpu.memory_space<vmem_shared>> -> memref<512xi32, #tpu.memory_space<vmem_shared>>
              tpu.enqueue_dma source(%dma_start3A_755 : memref<512xi32, #tpu.memory_space<vmem_shared>>) target(%arg15 : memref<512xi32, #tpu.memory_space<vmem>>) target_semaphore(%run_scoped3A : memref<!tpu.dma_semaphore, #tpu.memory_space<semaphore_mem>>)
              %dma_wait3A = tpu.memref_slice %arg17[%mul3A_94] : memref<1024xi32, #tpu.memory_space<vmem_shared>> -> memref<512xi32, #tpu.memory_space<vmem_shared>>
              %dma_wait3A_756 = tpu.memref_slice %arg17[%mul3A_94] : memref<1024xi32, #tpu.memory_space<vmem_shared>> -> memref<512xi32, #tpu.memory_space<vmem_shared>>
              tpu.wait_dma2 semaphore(%run_scoped3A : memref<!tpu.dma_semaphore, #tpu.memory_space<semaphore_mem>>) src(%dma_wait3A_756 : memref<512xi32, #tpu.memory_space<vmem_shared>>) dst(%arg15 : memref<512xi32, #tpu.memory_space<vmem>>)
              tpu.yield
            }) : () -> ()
            %broadcast_in_dim3A_95 = vector.broadcast %scan3A_28 : i32 to vector<16xi32>
            %broadcast_in_dim3A_96 = vector.broadcast %scan3A_28 : i32 to vector<16xi32>
            %eq3A_97 = arith.constant 0 : i32
            %eq3A_98 = vector.broadcast %eq3A_97 : i32 to vector<16xi32>
            %eq3A_99 = arith.cmpi eq, %iota3A, %eq3A_98 : vector<16xi32>
            %get3A_100 = arith.constant 0 : index
            %get3A_101 = tpu.vector_load %arg15[%get3A_100] {strides = array<i32>} : memref<512xi32, #tpu.memory_space<vmem>>, vector<16xi32>,
            %select_n3A_102 = arith.select %eq3A_99, %get3A_101, %broadcast_in_dim3A_95 : vector<16xi1>, vector<16xi32>
            %get3A_103 = arith.constant 16 : index
            %get3A_104 = tpu.vector_load %arg15[%get3A_103] {strides = array<i32>} : memref<512xi32, #tpu.memory_space<vmem>>, vector<16xi32>,
            %select_n3A_105 = arith.select %eq3A_99, %get3A_104, %broadcast_in_dim3A_96 : vector<16xi1>, vector<16xi32>
            %eq3A_106 = arith.constant 1 : i32
            %eq3A_107 = vector.broadcast %eq3A_106 : i32 to vector<16xi32>
            %eq3A_108 = arith.cmpi eq, %iota3A, %eq3A_107 : vector<16xi32>
            %get3A_109 = arith.constant 32 : index
            %get3A_110 = tpu.vector_load %arg15[%get3A_109] {strides = array<i32>} : memref<512xi32, #tpu.memory_space<vmem>>, vector<16xi32>,
            %select_n3A_111 = arith.select %eq3A_108, %get3A_110, %select_n3A_102 : vector<16xi1>, vector<16xi32>
            %get3A_112 = arith.constant 48 : index
            %get3A_113 = tpu.vector_load %arg15[%get3A_112] {strides = array<i32>} : memref<512xi32, #tpu.memory_space<vmem>>, vector<16xi32>,
            %select_n3A_114 = arith.select %eq3A_108, %get3A_113, %select_n3A_105 : vector<16xi1>, vector<16xi32>
            %eq3A_115 = arith.constant 2 : i32
            %eq3A_116 = vector.broadcast %eq3A_115 : i32 to vector<16xi32>
            %eq3A_117 = arith.cmpi eq, %iota3A, %eq3A_116 : vector<16xi32>
            %get3A_118 = arith.constant 64 : index
            %get3A_119 = tpu.vector_load %arg15[%get3A_118] {strides = array<i32>} : memref<512xi32, #tpu.memory_space<vmem>>, vector<16xi32>,
            %select_n3A_120 = arith.select %eq3A_117, %get3A_119, %select_n3A_111 : vector<16xi1>, vector<16xi32>
            %get3A_121 = arith.constant 80 : index
            %get3A_122 = tpu.vector_load %arg15[%get3A_121] {strides = array<i32>} : memref<512xi32, #tpu.memory_space<vmem>>, vector<16xi32>,
            %select_n3A_123 = arith.select %eq3A_117, %get3A_122, %select_n3A_114 : vector<16xi1>, vector<16xi32>
            %eq3A_124 = arith.constant 3 : i32
            %eq3A_125 = vector.broadcast %eq3A_124 : i32 to vector<16xi32>
            %eq3A_126 = arith.cmpi eq, %iota3A, %eq3A_125 : vector<16xi32>
            %get3A_127 = arith.constant 96 : index
            %get3A_128 = tpu.vector_load %arg15[%get3A_127] {strides = array<i32>} : memref<512xi32, #tpu.memory_space<vmem>>, vector<16xi32>,
            %select_n3A_129 = arith.select %eq3A_126, %get3A_128, %select_n3A_120 : vector<16xi1>, vector<16xi32>
            %get3A_130 = arith.constant 112 : index
            %get3A_131 = tpu.vector_load %arg15[%get3A_130] {strides = array<i32>} : memref<512xi32, #tpu.memory_space<vmem>>, vector<16xi32>,
            %select_n3A_132 = arith.select %eq3A_126, %get3A_131, %select_n3A_123 : vector<16xi1>, vector<16xi32>
            %eq3A_133 = arith.constant 4 : i32
            %eq3A_134 = vector.broadcast %eq3A_133 : i32 to vector<16xi32>
            %eq3A_135 = arith.cmpi eq, %iota3A, %eq3A_134 : vector<16xi32>
            %get3A_136 = arith.constant 128 : index
            %get3A_137 = tpu.vector_load %arg15[%get3A_136] {strides = array<i32>} : memref<512xi32, #tpu.memory_space<vmem>>, vector<16xi32>,
            %select_n3A_138 = arith.select %eq3A_135, %get3A_137, %select_n3A_129 : vector<16xi1>, vector<16xi32>
            %get3A_139 = arith.constant 144 : index
            %get3A_140 = tpu.vector_load %arg15[%get3A_139] {strides = array<i32>} : memref<512xi32, #tpu.memory_space<vmem>>, vector<16xi32>,
            %select_n3A_141 = arith.select %eq3A_135, %get3A_140, %select_n3A_132 : vector<16xi1>, vector<16xi32>
            %eq3A_142 = arith.constant 5 : i32
            %eq3A_143 = vector.broadcast %eq3A_142 : i32 to vector<16xi32>
            %eq3A_144 = arith.cmpi eq, %iota3A, %eq3A_143 : vector<16xi32>
            %get3A_145 = arith.constant 160 : index
            %get3A_146 = tpu.vector_load %arg15[%get3A_145] {strides = array<i32>} : memref<512xi32, #tpu.memory_space<vmem>>, vector<16xi32>,
            %select_n3A_147 = arith.select %eq3A_144, %get3A_146, %select_n3A_138 : vector<16xi1>, vector<16xi32>
            %get3A_148 = arith.constant 176 : index
            %get3A_149 = tpu.vector_load %arg15[%get3A_148] {strides = array<i32>} : memref<512xi32, #tpu.memory_space<vmem>>, vector<16xi32>,
            %select_n3A_150 = arith.select %eq3A_144, %get3A_149, %select_n3A_141 : vector<16xi1>, vector<16xi32>
            %eq3A_151 = arith.constant 6 : i32
            %eq3A_152 = vector.broadcast %eq3A_151 : i32 to vector<16xi32>
            %eq3A_153 = arith.cmpi eq, %iota3A, %eq3A_152 : vector<16xi32>
            %get3A_154 = arith.constant 192 : index
            %get3A_155 = tpu.vector_load %arg15[%get3A_154] {strides = array<i32>} : memref<512xi32, #tpu.memory_space<vmem>>, vector<16xi32>,
            %select_n3A_156 = arith.select %eq3A_153, %get3A_155, %select_n3A_147 : vector<16xi1>, vector<16xi32>
            %get3A_157 = arith.constant 208 : index
            %get3A_158 = tpu.vector_load %arg15[%get3A_157] {strides = array<i32>} : memref<512xi32, #tpu.memory_space<vmem>>, vector<16xi32>,
            %select_n3A_159 = arith.select %eq3A_153, %get3A_158, %select_n3A_150 : vector<16xi1>, vector<16xi32>
            %eq3A_160 = arith.constant 7 : i32
            %eq3A_161 = vector.broadcast %eq3A_160 : i32 to vector<16xi32>
            %eq3A_162 = arith.cmpi eq, %iota3A, %eq3A_161 : vector<16xi32>
            %get3A_163 = arith.constant 224 : index
            %get3A_164 = tpu.vector_load %arg15[%get3A_163] {strides = array<i32>} : memref<512xi32, #tpu.memory_space<vmem>>, vector<16xi32>,
            %select_n3A_165 = arith.select %eq3A_162, %get3A_164, %select_n3A_156 : vector<16xi1>, vector<16xi32>
            %get3A_166 = arith.constant 240 : index
            %get3A_167 = tpu.vector_load %arg15[%get3A_166] {strides = array<i32>} : memref<512xi32, #tpu.memory_space<vmem>>, vector<16xi32>,
            %select_n3A_168 = arith.select %eq3A_162, %get3A_167, %select_n3A_159 : vector<16xi1>, vector<16xi32>
            %eq3A_169 = arith.constant 8 : i32
            %eq3A_170 = vector.broadcast %eq3A_169 : i32 to vector<16xi32>
            %eq3A_171 = arith.cmpi eq, %iota3A, %eq3A_170 : vector<16xi32>
            %get3A_172 = arith.constant 256 : index
            %get3A_173 = tpu.vector_load %arg15[%get3A_172] {strides = array<i32>} : memref<512xi32, #tpu.memory_space<vmem>>, vector<16xi32>,
            %select_n3A_174 = arith.select %eq3A_171, %get3A_173, %select_n3A_165 : vector<16xi1>, vector<16xi32>
            %get3A_175 = arith.constant 272 : index
            %get3A_176 = tpu.vector_load %arg15[%get3A_175] {strides = array<i32>} : memref<512xi32, #tpu.memory_space<vmem>>, vector<16xi32>,
            %select_n3A_177 = arith.select %eq3A_171, %get3A_176, %select_n3A_168 : vector<16xi1>, vector<16xi32>
            %eq3A_178 = arith.constant 9 : i32
            %eq3A_179 = vector.broadcast %eq3A_178 : i32 to vector<16xi32>
            %eq3A_180 = arith.cmpi eq, %iota3A, %eq3A_179 : vector<16xi32>
            %get3A_181 = arith.constant 288 : index
            %get3A_182 = tpu.vector_load %arg15[%get3A_181] {strides = array<i32>} : memref<512xi32, #tpu.memory_space<vmem>>, vector<16xi32>,
            %select_n3A_183 = arith.select %eq3A_180, %get3A_182, %select_n3A_174 : vector<16xi1>, vector<16xi32>
            %get3A_184 = arith.constant 304 : index
            %get3A_185 = tpu.vector_load %arg15[%get3A_184] {strides = array<i32>} : memref<512xi32, #tpu.memory_space<vmem>>, vector<16xi32>,
            %select_n3A_186 = arith.select %eq3A_180, %get3A_185, %select_n3A_177 : vector<16xi1>, vector<16xi32>
            %eq3A_187 = arith.constant 10 : i32
            %eq3A_188 = vector.broadcast %eq3A_187 : i32 to vector<16xi32>
            %eq3A_189 = arith.cmpi eq, %iota3A, %eq3A_188 : vector<16xi32>
            %get3A_190 = arith.constant 320 : index
            %get3A_191 = tpu.vector_load %arg15[%get3A_190] {strides = array<i32>} : memref<512xi32, #tpu.memory_space<vmem>>, vector<16xi32>,
            %select_n3A_192 = arith.select %eq3A_189, %get3A_191, %select_n3A_183 : vector<16xi1>, vector<16xi32>
            %get3A_193 = arith.constant 336 : index
            %get3A_194 = tpu.vector_load %arg15[%get3A_193] {strides = array<i32>} : memref<512xi32, #tpu.memory_space<vmem>>, vector<16xi32>,
            %select_n3A_195 = arith.select %eq3A_189, %get3A_194, %select_n3A_186 : vector<16xi1>, vector<16xi32>
            %eq3A_196 = arith.constant 11 : i32
            %eq3A_197 = vector.broadcast %eq3A_196 : i32 to vector<16xi32>
            %eq3A_198 = arith.cmpi eq, %iota3A, %eq3A_197 : vector<16xi32>
            %get3A_199 = arith.constant 352 : index
            %get3A_200 = tpu.vector_load %arg15[%get3A_199] {strides = array<i32>} : memref<512xi32, #tpu.memory_space<vmem>>, vector<16xi32>,
            %select_n3A_201 = arith.select %eq3A_198, %get3A_200, %select_n3A_192 : vector<16xi1>, vector<16xi32>
            %get3A_202 = arith.constant 368 : index
            %get3A_203 = tpu.vector_load %arg15[%get3A_202] {strides = array<i32>} : memref<512xi32, #tpu.memory_space<vmem>>, vector<16xi32>,
            %select_n3A_204 = arith.select %eq3A_198, %get3A_203, %select_n3A_195 : vector<16xi1>, vector<16xi32>
            %eq3A_205 = arith.constant 12 : i32
            %eq3A_206 = vector.broadcast %eq3A_205 : i32 to vector<16xi32>
            %eq3A_207 = arith.cmpi eq, %iota3A, %eq3A_206 : vector<16xi32>
            %get3A_208 = arith.constant 384 : index
            %get3A_209 = tpu.vector_load %arg15[%get3A_208] {strides = array<i32>} : memref<512xi32, #tpu.memory_space<vmem>>, vector<16xi32>,
            %select_n3A_210 = arith.select %eq3A_207, %get3A_209, %select_n3A_201 : vector<16xi1>, vector<16xi32>
            %get3A_211 = arith.constant 400 : index
            %get3A_212 = tpu.vector_load %arg15[%get3A_211] {strides = array<i32>} : memref<512xi32, #tpu.memory_space<vmem>>, vector<16xi32>,
            %select_n3A_213 = arith.select %eq3A_207, %get3A_212, %select_n3A_204 : vector<16xi1>, vector<16xi32>
            %eq3A_214 = arith.constant 13 : i32
            %eq3A_215 = vector.broadcast %eq3A_214 : i32 to vector<16xi32>
            %eq3A_216 = arith.cmpi eq, %iota3A, %eq3A_215 : vector<16xi32>
            %get3A_217 = arith.constant 416 : index
            %get3A_218 = tpu.vector_load %arg15[%get3A_217] {strides = array<i32>} : memref<512xi32, #tpu.memory_space<vmem>>, vector<16xi32>,
            %select_n3A_219 = arith.select %eq3A_216, %get3A_218, %select_n3A_210 : vector<16xi1>, vector<16xi32>
            %get3A_220 = arith.constant 432 : index
            %get3A_221 = tpu.vector_load %arg15[%get3A_220] {strides = array<i32>} : memref<512xi32, #tpu.memory_space<vmem>>, vector<16xi32>,
            %select_n3A_222 = arith.select %eq3A_216, %get3A_221, %select_n3A_213 : vector<16xi1>, vector<16xi32>
            %eq3A_223 = arith.constant 14 : i32
            %eq3A_224 = vector.broadcast %eq3A_223 : i32 to vector<16xi32>
            %eq3A_225 = arith.cmpi eq, %iota3A, %eq3A_224 : vector<16xi32>
            %get3A_226 = arith.constant 448 : index
            %get3A_227 = tpu.vector_load %arg15[%get3A_226] {strides = array<i32>} : memref<512xi32, #tpu.memory_space<vmem>>, vector<16xi32>,
            %select_n3A_228 = arith.select %eq3A_225, %get3A_227, %select_n3A_219 : vector<16xi1>, vector<16xi32>
            %get3A_229 = arith.constant 464 : index
            %get3A_230 = tpu.vector_load %arg15[%get3A_229] {strides = array<i32>} : memref<512xi32, #tpu.memory_space<vmem>>, vector<16xi32>,
            %select_n3A_231 = arith.select %eq3A_225, %get3A_230, %select_n3A_222 : vector<16xi1>, vector<16xi32>
            %eq3A_232 = arith.constant 15 : i32
            %eq3A_233 = vector.broadcast %eq3A_232 : i32 to vector<16xi32>
            %eq3A_234 = arith.cmpi eq, %iota3A, %eq3A_233 : vector<16xi32>
            %get3A_235 = arith.constant 480 : index
            %get3A_236 = tpu.vector_load %arg15[%get3A_235] {strides = array<i32>} : memref<512xi32, #tpu.memory_space<vmem>>, vector<16xi32>,
            %select_n3A_237 = arith.select %eq3A_234, %get3A_236, %select_n3A_228 : vector<16xi1>, vector<16xi32>
            %get3A_238 = arith.constant 496 : index
            %get3A_239 = tpu.vector_load %arg15[%get3A_238] {strides = array<i32>} : memref<512xi32, #tpu.memory_space<vmem>>, vector<16xi32>,
            %select_n3A_240 = arith.select %eq3A_234, %get3A_239, %select_n3A_231 : vector<16xi1>, vector<16xi32>
            %xor3A = arith.constant 8 : i32
            %xor3A_241 = vector.broadcast %xor3A : i32 to vector<16xi32>
            %xor3A_242 = arith.xori %iota3A, %xor3A_241 : vector<16xi32>
            %lt3A_243 = arith.constant 0 : i32
            %lt3A_244 = vector.broadcast %lt3A_243 : i32 to vector<16xi32>
            %lt3A_245 = arith.cmpi slt, %xor3A_242, %lt3A_244 : vector<16xi32>
            %add3A_246 = arith.constant 16 : i32
            %add3A_247 = vector.broadcast %add3A_246 : i32 to vector<16xi32>
            %add3A_248 = arith.addi %xor3A_242, %add3A_247 : vector<16xi32>
            %select_n3A_249 = arith.select %lt3A_245, %add3A_248, %xor3A_242 : vector<16xi1>, vector<16xi32>
            %broadcast_in_dim3A_250 = vector.shape_cast %select_n3A_249 : vector<16xi32> to vector<16x1xi32>
            %gather3A = vector.shape_cast %broadcast_in_dim3A_250 : vector<16x1xi32> to vector<16xi32>
            %gather3A_251 = tpu.dynamic_gather %select_n3A_240[%gather3A] in [0] : vector<16xi32>, vector<16xi32> -> vector<16xi32>
            %min3A = arith.minsi %select_n3A_240, %gather3A_251 : vector<16xi32>
            %xor3A_252 = arith.constant 4 : i32
            %xor3A_253 = vector.broadcast %xor3A_252 : i32 to vector<16xi32>
            %xor3A_254 = arith.xori %iota3A, %xor3A_253 : vector<16xi32>
            %lt3A_255 = arith.constant 0 : i32
            %lt3A_256 = vector.broadcast %lt3A_255 : i32 to vector<16xi32>
            %lt3A_257 = arith.cmpi slt, %xor3A_254, %lt3A_256 : vector<16xi32>
            %add3A_258 = arith.constant 16 : i32
            %add3A_259 = vector.broadcast %add3A_258 : i32 to vector<16xi32>
            %add3A_260 = arith.addi %xor3A_254, %add3A_259 : vector<16xi32>
            %select_n3A_261 = arith.select %lt3A_257, %add3A_260, %xor3A_254 : vector<16xi1>, vector<16xi32>
            %broadcast_in_dim3A_262 = vector.shape_cast %select_n3A_261 : vector<16xi32> to vector<16x1xi32>
            %gather3A_263 = vector.shape_cast %broadcast_in_dim3A_262 : vector<16x1xi32> to vector<16xi32>
            %gather3A_264 = tpu.dynamic_gather %min3A[%gather3A_263] in [0] : vector<16xi32>, vector<16xi32> -> vector<16xi32>
            %min3A_265 = arith.minsi %min3A, %gather3A_264 : vector<16xi32>
            %xor3A_266 = arith.constant 2 : i32
            %xor3A_267 = vector.broadcast %xor3A_266 : i32 to vector<16xi32>
            %xor3A_268 = arith.xori %iota3A, %xor3A_267 : vector<16xi32>
            %lt3A_269 = arith.constant 0 : i32
            %lt3A_270 = vector.broadcast %lt3A_269 : i32 to vector<16xi32>
            %lt3A_271 = arith.cmpi slt, %xor3A_268, %lt3A_270 : vector<16xi32>
            %add3A_272 = arith.constant 16 : i32
            %add3A_273 = vector.broadcast %add3A_272 : i32 to vector<16xi32>
            %add3A_274 = arith.addi %xor3A_268, %add3A_273 : vector<16xi32>
            %select_n3A_275 = arith.select %lt3A_271, %add3A_274, %xor3A_268 : vector<16xi1>, vector<16xi32>
            %broadcast_in_dim3A_276 = vector.shape_cast %select_n3A_275 : vector<16xi32> to vector<16x1xi32>
            %gather3A_277 = vector.shape_cast %broadcast_in_dim3A_276 : vector<16x1xi32> to vector<16xi32>
            %gather3A_278 = tpu.dynamic_gather %min3A_265[%gather3A_277] in [0] : vector<16xi32>, vector<16xi32> -> vector<16xi32>
            %min3A_279 = arith.minsi %min3A_265, %gather3A_278 : vector<16xi32>
            %xor3A_280 = arith.constant 1 : i32
            %xor3A_281 = vector.broadcast %xor3A_280 : i32 to vector<16xi32>
            %xor3A_282 = arith.xori %iota3A, %xor3A_281 : vector<16xi32>
            %lt3A_283 = arith.constant 0 : i32
            %lt3A_284 = vector.broadcast %lt3A_283 : i32 to vector<16xi32>
            %lt3A_285 = arith.cmpi slt, %xor3A_282, %lt3A_284 : vector<16xi32>
            %add3A_286 = arith.constant 16 : i32
            %add3A_287 = vector.broadcast %add3A_286 : i32 to vector<16xi32>
            %add3A_288 = arith.addi %xor3A_282, %add3A_287 : vector<16xi32>
            %select_n3A_289 = arith.select %lt3A_285, %add3A_288, %xor3A_282 : vector<16xi1>, vector<16xi32>
            %broadcast_in_dim3A_290 = vector.shape_cast %select_n3A_289 : vector<16xi32> to vector<16x1xi32>
            %gather3A_291 = vector.shape_cast %broadcast_in_dim3A_290 : vector<16x1xi32> to vector<16xi32>
            %gather3A_292 = tpu.dynamic_gather %min3A_279[%gather3A_291] in [0] : vector<16xi32>, vector<16xi32> -> vector<16xi32>
            %min3A_293 = arith.minsi %min3A_279, %gather3A_292 : vector<16xi32>
            %slice3A_294 = vector.extract_strided_slice %min3A_293 {offsets = [0], sizes = [1], strides = [1]} : vector<16xi32> to vector<1xi32>
            %squeeze3A_295 = vector.extract %slice3A_294[0] : i32 from vector<1xi32>
            %broadcast_in_dim3A_296 = vector.broadcast %squeeze3A_295 : i32 to vector<16xi32>
            %xor3A_297 = arith.constant 1 : i32
            %xor3A_298 = vector.broadcast %xor3A_297 : i32 to vector<16xi32>
            %xor3A_299 = arith.xori %iota3A, %xor3A_298 : vector<16xi32>
            %lt3A_300 = arith.constant 0 : i32
            %lt3A_301 = vector.broadcast %lt3A_300 : i32 to vector<16xi32>
            %lt3A_302 = arith.cmpi slt, %xor3A_299, %lt3A_301 : vector<16xi32>
            %add3A_303 = arith.constant 16 : i32
            %add3A_304 = vector.broadcast %add3A_303 : i32 to vector<16xi32>
            %add3A_305 = arith.addi %xor3A_299, %add3A_304 : vector<16xi32>
            %select_n3A_306 = arith.select %lt3A_302, %add3A_305, %xor3A_299 : vector<16xi1>, vector<16xi32>
            %broadcast_in_dim3A_307 = vector.shape_cast %select_n3A_306 : vector<16xi32> to vector<16x1xi32>
            %gather3A_308 = vector.shape_cast %broadcast_in_dim3A_307 : vector<16x1xi32> to vector<16xi32>
            %gather3A_309 = tpu.dynamic_gather %select_n3A_237[%gather3A_308] in [0] : vector<16xi32>, vector<16xi32> -> vector<16xi32>
            %and3A_310 = arith.constant 1 : i32
            %and3A_311 = vector.broadcast %and3A_310 : i32 to vector<16xi32>
            %and3A_312 = arith.andi %iota3A, %and3A_311 : vector<16xi32>
            %eq3A_313 = arith.constant 0 : i32
            %eq3A_314 = vector.broadcast %eq3A_313 : i32 to vector<16xi32>
            %eq3A_315 = arith.cmpi eq, %and3A_312, %eq3A_314 : vector<16xi32>
            %and3A_316 = arith.constant 2 : i32
            %and3A_317 = vector.broadcast %and3A_316 : i32 to vector<16xi32>
            %and3A_318 = arith.andi %iota3A, %and3A_317 : vector<16xi32>
            %eq3A_319 = arith.constant 0 : i32
            %eq3A_320 = vector.broadcast %eq3A_319 : i32 to vector<16xi32>
            %eq3A_321 = arith.cmpi eq, %and3A_318, %eq3A_320 : vector<16xi32>
            %eq3A_322 = arith.xori %eq3A_315, %eq3A_321 : vector<16xi1>
            %eq3A_323 = arith.constant dense<true> : vector<16xi1>
            %eq3A_324 = arith.xori %eq3A_322, %eq3A_323 : vector<16xi1>
            %min3A_325 = arith.minsi %select_n3A_237, %gather3A_309 : vector<16xi32>
            %max3A_326 = arith.maxsi %select_n3A_237, %gather3A_309 : vector<16xi32>
            %select_n3A_327 = arith.select %eq3A_324, %min3A_325, %max3A_326 : vector<16xi1>, vector<16xi32>
            %xor3A_328 = arith.constant 2 : i32
            %xor3A_329 = vector.broadcast %xor3A_328 : i32 to vector<16xi32>
            %xor3A_330 = arith.xori %iota3A, %xor3A_329 : vector<16xi32>
            %lt3A_331 = arith.constant 0 : i32
            %lt3A_332 = vector.broadcast %lt3A_331 : i32 to vector<16xi32>
            %lt3A_333 = arith.cmpi slt, %xor3A_330, %lt3A_332 : vector<16xi32>
            %add3A_334 = arith.constant 16 : i32
            %add3A_335 = vector.broadcast %add3A_334 : i32 to vector<16xi32>
            %add3A_336 = arith.addi %xor3A_330, %add3A_335 : vector<16xi32>
            %select_n3A_337 = arith.select %lt3A_333, %add3A_336, %xor3A_330 : vector<16xi1>, vector<16xi32>
            %broadcast_in_dim3A_338 = vector.shape_cast %select_n3A_337 : vector<16xi32> to vector<16x1xi32>
            %gather3A_339 = vector.shape_cast %broadcast_in_dim3A_338 : vector<16x1xi32> to vector<16xi32>
            %gather3A_340 = tpu.dynamic_gather %select_n3A_327[%gather3A_339] in [0] : vector<16xi32>, vector<16xi32> -> vector<16xi32>
            %and3A_341 = arith.constant 2 : i32
            %and3A_342 = vector.broadcast %and3A_341 : i32 to vector<16xi32>
            %and3A_343 = arith.andi %iota3A, %and3A_342 : vector<16xi32>
            %eq3A_344 = arith.constant 0 : i32
            %eq3A_345 = vector.broadcast %eq3A_344 : i32 to vector<16xi32>
            %eq3A_346 = arith.cmpi eq, %and3A_343, %eq3A_345 : vector<16xi32>
            %and3A_347 = arith.constant 4 : i32
            %and3A_348 = vector.broadcast %and3A_347 : i32 to vector<16xi32>
            %and3A_349 = arith.andi %iota3A, %and3A_348 : vector<16xi32>
            %eq3A_350 = arith.constant 0 : i32
            %eq3A_351 = vector.broadcast %eq3A_350 : i32 to vector<16xi32>
            %eq3A_352 = arith.cmpi eq, %and3A_349, %eq3A_351 : vector<16xi32>
            %eq3A_353 = arith.xori %eq3A_346, %eq3A_352 : vector<16xi1>
            %eq3A_354 = arith.constant dense<true> : vector<16xi1>
            %eq3A_355 = arith.xori %eq3A_353, %eq3A_354 : vector<16xi1>
            %min3A_356 = arith.minsi %select_n3A_327, %gather3A_340 : vector<16xi32>
            %max3A_357 = arith.maxsi %select_n3A_327, %gather3A_340 : vector<16xi32>
            %select_n3A_358 = arith.select %eq3A_355, %min3A_356, %max3A_357 : vector<16xi1>, vector<16xi32>
            %xor3A_359 = arith.constant 1 : i32
            %xor3A_360 = vector.broadcast %xor3A_359 : i32 to vector<16xi32>
            %xor3A_361 = arith.xori %iota3A, %xor3A_360 : vector<16xi32>
            %lt3A_362 = arith.constant 0 : i32
            %lt3A_363 = vector.broadcast %lt3A_362 : i32 to vector<16xi32>
            %lt3A_364 = arith.cmpi slt, %xor3A_361, %lt3A_363 : vector<16xi32>
            %add3A_365 = arith.constant 16 : i32
            %add3A_366 = vector.broadcast %add3A_365 : i32 to vector<16xi32>
            %add3A_367 = arith.addi %xor3A_361, %add3A_366 : vector<16xi32>
            %select_n3A_368 = arith.select %lt3A_364, %add3A_367, %xor3A_361 : vector<16xi1>, vector<16xi32>
            %broadcast_in_dim3A_369 = vector.shape_cast %select_n3A_368 : vector<16xi32> to vector<16x1xi32>
            %gather3A_370 = vector.shape_cast %broadcast_in_dim3A_369 : vector<16x1xi32> to vector<16xi32>
            %gather3A_371 = tpu.dynamic_gather %select_n3A_358[%gather3A_370] in [0] : vector<16xi32>, vector<16xi32> -> vector<16xi32>
            %and3A_372 = arith.constant 1 : i32
            %and3A_373 = vector.broadcast %and3A_372 : i32 to vector<16xi32>
            %and3A_374 = arith.andi %iota3A, %and3A_373 : vector<16xi32>
            %eq3A_375 = arith.constant 0 : i32
            %eq3A_376 = vector.broadcast %eq3A_375 : i32 to vector<16xi32>
            %eq3A_377 = arith.cmpi eq, %and3A_374, %eq3A_376 : vector<16xi32>
            %and3A_378 = arith.constant 4 : i32
            %and3A_379 = vector.broadcast %and3A_378 : i32 to vector<16xi32>
            %and3A_380 = arith.andi %iota3A, %and3A_379 : vector<16xi32>
            %eq3A_381 = arith.constant 0 : i32
            %eq3A_382 = vector.broadcast %eq3A_381 : i32 to vector<16xi32>
            %eq3A_383 = arith.cmpi eq, %and3A_380, %eq3A_382 : vector<16xi32>
            %eq3A_384 = arith.xori %eq3A_377, %eq3A_383 : vector<16xi1>
            %eq3A_385 = arith.constant dense<true> : vector<16xi1>
            %eq3A_386 = arith.xori %eq3A_384, %eq3A_385 : vector<16xi1>
            %min3A_387 = arith.minsi %select_n3A_358, %gather3A_371 : vector<16xi32>
            %max3A_388 = arith.maxsi %select_n3A_358, %gather3A_371 : vector<16xi32>
            %select_n3A_389 = arith.select %eq3A_386, %min3A_387, %max3A_388 : vector<16xi1>, vector<16xi32>
            %xor3A_390 = arith.constant 4 : i32
            %xor3A_391 = vector.broadcast %xor3A_390 : i32 to vector<16xi32>
            %xor3A_392 = arith.xori %iota3A, %xor3A_391 : vector<16xi32>
            %lt3A_393 = arith.constant 0 : i32
            %lt3A_394 = vector.broadcast %lt3A_393 : i32 to vector<16xi32>
            %lt3A_395 = arith.cmpi slt, %xor3A_392, %lt3A_394 : vector<16xi32>
            %add3A_396 = arith.constant 16 : i32
            %add3A_397 = vector.broadcast %add3A_396 : i32 to vector<16xi32>
            %add3A_398 = arith.addi %xor3A_392, %add3A_397 : vector<16xi32>
            %select_n3A_399 = arith.select %lt3A_395, %add3A_398, %xor3A_392 : vector<16xi1>, vector<16xi32>
            %broadcast_in_dim3A_400 = vector.shape_cast %select_n3A_399 : vector<16xi32> to vector<16x1xi32>
            %gather3A_401 = vector.shape_cast %broadcast_in_dim3A_400 : vector<16x1xi32> to vector<16xi32>
            %gather3A_402 = tpu.dynamic_gather %select_n3A_389[%gather3A_401] in [0] : vector<16xi32>, vector<16xi32> -> vector<16xi32>
            %and3A_403 = arith.constant 4 : i32
            %and3A_404 = vector.broadcast %and3A_403 : i32 to vector<16xi32>
            %and3A_405 = arith.andi %iota3A, %and3A_404 : vector<16xi32>
            %eq3A_406 = arith.constant 0 : i32
            %eq3A_407 = vector.broadcast %eq3A_406 : i32 to vector<16xi32>
            %eq3A_408 = arith.cmpi eq, %and3A_405, %eq3A_407 : vector<16xi32>
            %and3A_409 = arith.constant 8 : i32
            %and3A_410 = vector.broadcast %and3A_409 : i32 to vector<16xi32>
            %and3A_411 = arith.andi %iota3A, %and3A_410 : vector<16xi32>
            %eq3A_412 = arith.constant 0 : i32
            %eq3A_413 = vector.broadcast %eq3A_412 : i32 to vector<16xi32>
            %eq3A_414 = arith.cmpi eq, %and3A_411, %eq3A_413 : vector<16xi32>
            %eq3A_415 = arith.xori %eq3A_408, %eq3A_414 : vector<16xi1>
            %eq3A_416 = arith.constant dense<true> : vector<16xi1>
            %eq3A_417 = arith.xori %eq3A_415, %eq3A_416 : vector<16xi1>
            %min3A_418 = arith.minsi %select_n3A_389, %gather3A_402 : vector<16xi32>
            %max3A_419 = arith.maxsi %select_n3A_389, %gather3A_402 : vector<16xi32>
            %select_n3A_420 = arith.select %eq3A_417, %min3A_418, %max3A_419 : vector<16xi1>, vector<16xi32>
            %xor3A_421 = arith.constant 2 : i32
            %xor3A_422 = vector.broadcast %xor3A_421 : i32 to vector<16xi32>
            %xor3A_423 = arith.xori %iota3A, %xor3A_422 : vector<16xi32>
            %lt3A_424 = arith.constant 0 : i32
            %lt3A_425 = vector.broadcast %lt3A_424 : i32 to vector<16xi32>
            %lt3A_426 = arith.cmpi slt, %xor3A_423, %lt3A_425 : vector<16xi32>
            %add3A_427 = arith.constant 16 : i32
            %add3A_428 = vector.broadcast %add3A_427 : i32 to vector<16xi32>
            %add3A_429 = arith.addi %xor3A_423, %add3A_428 : vector<16xi32>
            %select_n3A_430 = arith.select %lt3A_426, %add3A_429, %xor3A_423 : vector<16xi1>, vector<16xi32>
            %broadcast_in_dim3A_431 = vector.shape_cast %select_n3A_430 : vector<16xi32> to vector<16x1xi32>
            %gather3A_432 = vector.shape_cast %broadcast_in_dim3A_431 : vector<16x1xi32> to vector<16xi32>
            %gather3A_433 = tpu.dynamic_gather %select_n3A_420[%gather3A_432] in [0] : vector<16xi32>, vector<16xi32> -> vector<16xi32>
            %and3A_434 = arith.constant 2 : i32
            %and3A_435 = vector.broadcast %and3A_434 : i32 to vector<16xi32>
            %and3A_436 = arith.andi %iota3A, %and3A_435 : vector<16xi32>
            %eq3A_437 = arith.constant 0 : i32
            %eq3A_438 = vector.broadcast %eq3A_437 : i32 to vector<16xi32>
            %eq3A_439 = arith.cmpi eq, %and3A_436, %eq3A_438 : vector<16xi32>
            %and3A_440 = arith.constant 8 : i32
            %and3A_441 = vector.broadcast %and3A_440 : i32 to vector<16xi32>
            %and3A_442 = arith.andi %iota3A, %and3A_441 : vector<16xi32>
            %eq3A_443 = arith.constant 0 : i32
            %eq3A_444 = vector.broadcast %eq3A_443 : i32 to vector<16xi32>
            %eq3A_445 = arith.cmpi eq, %and3A_442, %eq3A_444 : vector<16xi32>
            %eq3A_446 = arith.xori %eq3A_439, %eq3A_445 : vector<16xi1>
            %eq3A_447 = arith.constant dense<true> : vector<16xi1>
            %eq3A_448 = arith.xori %eq3A_446, %eq3A_447 : vector<16xi1>
            %min3A_449 = arith.minsi %select_n3A_420, %gather3A_433 : vector<16xi32>
            %max3A_450 = arith.maxsi %select_n3A_420, %gather3A_433 : vector<16xi32>
            %select_n3A_451 = arith.select %eq3A_448, %min3A_449, %max3A_450 : vector<16xi1>, vector<16xi32>
            %xor3A_452 = arith.constant 1 : i32
            %xor3A_453 = vector.broadcast %xor3A_452 : i32 to vector<16xi32>
            %xor3A_454 = arith.xori %iota3A, %xor3A_453 : vector<16xi32>
            %lt3A_455 = arith.constant 0 : i32
            %lt3A_456 = vector.broadcast %lt3A_455 : i32 to vector<16xi32>
            %lt3A_457 = arith.cmpi slt, %xor3A_454, %lt3A_456 : vector<16xi32>
            %add3A_458 = arith.constant 16 : i32
            %add3A_459 = vector.broadcast %add3A_458 : i32 to vector<16xi32>
            %add3A_460 = arith.addi %xor3A_454, %add3A_459 : vector<16xi32>
            %select_n3A_461 = arith.select %lt3A_457, %add3A_460, %xor3A_454 : vector<16xi1>, vector<16xi32>
            %broadcast_in_dim3A_462 = vector.shape_cast %select_n3A_461 : vector<16xi32> to vector<16x1xi32>
            %gather3A_463 = vector.shape_cast %broadcast_in_dim3A_462 : vector<16x1xi32> to vector<16xi32>
            %gather3A_464 = tpu.dynamic_gather %select_n3A_451[%gather3A_463] in [0] : vector<16xi32>, vector<16xi32> -> vector<16xi32>
            %and3A_465 = arith.constant 1 : i32
            %and3A_466 = vector.broadcast %and3A_465 : i32 to vector<16xi32>
            %and3A_467 = arith.andi %iota3A, %and3A_466 : vector<16xi32>
            %eq3A_468 = arith.constant 0 : i32
            %eq3A_469 = vector.broadcast %eq3A_468 : i32 to vector<16xi32>
            %eq3A_470 = arith.cmpi eq, %and3A_467, %eq3A_469 : vector<16xi32>
            %and3A_471 = arith.constant 8 : i32
            %and3A_472 = vector.broadcast %and3A_471 : i32 to vector<16xi32>
            %and3A_473 = arith.andi %iota3A, %and3A_472 : vector<16xi32>
            %eq3A_474 = arith.constant 0 : i32
            %eq3A_475 = vector.broadcast %eq3A_474 : i32 to vector<16xi32>
            %eq3A_476 = arith.cmpi eq, %and3A_473, %eq3A_475 : vector<16xi32>
            %eq3A_477 = arith.xori %eq3A_470, %eq3A_476 : vector<16xi1>
            %eq3A_478 = arith.constant dense<true> : vector<16xi1>
            %eq3A_479 = arith.xori %eq3A_477, %eq3A_478 : vector<16xi1>
            %min3A_480 = arith.minsi %select_n3A_451, %gather3A_464 : vector<16xi32>
            %max3A_481 = arith.maxsi %select_n3A_451, %gather3A_464 : vector<16xi32>
            %select_n3A_482 = arith.select %eq3A_479, %min3A_480, %max3A_481 : vector<16xi1>, vector<16xi32>
            %xor3A_483 = arith.constant 8 : i32
            %xor3A_484 = vector.broadcast %xor3A_483 : i32 to vector<16xi32>
            %xor3A_485 = arith.xori %iota3A, %xor3A_484 : vector<16xi32>
            %lt3A_486 = arith.constant 0 : i32
            %lt3A_487 = vector.broadcast %lt3A_486 : i32 to vector<16xi32>
            %lt3A_488 = arith.cmpi slt, %xor3A_485, %lt3A_487 : vector<16xi32>
            %add3A_489 = arith.constant 16 : i32
            %add3A_490 = vector.broadcast %add3A_489 : i32 to vector<16xi32>
            %add3A_491 = arith.addi %xor3A_485, %add3A_490 : vector<16xi32>
            %select_n3A_492 = arith.select %lt3A_488, %add3A_491, %xor3A_485 : vector<16xi1>, vector<16xi32>
            %broadcast_in_dim3A_493 = vector.shape_cast %select_n3A_492 : vector<16xi32> to vector<16x1xi32>
            %gather3A_494 = vector.shape_cast %broadcast_in_dim3A_493 : vector<16x1xi32> to vector<16xi32>
            %gather3A_495 = tpu.dynamic_gather %select_n3A_482[%gather3A_494] in [0] : vector<16xi32>, vector<16xi32> -> vector<16xi32>
            %and3A_496 = arith.constant 8 : i32
            %and3A_497 = vector.broadcast %and3A_496 : i32 to vector<16xi32>
            %and3A_498 = arith.andi %iota3A, %and3A_497 : vector<16xi32>
            %eq3A_499 = arith.constant 0 : i32
            %eq3A_500 = vector.broadcast %eq3A_499 : i32 to vector<16xi32>
            %eq3A_501 = arith.cmpi eq, %and3A_498, %eq3A_500 : vector<16xi32>
            %and3A_502 = arith.constant 16 : i32
            %and3A_503 = vector.broadcast %and3A_502 : i32 to vector<16xi32>
            %and3A_504 = arith.andi %iota3A, %and3A_503 : vector<16xi32>
            %eq3A_505 = arith.constant 0 : i32
            %eq3A_506 = vector.broadcast %eq3A_505 : i32 to vector<16xi32>
            %eq3A_507 = arith.cmpi eq, %and3A_504, %eq3A_506 : vector<16xi32>
            %eq3A_508 = arith.xori %eq3A_501, %eq3A_507 : vector<16xi1>
            %eq3A_509 = arith.constant dense<true> : vector<16xi1>
            %eq3A_510 = arith.xori %eq3A_508, %eq3A_509 : vector<16xi1>
            %min3A_511 = arith.minsi %select_n3A_482, %gather3A_495 : vector<16xi32>
            %max3A_512 = arith.maxsi %select_n3A_482, %gather3A_495 : vector<16xi32>
            %select_n3A_513 = arith.select %eq3A_510, %min3A_511, %max3A_512 : vector<16xi1>, vector<16xi32>
            %xor3A_514 = arith.constant 4 : i32
            %xor3A_515 = vector.broadcast %xor3A_514 : i32 to vector<16xi32>
            %xor3A_516 = arith.xori %iota3A, %xor3A_515 : vector<16xi32>
            %lt3A_517 = arith.constant 0 : i32
            %lt3A_518 = vector.broadcast %lt3A_517 : i32 to vector<16xi32>
            %lt3A_519 = arith.cmpi slt, %xor3A_516, %lt3A_518 : vector<16xi32>
            %add3A_520 = arith.constant 16 : i32
            %add3A_521 = vector.broadcast %add3A_520 : i32 to vector<16xi32>
            %add3A_522 = arith.addi %xor3A_516, %add3A_521 : vector<16xi32>
            %select_n3A_523 = arith.select %lt3A_519, %add3A_522, %xor3A_516 : vector<16xi1>, vector<16xi32>
            %broadcast_in_dim3A_524 = vector.shape_cast %select_n3A_523 : vector<16xi32> to vector<16x1xi32>
            %gather3A_525 = vector.shape_cast %broadcast_in_dim3A_524 : vector<16x1xi32> to vector<16xi32>
            %gather3A_526 = tpu.dynamic_gather %select_n3A_513[%gather3A_525] in [0] : vector<16xi32>, vector<16xi32> -> vector<16xi32>
            %and3A_527 = arith.constant 4 : i32
            %and3A_528 = vector.broadcast %and3A_527 : i32 to vector<16xi32>
            %and3A_529 = arith.andi %iota3A, %and3A_528 : vector<16xi32>
            %eq3A_530 = arith.constant 0 : i32
            %eq3A_531 = vector.broadcast %eq3A_530 : i32 to vector<16xi32>
            %eq3A_532 = arith.cmpi eq, %and3A_529, %eq3A_531 : vector<16xi32>
            %and3A_533 = arith.constant 16 : i32
            %and3A_534 = vector.broadcast %and3A_533 : i32 to vector<16xi32>
            %and3A_535 = arith.andi %iota3A, %and3A_534 : vector<16xi32>
            %eq3A_536 = arith.constant 0 : i32
            %eq3A_537 = vector.broadcast %eq3A_536 : i32 to vector<16xi32>
            %eq3A_538 = arith.cmpi eq, %and3A_535, %eq3A_537 : vector<16xi32>
            %eq3A_539 = arith.xori %eq3A_532, %eq3A_538 : vector<16xi1>
            %eq3A_540 = arith.constant dense<true> : vector<16xi1>
            %eq3A_541 = arith.xori %eq3A_539, %eq3A_540 : vector<16xi1>
            %min3A_542 = arith.minsi %select_n3A_513, %gather3A_526 : vector<16xi32>
            %max3A_543 = arith.maxsi %select_n3A_513, %gather3A_526 : vector<16xi32>
            %select_n3A_544 = arith.select %eq3A_541, %min3A_542, %max3A_543 : vector<16xi1>, vector<16xi32>
            %xor3A_545 = arith.constant 2 : i32
            %xor3A_546 = vector.broadcast %xor3A_545 : i32 to vector<16xi32>
            %xor3A_547 = arith.xori %iota3A, %xor3A_546 : vector<16xi32>
            %lt3A_548 = arith.constant 0 : i32
            %lt3A_549 = vector.broadcast %lt3A_548 : i32 to vector<16xi32>
            %lt3A_550 = arith.cmpi slt, %xor3A_547, %lt3A_549 : vector<16xi32>
            %add3A_551 = arith.constant 16 : i32
            %add3A_552 = vector.broadcast %add3A_551 : i32 to vector<16xi32>
            %add3A_553 = arith.addi %xor3A_547, %add3A_552 : vector<16xi32>
            %select_n3A_554 = arith.select %lt3A_550, %add3A_553, %xor3A_547 : vector<16xi1>, vector<16xi32>
            %broadcast_in_dim3A_555 = vector.shape_cast %select_n3A_554 : vector<16xi32> to vector<16x1xi32>
            %gather3A_556 = vector.shape_cast %broadcast_in_dim3A_555 : vector<16x1xi32> to vector<16xi32>
            %gather3A_557 = tpu.dynamic_gather %select_n3A_544[%gather3A_556] in [0] : vector<16xi32>, vector<16xi32> -> vector<16xi32>
            %and3A_558 = arith.constant 2 : i32
            %and3A_559 = vector.broadcast %and3A_558 : i32 to vector<16xi32>
            %and3A_560 = arith.andi %iota3A, %and3A_559 : vector<16xi32>
            %eq3A_561 = arith.constant 0 : i32
            %eq3A_562 = vector.broadcast %eq3A_561 : i32 to vector<16xi32>
            %eq3A_563 = arith.cmpi eq, %and3A_560, %eq3A_562 : vector<16xi32>
            %and3A_564 = arith.constant 16 : i32
            %and3A_565 = vector.broadcast %and3A_564 : i32 to vector<16xi32>
            %and3A_566 = arith.andi %iota3A, %and3A_565 : vector<16xi32>
            %eq3A_567 = arith.constant 0 : i32
            %eq3A_568 = vector.broadcast %eq3A_567 : i32 to vector<16xi32>
            %eq3A_569 = arith.cmpi eq, %and3A_566, %eq3A_568 : vector<16xi32>
            %eq3A_570 = arith.xori %eq3A_563, %eq3A_569 : vector<16xi1>
            %eq3A_571 = arith.constant dense<true> : vector<16xi1>
            %eq3A_572 = arith.xori %eq3A_570, %eq3A_571 : vector<16xi1>
            %min3A_573 = arith.minsi %select_n3A_544, %gather3A_557 : vector<16xi32>
            %max3A_574 = arith.maxsi %select_n3A_544, %gather3A_557 : vector<16xi32>
            %select_n3A_575 = arith.select %eq3A_572, %min3A_573, %max3A_574 : vector<16xi1>, vector<16xi32>
            %xor3A_576 = arith.constant 1 : i32
            %xor3A_577 = vector.broadcast %xor3A_576 : i32 to vector<16xi32>
            %xor3A_578 = arith.xori %iota3A, %xor3A_577 : vector<16xi32>
            %lt3A_579 = arith.constant 0 : i32
            %lt3A_580 = vector.broadcast %lt3A_579 : i32 to vector<16xi32>
            %lt3A_581 = arith.cmpi slt, %xor3A_578, %lt3A_580 : vector<16xi32>
            %add3A_582 = arith.constant 16 : i32
            %add3A_583 = vector.broadcast %add3A_582 : i32 to vector<16xi32>
            %add3A_584 = arith.addi %xor3A_578, %add3A_583 : vector<16xi32>
            %select_n3A_585 = arith.select %lt3A_581, %add3A_584, %xor3A_578 : vector<16xi1>, vector<16xi32>
            %broadcast_in_dim3A_586 = vector.shape_cast %select_n3A_585 : vector<16xi32> to vector<16x1xi32>
            %gather3A_587 = vector.shape_cast %broadcast_in_dim3A_586 : vector<16x1xi32> to vector<16xi32>
            %gather3A_588 = tpu.dynamic_gather %select_n3A_575[%gather3A_587] in [0] : vector<16xi32>, vector<16xi32> -> vector<16xi32>
            %and3A_589 = arith.constant 1 : i32
            %and3A_590 = vector.broadcast %and3A_589 : i32 to vector<16xi32>
            %and3A_591 = arith.andi %iota3A, %and3A_590 : vector<16xi32>
            %eq3A_592 = arith.constant 0 : i32
            %eq3A_593 = vector.broadcast %eq3A_592 : i32 to vector<16xi32>
            %eq3A_594 = arith.cmpi eq, %and3A_591, %eq3A_593 : vector<16xi32>
            %and3A_595 = arith.constant 16 : i32
            %and3A_596 = vector.broadcast %and3A_595 : i32 to vector<16xi32>
            %and3A_597 = arith.andi %iota3A, %and3A_596 : vector<16xi32>
            %eq3A_598 = arith.constant 0 : i32
            %eq3A_599 = vector.broadcast %eq3A_598 : i32 to vector<16xi32>
            %eq3A_600 = arith.cmpi eq, %and3A_597, %eq3A_599 : vector<16xi32>
            %eq3A_601 = arith.xori %eq3A_594, %eq3A_600 : vector<16xi1>
            %eq3A_602 = arith.constant dense<true> : vector<16xi1>
            %eq3A_603 = arith.xori %eq3A_601, %eq3A_602 : vector<16xi1>
            %min3A_604 = arith.minsi %select_n3A_575, %gather3A_588 : vector<16xi32>
            %max3A_605 = arith.maxsi %select_n3A_575, %gather3A_588 : vector<16xi32>
            %select_n3A_606 = arith.select %eq3A_603, %min3A_604, %max3A_605 : vector<16xi1>, vector<16xi32>
            %slice3A_607 = vector.extract_strided_slice %select_n3A_606 {offsets = [0], sizes = [1], strides = [1]} : vector<16xi32> to vector<1xi32>
            %squeeze3A_608 = vector.extract %slice3A_607[0] : i32 from vector<1xi32>
            %ge3A = arith.cmpi sge, %squeeze3A_608, %scan3A_28 : i32
            %sub3A_609 = arith.constant 1 : i32
            %sub3A_610 = arith.subi %scan3A_28, %sub3A_609 : i32
            %min3A_611 = vector.broadcast %sub3A_610 : i32 to vector<16xi32>
            %min3A_612 = arith.minsi %select_n3A_606, %min3A_611 : vector<16xi32>
            %gather3A_613 = tpu.vector_load_idx %arg8[%min3A_612] : memref<20224xf32, #tpu.memory_space<vmem>>[vector<16xi32>], vector<16xf32>,
            %gather3A_614 = tpu.vector_load_idx %arg9[%min3A_612] : memref<20224xf32, #tpu.memory_space<vmem>>[vector<16xi32>], vector<16xf32>,
            %gather3A_615 = tpu.vector_load_idx %arg10[%min3A_612] : memref<20224xf32, #tpu.memory_space<vmem>>[vector<16xi32>], vector<16xf32>,
            %gather3A_616 = tpu.vector_load_idx %arg11[%min3A_612] : memref<20224xf32, #tpu.memory_space<vmem>>[vector<16xi32>], vector<16xf32>,
            %sub3A_617 = arith.subf %gather3A_615, %gather3A_613 : vector<16xf32>
            %max3A_618 = arith.constant 0.000000e+00 : f32
            %max3A_619 = vector.broadcast %max3A_618 : f32 to vector<16xf32>
            %max3A_620 = arith.maximumf %sub3A_617, %max3A_619 : vector<16xf32>
            %sub3A_621 = arith.subf %gather3A_616, %gather3A_614 : vector<16xf32>
            %max3A_622 = arith.constant 0.000000e+00 : f32
            %max3A_623 = vector.broadcast %max3A_622 : f32 to vector<16xf32>
            %max3A_624 = arith.maximumf %sub3A_621, %max3A_623 : vector<16xf32>
            %mul3A_625 = arith.mulf %max3A_620, %max3A_624 : vector<16xf32>
            %lt3A_626 = arith.cmpi slt, %select_n3A_606, %broadcast_in_dim3A_296 : vector<16xi32>
            %all_reduce_population_count3A = tpu.all_reduce %lt3A_626 {dim = 0 : i64, kind = #tpu.reduction_kind<sum>} : vector<16xi1> -> vector<16xi32>
            %slice3A_627 = vector.extract_strided_slice %all_reduce_population_count3A {offsets = [0], sizes = [1], strides = [1]} : vector<16xi32> to vector<1xi32>
            %squeeze3A_628 = vector.extract %slice3A_627[0] : i32 from vector<1xi32>
            %broadcast_in_dim3A_629 = arith.constant 0 : i32
            %broadcast_in_dim3A_630 = vector.broadcast %broadcast_in_dim3A_629 : i32 to vector<16xi32>
            %while3A = arith.constant 0 : i32
            %while3A_631 = arith.subi %squeeze3A_628, %while3A : i32
            %while3A_632 = arith.addi %while3A, %while3A_631 : i32
            %while3A_633 = arith.constant 1 : i32
            %while3A_634 = arith.divsi %while3A_631, %while3A_633 : i32
            %while3A_635 = arith.muli %while3A_634, %while3A_633 : i32
            %while3A_636 = arith.addi %while3A, %while3A_635 : i32
            %while3A_637 = arith.constant 1 : i32
            %while3A_638 = scf.for %while3A_755 = %while3A to %while3A_636 step %while3A_637 iter_args(%while3A_756 = %broadcast_in_dim3A_630) -> (vector<16xi32>)  : i32 {
              %broadcast_in_dim3A_757 = vector.broadcast %while3A_755 : i32 to vector<16xi32>
              %lt3A_758 = arith.constant 0 : i32
              %lt3A_759 = vector.broadcast %lt3A_758 : i32 to vector<16xi32>
              %lt3A_760 = arith.cmpi slt, %broadcast_in_dim3A_757, %lt3A_759 : vector<16xi32>
              %add3A_761 = arith.constant 16 : i32
              %add3A_762 = vector.broadcast %add3A_761 : i32 to vector<16xi32>
              %add3A_763 = arith.addi %broadcast_in_dim3A_757, %add3A_762 : vector<16xi32>
              %select_n3A_764 = arith.select %lt3A_760, %add3A_763, %broadcast_in_dim3A_757 : vector<16xi1>, vector<16xi32>
              %broadcast_in_dim3A_765 = vector.shape_cast %select_n3A_764 : vector<16xi32> to vector<16x1xi32>
              %gather3A_766 = vector.shape_cast %broadcast_in_dim3A_765 : vector<16x1xi32> to vector<16xi32>
              %gather3A_767 = tpu.dynamic_gather %while3A_756[%gather3A_766] in [0] : vector<16xi32>, vector<16xi32> -> vector<16xi32>
              %eq3A_768 = arith.constant 0 : i32
              %eq3A_769 = vector.broadcast %eq3A_768 : i32 to vector<16xi32>
              %eq3A_770 = arith.cmpi eq, %gather3A_767, %eq3A_769 : vector<16xi32>
              %lt3A_771 = arith.constant 0 : i32
              %lt3A_772 = vector.broadcast %lt3A_771 : i32 to vector<16xi32>
              %lt3A_773 = arith.cmpi slt, %broadcast_in_dim3A_757, %lt3A_772 : vector<16xi32>
              %add3A_774 = arith.constant 16 : i32
              %add3A_775 = vector.broadcast %add3A_774 : i32 to vector<16xi32>
              %add3A_776 = arith.addi %broadcast_in_dim3A_757, %add3A_775 : vector<16xi32>
              %select_n3A_777 = arith.select %lt3A_773, %add3A_776, %broadcast_in_dim3A_757 : vector<16xi1>, vector<16xi32>
              %broadcast_in_dim3A_778 = vector.shape_cast %select_n3A_777 : vector<16xi32> to vector<16x1xi32>
              %gather3A_779 = vector.shape_cast %broadcast_in_dim3A_778 : vector<16x1xi32> to vector<16xi32>
              %gather3A_780 = tpu.dynamic_gather %gather3A_613[%gather3A_779] in [0] : vector<16xf32>, vector<16xi32> -> vector<16xf32>
              %lt3A_781 = arith.constant 0 : i32
              %lt3A_782 = vector.broadcast %lt3A_781 : i32 to vector<16xi32>
              %lt3A_783 = arith.cmpi slt, %broadcast_in_dim3A_757, %lt3A_782 : vector<16xi32>
              %add3A_784 = arith.constant 16 : i32
              %add3A_785 = vector.broadcast %add3A_784 : i32 to vector<16xi32>
              %add3A_786 = arith.addi %broadcast_in_dim3A_757, %add3A_785 : vector<16xi32>
              %select_n3A_787 = arith.select %lt3A_783, %add3A_786, %broadcast_in_dim3A_757 : vector<16xi1>, vector<16xi32>
              %broadcast_in_dim3A_788 = vector.shape_cast %select_n3A_787 : vector<16xi32> to vector<16x1xi32>
              %gather3A_789 = vector.shape_cast %broadcast_in_dim3A_788 : vector<16x1xi32> to vector<16xi32>
              %gather3A_790 = tpu.dynamic_gather %gather3A_614[%gather3A_789] in [0] : vector<16xf32>, vector<16xi32> -> vector<16xf32>
              %lt3A_791 = arith.constant 0 : i32
              %lt3A_792 = vector.broadcast %lt3A_791 : i32 to vector<16xi32>
              %lt3A_793 = arith.cmpi slt, %broadcast_in_dim3A_757, %lt3A_792 : vector<16xi32>
              %add3A_794 = arith.constant 16 : i32
              %add3A_795 = vector.broadcast %add3A_794 : i32 to vector<16xi32>
              %add3A_796 = arith.addi %broadcast_in_dim3A_757, %add3A_795 : vector<16xi32>
              %select_n3A_797 = arith.select %lt3A_793, %add3A_796, %broadcast_in_dim3A_757 : vector<16xi1>, vector<16xi32>
              %broadcast_in_dim3A_798 = vector.shape_cast %select_n3A_797 : vector<16xi32> to vector<16x1xi32>
              %gather3A_799 = vector.shape_cast %broadcast_in_dim3A_798 : vector<16x1xi32> to vector<16xi32>
              %gather3A_800 = tpu.dynamic_gather %gather3A_615[%gather3A_799] in [0] : vector<16xf32>, vector<16xi32> -> vector<16xf32>
              %lt3A_801 = arith.constant 0 : i32
              %lt3A_802 = vector.broadcast %lt3A_801 : i32 to vector<16xi32>
              %lt3A_803 = arith.cmpi slt, %broadcast_in_dim3A_757, %lt3A_802 : vector<16xi32>
              %add3A_804 = arith.constant 16 : i32
              %add3A_805 = vector.broadcast %add3A_804 : i32 to vector<16xi32>
              %add3A_806 = arith.addi %broadcast_in_dim3A_757, %add3A_805 : vector<16xi32>
              %select_n3A_807 = arith.select %lt3A_803, %add3A_806, %broadcast_in_dim3A_757 : vector<16xi1>, vector<16xi32>
              %broadcast_in_dim3A_808 = vector.shape_cast %select_n3A_807 : vector<16xi32> to vector<16x1xi32>
              %gather3A_809 = vector.shape_cast %broadcast_in_dim3A_808 : vector<16x1xi32> to vector<16xi32>
              %gather3A_810 = tpu.dynamic_gather %gather3A_616[%gather3A_809] in [0] : vector<16xf32>, vector<16xi32> -> vector<16xf32>
              %lt3A_811 = arith.constant 0 : i32
              %lt3A_812 = vector.broadcast %lt3A_811 : i32 to vector<16xi32>
              %lt3A_813 = arith.cmpi slt, %broadcast_in_dim3A_757, %lt3A_812 : vector<16xi32>
              %add3A_814 = arith.constant 16 : i32
              %add3A_815 = vector.broadcast %add3A_814 : i32 to vector<16xi32>
              %add3A_816 = arith.addi %broadcast_in_dim3A_757, %add3A_815 : vector<16xi32>
              %select_n3A_817 = arith.select %lt3A_813, %add3A_816, %broadcast_in_dim3A_757 : vector<16xi1>, vector<16xi32>
              %broadcast_in_dim3A_818 = vector.shape_cast %select_n3A_817 : vector<16xi32> to vector<16x1xi32>
              %gather3A_819 = vector.shape_cast %broadcast_in_dim3A_818 : vector<16x1xi32> to vector<16xi32>
              %gather3A_820 = tpu.dynamic_gather %mul3A_625[%gather3A_819] in [0] : vector<16xf32>, vector<16xi32> -> vector<16xf32>
              %max3A_821 = arith.maximumf %gather3A_613, %gather3A_780 : vector<16xf32>
              %max3A_822 = arith.maximumf %gather3A_614, %gather3A_790 : vector<16xf32>
              %min3A_823 = arith.minimumf %gather3A_615, %gather3A_800 : vector<16xf32>
              %min3A_824 = arith.minimumf %gather3A_616, %gather3A_810 : vector<16xf32>
              %sub3A_825 = arith.subf %min3A_823, %max3A_821 : vector<16xf32>
              %max3A_826 = arith.constant 0.000000e+00 : f32
              %max3A_827 = vector.broadcast %max3A_826 : f32 to vector<16xf32>
              %max3A_828 = arith.maximumf %sub3A_825, %max3A_827 : vector<16xf32>
              %sub3A_829 = arith.subf %min3A_824, %max3A_822 : vector<16xf32>
              %max3A_830 = arith.constant 0.000000e+00 : f32
              %max3A_831 = vector.broadcast %max3A_830 : f32 to vector<16xf32>
              %max3A_832 = arith.maximumf %sub3A_829, %max3A_831 : vector<16xf32>
              %mul3A_833 = arith.mulf %max3A_828, %max3A_832 : vector<16xf32>
              %add3A_834 = arith.addf %gather3A_820, %mul3A_625 : vector<16xf32>
              %sub3A_835 = arith.subf %add3A_834, %mul3A_833 : vector<16xf32>
              %add3A_836 = arith.constant 9.99999996E-13 : f32
              %add3A_837 = vector.broadcast %add3A_836 : f32 to vector<16xf32>
              %add3A_838 = arith.addf %sub3A_835, %add3A_837 : vector<16xf32>
              %div3A_839 = arith.divf %mul3A_833, %add3A_838 : vector<16xf32>
              %gt3A_840 = arith.constant 4.500000e-01 : f32
              %gt3A_841 = vector.broadcast %gt3A_840 : f32 to vector<16xf32>
              %gt3A_842 = arith.cmpf ogt, %div3A_839, %gt3A_841 : vector<16xf32>
              %gt3A_843 = arith.cmpi sgt, %iota3A, %broadcast_in_dim3A_757 : vector<16xi32>
              %and3A_844 = arith.andi %gt3A_842, %gt3A_843 : vector<16xi1>
              %and3A_845 = arith.andi %and3A_844, %eq3A_770 : vector<16xi1>
              %convert_element_type3A_846 = arith.extui %and3A_845 : vector<16xi1> to vector<16xi32>
              %or3A = arith.ori %while3A_756, %convert_element_type3A_846 : vector<16xi32>
              scf.yield %or3A : vector<16xi32>
            }
            %while3A_639 = arith.constant 1 : i32
            %while3A_640 = scf.for %while3A_755 = %while3A_636 to %while3A_632 step %while3A_639 iter_args(%while3A_756 = %while3A_638) -> (vector<16xi32>)  : i32 {
              %broadcast_in_dim3A_757 = vector.broadcast %while3A_755 : i32 to vector<16xi32>
              %lt3A_758 = arith.constant 0 : i32
              %lt3A_759 = vector.broadcast %lt3A_758 : i32 to vector<16xi32>
              %lt3A_760 = arith.cmpi slt, %broadcast_in_dim3A_757, %lt3A_759 : vector<16xi32>
              %add3A_761 = arith.constant 16 : i32
              %add3A_762 = vector.broadcast %add3A_761 : i32 to vector<16xi32>
              %add3A_763 = arith.addi %broadcast_in_dim3A_757, %add3A_762 : vector<16xi32>
              %select_n3A_764 = arith.select %lt3A_760, %add3A_763, %broadcast_in_dim3A_757 : vector<16xi1>, vector<16xi32>
              %broadcast_in_dim3A_765 = vector.shape_cast %select_n3A_764 : vector<16xi32> to vector<16x1xi32>
              %gather3A_766 = vector.shape_cast %broadcast_in_dim3A_765 : vector<16x1xi32> to vector<16xi32>
              %gather3A_767 = tpu.dynamic_gather %while3A_756[%gather3A_766] in [0] : vector<16xi32>, vector<16xi32> -> vector<16xi32>
              %eq3A_768 = arith.constant 0 : i32
              %eq3A_769 = vector.broadcast %eq3A_768 : i32 to vector<16xi32>
              %eq3A_770 = arith.cmpi eq, %gather3A_767, %eq3A_769 : vector<16xi32>
              %lt3A_771 = arith.constant 0 : i32
              %lt3A_772 = vector.broadcast %lt3A_771 : i32 to vector<16xi32>
              %lt3A_773 = arith.cmpi slt, %broadcast_in_dim3A_757, %lt3A_772 : vector<16xi32>
              %add3A_774 = arith.constant 16 : i32
              %add3A_775 = vector.broadcast %add3A_774 : i32 to vector<16xi32>
              %add3A_776 = arith.addi %broadcast_in_dim3A_757, %add3A_775 : vector<16xi32>
              %select_n3A_777 = arith.select %lt3A_773, %add3A_776, %broadcast_in_dim3A_757 : vector<16xi1>, vector<16xi32>
              %broadcast_in_dim3A_778 = vector.shape_cast %select_n3A_777 : vector<16xi32> to vector<16x1xi32>
              %gather3A_779 = vector.shape_cast %broadcast_in_dim3A_778 : vector<16x1xi32> to vector<16xi32>
              %gather3A_780 = tpu.dynamic_gather %gather3A_613[%gather3A_779] in [0] : vector<16xf32>, vector<16xi32> -> vector<16xf32>
              %lt3A_781 = arith.constant 0 : i32
              %lt3A_782 = vector.broadcast %lt3A_781 : i32 to vector<16xi32>
              %lt3A_783 = arith.cmpi slt, %broadcast_in_dim3A_757, %lt3A_782 : vector<16xi32>
              %add3A_784 = arith.constant 16 : i32
              %add3A_785 = vector.broadcast %add3A_784 : i32 to vector<16xi32>
              %add3A_786 = arith.addi %broadcast_in_dim3A_757, %add3A_785 : vector<16xi32>
              %select_n3A_787 = arith.select %lt3A_783, %add3A_786, %broadcast_in_dim3A_757 : vector<16xi1>, vector<16xi32>
              %broadcast_in_dim3A_788 = vector.shape_cast %select_n3A_787 : vector<16xi32> to vector<16x1xi32>
              %gather3A_789 = vector.shape_cast %broadcast_in_dim3A_788 : vector<16x1xi32> to vector<16xi32>
              %gather3A_790 = tpu.dynamic_gather %gather3A_614[%gather3A_789] in [0] : vector<16xf32>, vector<16xi32> -> vector<16xf32>
              %lt3A_791 = arith.constant 0 : i32
              %lt3A_792 = vector.broadcast %lt3A_791 : i32 to vector<16xi32>
              %lt3A_793 = arith.cmpi slt, %broadcast_in_dim3A_757, %lt3A_792 : vector<16xi32>
              %add3A_794 = arith.constant 16 : i32
              %add3A_795 = vector.broadcast %add3A_794 : i32 to vector<16xi32>
              %add3A_796 = arith.addi %broadcast_in_dim3A_757, %add3A_795 : vector<16xi32>
              %select_n3A_797 = arith.select %lt3A_793, %add3A_796, %broadcast_in_dim3A_757 : vector<16xi1>, vector<16xi32>
              %broadcast_in_dim3A_798 = vector.shape_cast %select_n3A_797 : vector<16xi32> to vector<16x1xi32>
              %gather3A_799 = vector.shape_cast %broadcast_in_dim3A_798 : vector<16x1xi32> to vector<16xi32>
              %gather3A_800 = tpu.dynamic_gather %gather3A_615[%gather3A_799] in [0] : vector<16xf32>, vector<16xi32> -> vector<16xf32>
              %lt3A_801 = arith.constant 0 : i32
              %lt3A_802 = vector.broadcast %lt3A_801 : i32 to vector<16xi32>
              %lt3A_803 = arith.cmpi slt, %broadcast_in_dim3A_757, %lt3A_802 : vector<16xi32>
              %add3A_804 = arith.constant 16 : i32
              %add3A_805 = vector.broadcast %add3A_804 : i32 to vector<16xi32>
              %add3A_806 = arith.addi %broadcast_in_dim3A_757, %add3A_805 : vector<16xi32>
              %select_n3A_807 = arith.select %lt3A_803, %add3A_806, %broadcast_in_dim3A_757 : vector<16xi1>, vector<16xi32>
              %broadcast_in_dim3A_808 = vector.shape_cast %select_n3A_807 : vector<16xi32> to vector<16x1xi32>
              %gather3A_809 = vector.shape_cast %broadcast_in_dim3A_808 : vector<16x1xi32> to vector<16xi32>
              %gather3A_810 = tpu.dynamic_gather %gather3A_616[%gather3A_809] in [0] : vector<16xf32>, vector<16xi32> -> vector<16xf32>
              %lt3A_811 = arith.constant 0 : i32
              %lt3A_812 = vector.broadcast %lt3A_811 : i32 to vector<16xi32>
              %lt3A_813 = arith.cmpi slt, %broadcast_in_dim3A_757, %lt3A_812 : vector<16xi32>
              %add3A_814 = arith.constant 16 : i32
              %add3A_815 = vector.broadcast %add3A_814 : i32 to vector<16xi32>
              %add3A_816 = arith.addi %broadcast_in_dim3A_757, %add3A_815 : vector<16xi32>
              %select_n3A_817 = arith.select %lt3A_813, %add3A_816, %broadcast_in_dim3A_757 : vector<16xi1>, vector<16xi32>
              %broadcast_in_dim3A_818 = vector.shape_cast %select_n3A_817 : vector<16xi32> to vector<16x1xi32>
              %gather3A_819 = vector.shape_cast %broadcast_in_dim3A_818 : vector<16x1xi32> to vector<16xi32>
              %gather3A_820 = tpu.dynamic_gather %mul3A_625[%gather3A_819] in [0] : vector<16xf32>, vector<16xi32> -> vector<16xf32>
              %max3A_821 = arith.maximumf %gather3A_613, %gather3A_780 : vector<16xf32>
              %max3A_822 = arith.maximumf %gather3A_614, %gather3A_790 : vector<16xf32>
              %min3A_823 = arith.minimumf %gather3A_615, %gather3A_800 : vector<16xf32>
              %min3A_824 = arith.minimumf %gather3A_616, %gather3A_810 : vector<16xf32>
              %sub3A_825 = arith.subf %min3A_823, %max3A_821 : vector<16xf32>
              %max3A_826 = arith.constant 0.000000e+00 : f32
              %max3A_827 = vector.broadcast %max3A_826 : f32 to vector<16xf32>
              %max3A_828 = arith.maximumf %sub3A_825, %max3A_827 : vector<16xf32>
              %sub3A_829 = arith.subf %min3A_824, %max3A_822 : vector<16xf32>
              %max3A_830 = arith.constant 0.000000e+00 : f32
              %max3A_831 = vector.broadcast %max3A_830 : f32 to vector<16xf32>
              %max3A_832 = arith.maximumf %sub3A_829, %max3A_831 : vector<16xf32>
              %mul3A_833 = arith.mulf %max3A_828, %max3A_832 : vector<16xf32>
              %add3A_834 = arith.addf %gather3A_820, %mul3A_625 : vector<16xf32>
              %sub3A_835 = arith.subf %add3A_834, %mul3A_833 : vector<16xf32>
              %add3A_836 = arith.constant 9.99999996E-13 : f32
              %add3A_837 = vector.broadcast %add3A_836 : f32 to vector<16xf32>
              %add3A_838 = arith.addf %sub3A_835, %add3A_837 : vector<16xf32>
              %div3A_839 = arith.divf %mul3A_833, %add3A_838 : vector<16xf32>
              %gt3A_840 = arith.constant 4.500000e-01 : f32
              %gt3A_841 = vector.broadcast %gt3A_840 : f32 to vector<16xf32>
              %gt3A_842 = arith.cmpf ogt, %div3A_839, %gt3A_841 : vector<16xf32>
              %gt3A_843 = arith.cmpi sgt, %iota3A, %broadcast_in_dim3A_757 : vector<16xi32>
              %and3A_844 = arith.andi %gt3A_842, %gt3A_843 : vector<16xi1>
              %and3A_845 = arith.andi %and3A_844, %eq3A_770 : vector<16xi1>
              %convert_element_type3A_846 = arith.extui %and3A_845 : vector<16xi1> to vector<16xi32>
              %or3A = arith.ori %while3A_756, %convert_element_type3A_846 : vector<16xi32>
              scf.yield %or3A : vector<16xi32>
            }
            %ne3A_641 = arith.constant 0 : i32
            %ne3A_642 = vector.broadcast %ne3A_641 : i32 to vector<16xi32>
            %ne3A_643 = arith.cmpi ne, %while3A_640, %ne3A_642 : vector<16xi32>
            %not3A = arith.constant dense<true> : vector<16xi1>
            %not3A_644 = arith.xori %ne3A_643, %not3A : vector<16xi1>
            %and3A_645 = arith.andi %lt3A_626, %not3A_644 : vector<16xi1>
            %broadcast_in_dim3A_646 = vector.broadcast %select_n3A_74 : i32 to vector<16xi32>
            %lt3A_647 = arith.cmpi slt, %select_n3A_74, %squeeze3A_295 : i32
            %eq3A_648 = arith.cmpi eq, %select_n3A_606, %broadcast_in_dim3A_646 : vector<16xi32>
            %and3A_649 = arith.andi %eq3A_648, %ne3A_643 : vector<16xi1>
            %and3A_650 = arith.andi %and3A_649, %lt3A_626 : vector<16xi1>
            %all_reduce_population_count3A_651 = tpu.all_reduce %and3A_650 {dim = 0 : i64, kind = #tpu.reduction_kind<sum>} : vector<16xi1> -> vector<16xi32>
            %slice3A_652 = vector.extract_strided_slice %all_reduce_population_count3A_651 {offsets = [0], sizes = [1], strides = [1]} : vector<16xi32> to vector<1xi32>
            %squeeze3A_653 = vector.extract %slice3A_652[0] : i32 from vector<1xi32>
            %jit3A_654 = arith.constant 16 : i32
            %div3A_655 = arith.divsi %select_n3A_74, %jit3A_654 : i32
            %sign3A_656 = arith.constant 0 : i32
            %sign3A_657 = arith.cmpi sgt, %select_n3A_74, %sign3A_656 : i32
            %sign3A_658 = arith.extui %sign3A_657 : i1 to i32
            %sign3A_659 = arith.constant 0 : i32
            %sign3A_660 = arith.cmpi slt, %select_n3A_74, %sign3A_659 : i32
            %sign3A_661 = arith.extui %sign3A_660 : i1 to i32
            %sign3A_662 = arith.subi %sign3A_658, %sign3A_661 : i32
            %sign3A_663 = arith.constant 0 : i32
            %sign3A_664 = arith.cmpi sgt, %jit3A_654, %sign3A_663 : i32
            %sign3A_665 = arith.extui %sign3A_664 : i1 to i32
            %sign3A_666 = arith.constant 0 : i32
            %sign3A_667 = arith.cmpi slt, %jit3A_654, %sign3A_666 : i32
            %sign3A_668 = arith.extui %sign3A_667 : i1 to i32
            %sign3A_669 = arith.subi %sign3A_665, %sign3A_668 : i32
            %ne3A_670 = arith.cmpi ne, %sign3A_662, %sign3A_669 : i32
            %rem3A_671 = arith.remsi %select_n3A_74, %jit3A_654 : i32
            %ne3A_672 = arith.constant 0 : i32
            %ne3A_673 = arith.cmpi ne, %rem3A_671, %ne3A_672 : i32
            %and3A_674 = arith.andi %ne3A_670, %ne3A_673 : i1
            %sub3A_675 = arith.constant 1 : i32
            %sub3A_676 = arith.subi %div3A_655, %sub3A_675 : i32
            %select_n3A_677 = arith.select %and3A_674, %sub3A_676, %div3A_655 : i32
            %min3A_678 = arith.constant 1263 : i32
            %min3A_679 = arith.minsi %select_n3A_677, %min3A_678 : i32
            %broadcast_in_dim3A_680 = vector.broadcast %min3A_679 : i32 to vector<16xi32>
            %eq3A_681 = arith.constant 0 : i32
            %eq3A_682 = vector.broadcast %eq3A_681 : i32 to vector<16xi32>
            %eq3A_683 = arith.cmpi eq, %iota3A, %eq3A_682 : vector<16xi32>
            %and3A_684 = vector.broadcast %lt3A_647 : i1 to vector<16xi1>
            %and3A_685 = arith.andi %eq3A_683, %and3A_684 : vector<16xi1>
            %gt3A_686 = arith.constant 0 : i32
            %gt3A_687 = arith.cmpi sgt, %squeeze3A_653, %gt3A_686 : i32
            %and3A_688 = vector.broadcast %gt3A_687 : i1 to vector<16xi1>
            %and3A_689 = arith.andi %and3A_685, %and3A_688 : vector<16xi1>
            tpu.vector_store_idx %arg12[%broadcast_in_dim3A_680], %broadcast_in_dim3A_0 masked %and3A_689 : memref<1264xf32, #tpu.memory_space<vmem>>[vector<16xi32>], vector<16xf32>, vector<16xi1>
            %all_reduce_population_count3A_690 = tpu.all_reduce %and3A_645 {dim = 0 : i64, kind = #tpu.reduction_kind<sum>} : vector<16xi1> -> vector<16xi32>
            %slice3A_691 = vector.extract_strided_slice %all_reduce_population_count3A_690 {offsets = [0], sizes = [1], strides = [1]} : vector<16xi32> to vector<1xi32>
            %squeeze3A_692 = vector.extract %slice3A_691[0] : i32 from vector<1xi32>
            %swap3A_693 = arith.constant 0 : index
            %swap3A_694 = tpu.vector_load %arg16[%swap3A_693] masked %and3A_645 {strides = array<i32>} : memref<16xi32, #tpu.memory_space<vmem>>, vector<16xi32>, vector<16xi1>
            tpu.vector_store %arg16[%swap3A_693], %select_n3A_606 masked %and3A_645 {strides = array<i32>} : memref<16xi32, #tpu.memory_space<vmem>>, vector<16xi32>, vector<16xi1>
            %get3A_695 = arith.constant 0 : index
            %get3A_696 = tpu.vector_load %arg16[%get3A_695] {strides = array<i32>} : memref<16xi32, #tpu.memory_space<vmem>>, vector<16xi32>,
            %broadcast_in_dim3A_697 = vector.broadcast %squeeze3A_692 : i32 to vector<16xi32>
            %lt3A_698 = arith.cmpi slt, %iota3A, %broadcast_in_dim3A_697 : vector<16xi32>
            %gather3A_699 = tpu.vector_load_idx %arg8[%get3A_696] masked %lt3A_698 : memref<20224xf32, #tpu.memory_space<vmem>>[vector<16xi32>], vector<16xf32>, vector<16xi1>
            %gather3A_700 = tpu.vector_load_idx %arg9[%get3A_696] masked %lt3A_698 : memref<20224xf32, #tpu.memory_space<vmem>>[vector<16xi32>], vector<16xf32>, vector<16xi1>
            %gather3A_701 = tpu.vector_load_idx %arg10[%get3A_696] masked %lt3A_698 : memref<20224xf32, #tpu.memory_space<vmem>>[vector<16xi32>], vector<16xf32>, vector<16xi1>
            %gather3A_702 = tpu.vector_load_idx %arg11[%get3A_696] masked %lt3A_698 : memref<20224xf32, #tpu.memory_space<vmem>>[vector<16xi32>], vector<16xf32>, vector<16xi1>
            %sub3A_703 = arith.subf %gather3A_701, %gather3A_699 : vector<16xf32>
            %max3A_704 = arith.constant 0.000000e+00 : f32
            %max3A_705 = vector.broadcast %max3A_704 : f32 to vector<16xf32>
            %max3A_706 = arith.maximumf %sub3A_703, %max3A_705 : vector<16xf32>
            %sub3A_707 = arith.subf %gather3A_702, %gather3A_700 : vector<16xf32>
            %max3A_708 = arith.constant 0.000000e+00 : f32
            %max3A_709 = vector.broadcast %max3A_708 : f32 to vector<16xf32>
            %max3A_710 = arith.maximumf %sub3A_707, %max3A_709 : vector<16xf32>
            %mul3A_711 = arith.mulf %max3A_706, %max3A_710 : vector<16xf32>
            %jit3A_712 = arith.constant 1 : i32
            %jit3A_713 = arith.constant 0 : i32
            %select_n3A_714 = arith.select %lt3A_647, %jit3A_712, %jit3A_713 : i32
            %sub3A_715 = arith.subi %scan3A_49, %select_n3A_714 : i32
            %add3A_716 = arith.constant 15 : i32
            %add3A_717 = arith.addi %sub3A_715, %add3A_716 : i32
            %jit3A_718 = arith.constant 16 : i32
            %div3A_719 = arith.divsi %add3A_717, %jit3A_718 : i32
            %sign3A_720 = arith.constant 0 : i32
            %sign3A_721 = arith.cmpi sgt, %add3A_717, %sign3A_720 : i32
            %sign3A_722 = arith.extui %sign3A_721 : i1 to i32
            %sign3A_723 = arith.constant 0 : i32
            %sign3A_724 = arith.cmpi slt, %add3A_717, %sign3A_723 : i32
            %sign3A_725 = arith.extui %sign3A_724 : i1 to i32
            %sign3A_726 = arith.subi %sign3A_722, %sign3A_725 : i32
            %sign3A_727 = arith.constant 0 : i32
            %sign3A_728 = arith.cmpi sgt, %jit3A_718, %sign3A_727 : i32
            %sign3A_729 = arith.extui %sign3A_728 : i1 to i32
            %sign3A_730 = arith.constant 0 : i32
            %sign3A_731 = arith.cmpi slt, %jit3A_718, %sign3A_730 : i32
            %sign3A_732 = arith.extui %sign3A_731 : i1 to i32
            %sign3A_733 = arith.subi %sign3A_729, %sign3A_732 : i32
            %ne3A_734 = arith.cmpi ne, %sign3A_726, %sign3A_733 : i32
            %rem3A_735 = arith.remsi %add3A_717, %jit3A_718 : i32
            %ne3A_736 = arith.constant 0 : i32
            %ne3A_737 = arith.cmpi ne, %rem3A_735, %ne3A_736 : i32
            %and3A_738 = arith.andi %ne3A_734, %ne3A_737 : i1
            %sub3A_739 = arith.constant 1 : i32
            %sub3A_740 = arith.subi %div3A_719, %sub3A_739 : i32
            %select_n3A_741 = arith.select %and3A_738, %sub3A_740, %div3A_719 : i32
            %while3A_742 = arith.constant 0 : i32
            %while3A_743 = arith.constant 0 : i32
            %while3A_744 = arith.subi %select_n3A_741, %while3A_742 : i32
            %while3A_745 = arith.addi %while3A_742, %while3A_744 : i32
            %while3A_746 = arith.constant 1 : i32
            %while3A_747 = arith.divsi %while3A_744, %while3A_746 : i32
            %while3A_748 = arith.muli %while3A_747, %while3A_746 : i32
            %while3A_749 = arith.addi %while3A_742, %while3A_748 : i32
            %while3A_750 = arith.constant 1 : i32
            %while3A_751 = scf.for %while3A_755 = %while3A_742 to %while3A_749 step %while3A_750 iter_args(%while3A_756 = %while3A_743) -> (i32)  : i32 {
              %mul3A_757 = arith.constant 16 : i32
              %mul3A_758 = arith.muli %while3A_755, %mul3A_757 : i32
              %add3A_759 = arith.addi %select_n3A_714, %mul3A_758 : i32
              %get3A_760 = arith.index_cast %add3A_759 : i32 to index
              %get3A_761 = tpu.vector_load %arg13[%get3A_760] {strides = array<i32>} : memref<1280xi32, #tpu.memory_space<vmem>>, vector<16xi32>,
              %mul3A_762 = arith.constant 16 : i32
              %mul3A_763 = arith.muli %while3A_755, %mul3A_762 : i32
              %add3A_764 = vector.broadcast %mul3A_763 : i32 to vector<16xi32>
              %add3A_765 = arith.addi %add3A_764, %iota3A : vector<16xi32>
              %lt3A_766 = vector.broadcast %sub3A_715 : i32 to vector<16xi32>
              %lt3A_767 = arith.cmpi slt, %add3A_765, %lt3A_766 : vector<16xi32>
              %gather3A_768 = tpu.vector_load_idx %arg8[%get3A_761] masked %lt3A_767 : memref<20224xf32, #tpu.memory_space<vmem>>[vector<16xi32>], vector<16xf32>, vector<16xi1>
              %gather3A_769 = tpu.vector_load_idx %arg9[%get3A_761] masked %lt3A_767 : memref<20224xf32, #tpu.memory_space<vmem>>[vector<16xi32>], vector<16xf32>, vector<16xi1>
              %gather3A_770 = tpu.vector_load_idx %arg10[%get3A_761] masked %lt3A_767 : memref<20224xf32, #tpu.memory_space<vmem>>[vector<16xi32>], vector<16xf32>, vector<16xi1>
              %gather3A_771 = tpu.vector_load_idx %arg11[%get3A_761] masked %lt3A_767 : memref<20224xf32, #tpu.memory_space<vmem>>[vector<16xi32>], vector<16xf32>, vector<16xi1>
              %sub3A_772 = arith.subf %gather3A_770, %gather3A_768 : vector<16xf32>
              %max3A_773 = arith.constant 0.000000e+00 : f32
              %max3A_774 = vector.broadcast %max3A_773 : f32 to vector<16xf32>
              %max3A_775 = arith.maximumf %sub3A_772, %max3A_774 : vector<16xf32>
              %sub3A_776 = arith.subf %gather3A_771, %gather3A_769 : vector<16xf32>
              %max3A_777 = arith.constant 0.000000e+00 : f32
              %max3A_778 = vector.broadcast %max3A_777 : f32 to vector<16xf32>
              %max3A_779 = arith.maximumf %sub3A_776, %max3A_778 : vector<16xf32>
              %mul3A_780 = arith.mulf %max3A_775, %max3A_779 : vector<16xf32>
              %broadcast_in_dim3A_781 = arith.constant 0 : i32
              %broadcast_in_dim3A_782 = vector.broadcast %broadcast_in_dim3A_781 : i32 to vector<16xi32>
              %while3A_783 = arith.constant 0 : i32
              %while3A_784 = arith.subi %squeeze3A_692, %while3A_783 : i32
              %while3A_785 = arith.addi %while3A_783, %while3A_784 : i32
              %while3A_786 = arith.constant 1 : i32
              %while3A_787 = arith.divsi %while3A_784, %while3A_786 : i32
              %while3A_788 = arith.muli %while3A_787, %while3A_786 : i32
              %while3A_789 = arith.addi %while3A_783, %while3A_788 : i32
              %while3A_790 = arith.constant 1 : i32
              %while3A_791 = scf.for %while3A_839 = %while3A_783 to %while3A_789 step %while3A_790 iter_args(%while3A_840 = %broadcast_in_dim3A_782) -> (vector<16xi32>)  : i32 {
                %broadcast_in_dim3A_841 = vector.broadcast %while3A_839 : i32 to vector<16xi32>
                %lt3A_842 = arith.constant 0 : i32
                %lt3A_843 = vector.broadcast %lt3A_842 : i32 to vector<16xi32>
                %lt3A_844 = arith.cmpi slt, %broadcast_in_dim3A_841, %lt3A_843 : vector<16xi32>
                %add3A_845 = arith.constant 16 : i32
                %add3A_846 = vector.broadcast %add3A_845 : i32 to vector<16xi32>
                %add3A_847 = arith.addi %broadcast_in_dim3A_841, %add3A_846 : vector<16xi32>
                %select_n3A_848 = arith.select %lt3A_844, %add3A_847, %broadcast_in_dim3A_841 : vector<16xi1>, vector<16xi32>
                %broadcast_in_dim3A_849 = vector.shape_cast %select_n3A_848 : vector<16xi32> to vector<16x1xi32>
                %gather3A_850 = vector.shape_cast %broadcast_in_dim3A_849 : vector<16x1xi32> to vector<16xi32>
                %gather3A_851 = tpu.dynamic_gather %gather3A_699[%gather3A_850] in [0] : vector<16xf32>, vector<16xi32> -> vector<16xf32>
                %lt3A_852 = arith.constant 0 : i32
                %lt3A_853 = vector.broadcast %lt3A_852 : i32 to vector<16xi32>
                %lt3A_854 = arith.cmpi slt, %broadcast_in_dim3A_841, %lt3A_853 : vector<16xi32>
                %add3A_855 = arith.constant 16 : i32
                %add3A_856 = vector.broadcast %add3A_855 : i32 to vector<16xi32>
                %add3A_857 = arith.addi %broadcast_in_dim3A_841, %add3A_856 : vector<16xi32>
                %select_n3A_858 = arith.select %lt3A_854, %add3A_857, %broadcast_in_dim3A_841 : vector<16xi1>, vector<16xi32>
                %broadcast_in_dim3A_859 = vector.shape_cast %select_n3A_858 : vector<16xi32> to vector<16x1xi32>
                %gather3A_860 = vector.shape_cast %broadcast_in_dim3A_859 : vector<16x1xi32> to vector<16xi32>
                %gather3A_861 = tpu.dynamic_gather %gather3A_700[%gather3A_860] in [0] : vector<16xf32>, vector<16xi32> -> vector<16xf32>
                %lt3A_862 = arith.constant 0 : i32
                %lt3A_863 = vector.broadcast %lt3A_862 : i32 to vector<16xi32>
                %lt3A_864 = arith.cmpi slt, %broadcast_in_dim3A_841, %lt3A_863 : vector<16xi32>
                %add3A_865 = arith.constant 16 : i32
                %add3A_866 = vector.broadcast %add3A_865 : i32 to vector<16xi32>
                %add3A_867 = arith.addi %broadcast_in_dim3A_841, %add3A_866 : vector<16xi32>
                %select_n3A_868 = arith.select %lt3A_864, %add3A_867, %broadcast_in_dim3A_841 : vector<16xi1>, vector<16xi32>
                %broadcast_in_dim3A_869 = vector.shape_cast %select_n3A_868 : vector<16xi32> to vector<16x1xi32>
                %gather3A_870 = vector.shape_cast %broadcast_in_dim3A_869 : vector<16x1xi32> to vector<16xi32>
                %gather3A_871 = tpu.dynamic_gather %gather3A_701[%gather3A_870] in [0] : vector<16xf32>, vector<16xi32> -> vector<16xf32>
                %lt3A_872 = arith.constant 0 : i32
                %lt3A_873 = vector.broadcast %lt3A_872 : i32 to vector<16xi32>
                %lt3A_874 = arith.cmpi slt, %broadcast_in_dim3A_841, %lt3A_873 : vector<16xi32>
                %add3A_875 = arith.constant 16 : i32
                %add3A_876 = vector.broadcast %add3A_875 : i32 to vector<16xi32>
                %add3A_877 = arith.addi %broadcast_in_dim3A_841, %add3A_876 : vector<16xi32>
                %select_n3A_878 = arith.select %lt3A_874, %add3A_877, %broadcast_in_dim3A_841 : vector<16xi1>, vector<16xi32>
                %broadcast_in_dim3A_879 = vector.shape_cast %select_n3A_878 : vector<16xi32> to vector<16x1xi32>
                %gather3A_880 = vector.shape_cast %broadcast_in_dim3A_879 : vector<16x1xi32> to vector<16xi32>
                %gather3A_881 = tpu.dynamic_gather %gather3A_702[%gather3A_880] in [0] : vector<16xf32>, vector<16xi32> -> vector<16xf32>
                %lt3A_882 = arith.constant 0 : i32
                %lt3A_883 = vector.broadcast %lt3A_882 : i32 to vector<16xi32>
                %lt3A_884 = arith.cmpi slt, %broadcast_in_dim3A_841, %lt3A_883 : vector<16xi32>
                %add3A_885 = arith.constant 16 : i32
                %add3A_886 = vector.broadcast %add3A_885 : i32 to vector<16xi32>
                %add3A_887 = arith.addi %broadcast_in_dim3A_841, %add3A_886 : vector<16xi32>
                %select_n3A_888 = arith.select %lt3A_884, %add3A_887, %broadcast_in_dim3A_841 : vector<16xi1>, vector<16xi32>
                %broadcast_in_dim3A_889 = vector.shape_cast %select_n3A_888 : vector<16xi32> to vector<16x1xi32>
                %gather3A_890 = vector.shape_cast %broadcast_in_dim3A_889 : vector<16x1xi32> to vector<16xi32>
                %gather3A_891 = tpu.dynamic_gather %mul3A_711[%gather3A_890] in [0] : vector<16xf32>, vector<16xi32> -> vector<16xf32>
                %max3A_892 = arith.maximumf %gather3A_768, %gather3A_851 : vector<16xf32>
                %max3A_893 = arith.maximumf %gather3A_769, %gather3A_861 : vector<16xf32>
                %min3A_894 = arith.minimumf %gather3A_770, %gather3A_871 : vector<16xf32>
                %min3A_895 = arith.minimumf %gather3A_771, %gather3A_881 : vector<16xf32>
                %sub3A_896 = arith.subf %min3A_894, %max3A_892 : vector<16xf32>
                %max3A_897 = arith.constant 0.000000e+00 : f32
                %max3A_898 = vector.broadcast %max3A_897 : f32 to vector<16xf32>
                %max3A_899 = arith.maximumf %sub3A_896, %max3A_898 : vector<16xf32>
                %sub3A_900 = arith.subf %min3A_895, %max3A_893 : vector<16xf32>
                %max3A_901 = arith.constant 0.000000e+00 : f32
                %max3A_902 = vector.broadcast %max3A_901 : f32 to vector<16xf32>
                %max3A_903 = arith.maximumf %sub3A_900, %max3A_902 : vector<16xf32>
                %mul3A_904 = arith.mulf %max3A_899, %max3A_903 : vector<16xf32>
                %add3A_905 = arith.addf %gather3A_891, %mul3A_780 : vector<16xf32>
                %sub3A_906 = arith.subf %add3A_905, %mul3A_904 : vector<16xf32>
                %add3A_907 = arith.constant 9.99999996E-13 : f32
                %add3A_908 = vector.broadcast %add3A_907 : f32 to vector<16xf32>
                %add3A_909 = arith.addf %sub3A_906, %add3A_908 : vector<16xf32>
                %div3A_910 = arith.divf %mul3A_904, %add3A_909 : vector<16xf32>
                %gt3A_911 = arith.constant 4.500000e-01 : f32
                %gt3A_912 = vector.broadcast %gt3A_911 : f32 to vector<16xf32>
                %gt3A_913 = arith.cmpf ogt, %div3A_910, %gt3A_912 : vector<16xf32>
                %convert_element_type3A_914 = arith.extui %gt3A_913 : vector<16xi1> to vector<16xi32>
                %or3A = arith.ori %while3A_840, %convert_element_type3A_914 : vector<16xi32>
                scf.yield %or3A : vector<16xi32>
              }
              %while3A_792 = arith.constant 1 : i32
              %while3A_793 = scf.for %while3A_839 = %while3A_789 to %while3A_785 step %while3A_792 iter_args(%while3A_840 = %while3A_791) -> (vector<16xi32>)  : i32 {
                %broadcast_in_dim3A_841 = vector.broadcast %while3A_839 : i32 to vector<16xi32>
                %lt3A_842 = arith.constant 0 : i32
                %lt3A_843 = vector.broadcast %lt3A_842 : i32 to vector<16xi32>
                %lt3A_844 = arith.cmpi slt, %broadcast_in_dim3A_841, %lt3A_843 : vector<16xi32>
                %add3A_845 = arith.constant 16 : i32
                %add3A_846 = vector.broadcast %add3A_845 : i32 to vector<16xi32>
                %add3A_847 = arith.addi %broadcast_in_dim3A_841, %add3A_846 : vector<16xi32>
                %select_n3A_848 = arith.select %lt3A_844, %add3A_847, %broadcast_in_dim3A_841 : vector<16xi1>, vector<16xi32>
                %broadcast_in_dim3A_849 = vector.shape_cast %select_n3A_848 : vector<16xi32> to vector<16x1xi32>
                %gather3A_850 = vector.shape_cast %broadcast_in_dim3A_849 : vector<16x1xi32> to vector<16xi32>
                %gather3A_851 = tpu.dynamic_gather %gather3A_699[%gather3A_850] in [0] : vector<16xf32>, vector<16xi32> -> vector<16xf32>
                %lt3A_852 = arith.constant 0 : i32
                %lt3A_853 = vector.broadcast %lt3A_852 : i32 to vector<16xi32>
                %lt3A_854 = arith.cmpi slt, %broadcast_in_dim3A_841, %lt3A_853 : vector<16xi32>
                %add3A_855 = arith.constant 16 : i32
                %add3A_856 = vector.broadcast %add3A_855 : i32 to vector<16xi32>
                %add3A_857 = arith.addi %broadcast_in_dim3A_841, %add3A_856 : vector<16xi32>
                %select_n3A_858 = arith.select %lt3A_854, %add3A_857, %broadcast_in_dim3A_841 : vector<16xi1>, vector<16xi32>
                %broadcast_in_dim3A_859 = vector.shape_cast %select_n3A_858 : vector<16xi32> to vector<16x1xi32>
                %gather3A_860 = vector.shape_cast %broadcast_in_dim3A_859 : vector<16x1xi32> to vector<16xi32>
                %gather3A_861 = tpu.dynamic_gather %gather3A_700[%gather3A_860] in [0] : vector<16xf32>, vector<16xi32> -> vector<16xf32>
                %lt3A_862 = arith.constant 0 : i32
                %lt3A_863 = vector.broadcast %lt3A_862 : i32 to vector<16xi32>
                %lt3A_864 = arith.cmpi slt, %broadcast_in_dim3A_841, %lt3A_863 : vector<16xi32>
                %add3A_865 = arith.constant 16 : i32
                %add3A_866 = vector.broadcast %add3A_865 : i32 to vector<16xi32>
                %add3A_867 = arith.addi %broadcast_in_dim3A_841, %add3A_866 : vector<16xi32>
                %select_n3A_868 = arith.select %lt3A_864, %add3A_867, %broadcast_in_dim3A_841 : vector<16xi1>, vector<16xi32>
                %broadcast_in_dim3A_869 = vector.shape_cast %select_n3A_868 : vector<16xi32> to vector<16x1xi32>
                %gather3A_870 = vector.shape_cast %broadcast_in_dim3A_869 : vector<16x1xi32> to vector<16xi32>
                %gather3A_871 = tpu.dynamic_gather %gather3A_701[%gather3A_870] in [0] : vector<16xf32>, vector<16xi32> -> vector<16xf32>
                %lt3A_872 = arith.constant 0 : i32
                %lt3A_873 = vector.broadcast %lt3A_872 : i32 to vector<16xi32>
                %lt3A_874 = arith.cmpi slt, %broadcast_in_dim3A_841, %lt3A_873 : vector<16xi32>
                %add3A_875 = arith.constant 16 : i32
                %add3A_876 = vector.broadcast %add3A_875 : i32 to vector<16xi32>
                %add3A_877 = arith.addi %broadcast_in_dim3A_841, %add3A_876 : vector<16xi32>
                %select_n3A_878 = arith.select %lt3A_874, %add3A_877, %broadcast_in_dim3A_841 : vector<16xi1>, vector<16xi32>
                %broadcast_in_dim3A_879 = vector.shape_cast %select_n3A_878 : vector<16xi32> to vector<16x1xi32>
                %gather3A_880 = vector.shape_cast %broadcast_in_dim3A_879 : vector<16x1xi32> to vector<16xi32>
                %gather3A_881 = tpu.dynamic_gather %gather3A_702[%gather3A_880] in [0] : vector<16xf32>, vector<16xi32> -> vector<16xf32>
                %lt3A_882 = arith.constant 0 : i32
                %lt3A_883 = vector.broadcast %lt3A_882 : i32 to vector<16xi32>
                %lt3A_884 = arith.cmpi slt, %broadcast_in_dim3A_841, %lt3A_883 : vector<16xi32>
                %add3A_885 = arith.constant 16 : i32
                %add3A_886 = vector.broadcast %add3A_885 : i32 to vector<16xi32>
                %add3A_887 = arith.addi %broadcast_in_dim3A_841, %add3A_886 : vector<16xi32>
                %select_n3A_888 = arith.select %lt3A_884, %add3A_887, %broadcast_in_dim3A_841 : vector<16xi1>, vector<16xi32>
                %broadcast_in_dim3A_889 = vector.shape_cast %select_n3A_888 : vector<16xi32> to vector<16x1xi32>
                %gather3A_890 = vector.shape_cast %broadcast_in_dim3A_889 : vector<16x1xi32> to vector<16xi32>
                %gather3A_891 = tpu.dynamic_gather %mul3A_711[%gather3A_890] in [0] : vector<16xf32>, vector<16xi32> -> vector<16xf32>
                %max3A_892 = arith.maximumf %gather3A_768, %gather3A_851 : vector<16xf32>
                %max3A_893 = arith.maximumf %gather3A_769, %gather3A_861 : vector<16xf32>
                %min3A_894 = arith.minimumf %gather3A_770, %gather3A_871 : vector<16xf32>
                %min3A_895 = arith.minimumf %gather3A_771, %gather3A_881 : vector<16xf32>
                %sub3A_896 = arith.subf %min3A_894, %max3A_892 : vector<16xf32>
                %max3A_897 = arith.constant 0.000000e+00 : f32
                %max3A_898 = vector.broadcast %max3A_897 : f32 to vector<16xf32>
                %max3A_899 = arith.maximumf %sub3A_896, %max3A_898 : vector<16xf32>
                %sub3A_900 = arith.subf %min3A_895, %max3A_893 : vector<16xf32>
                %max3A_901 = arith.constant 0.000000e+00 : f32
                %max3A_902 = vector.broadcast %max3A_901 : f32 to vector<16xf32>
                %max3A_903 = arith.maximumf %sub3A_900, %max3A_902 : vector<16xf32>
                %mul3A_904 = arith.mulf %max3A_899, %max3A_903 : vector<16xf32>
                %add3A_905 = arith.addf %gather3A_891, %mul3A_780 : vector<16xf32>
                %sub3A_906 = arith.subf %add3A_905, %mul3A_904 : vector<16xf32>
                %add3A_907 = arith.constant 9.99999996E-13 : f32
                %add3A_908 = vector.broadcast %add3A_907 : f32 to vector<16xf32>
                %add3A_909 = arith.addf %sub3A_906, %add3A_908 : vector<16xf32>
                %div3A_910 = arith.divf %mul3A_904, %add3A_909 : vector<16xf32>
                %gt3A_911 = arith.constant 4.500000e-01 : f32
                %gt3A_912 = vector.broadcast %gt3A_911 : f32 to vector<16xf32>
                %gt3A_913 = arith.cmpf ogt, %div3A_910, %gt3A_912 : vector<16xf32>
                %convert_element_type3A_914 = arith.extui %gt3A_913 : vector<16xi1> to vector<16xi32>
                %or3A = arith.ori %while3A_840, %convert_element_type3A_914 : vector<16xi32>
                scf.yield %or3A : vector<16xi32>
              }
              %ne3A_794 = arith.constant 0 : i32
              %ne3A_795 = vector.broadcast %ne3A_794 : i32 to vector<16xi32>
              %ne3A_796 = arith.cmpi ne, %while3A_793, %ne3A_795 : vector<16xi32>
              %and3A_797 = arith.andi %ne3A_796, %lt3A_767 : vector<16xi1>
              %eq3A_798 = arith.constant 0 : i32
              %eq3A_799 = vector.broadcast %eq3A_798 : i32 to vector<16xi32>
              %eq3A_800 = arith.cmpi eq, %while3A_793, %eq3A_799 : vector<16xi32>
              %and3A_801 = arith.andi %lt3A_767, %eq3A_800 : vector<16xi1>
              %jit3A_802 = arith.constant 16 : i32
              %div3A_803 = vector.broadcast %jit3A_802 : i32 to vector<16xi32>
              %div3A_804 = arith.divsi %get3A_761, %div3A_803 : vector<16xi32>
              %sign3A_805 = arith.constant 0 : i32
              %sign3A_806 = vector.broadcast %sign3A_805 : i32 to vector<16xi32>
              %sign3A_807 = arith.cmpi sgt, %get3A_761, %sign3A_806 : vector<16xi32>
              %sign3A_808 = arith.extui %sign3A_807 : vector<16xi1> to vector<16xi32>
              %sign3A_809 = arith.constant 0 : i32
              %sign3A_810 = vector.broadcast %sign3A_809 : i32 to vector<16xi32>
              %sign3A_811 = arith.cmpi slt, %get3A_761, %sign3A_810 : vector<16xi32>
              %sign3A_812 = arith.extui %sign3A_811 : vector<16xi1> to vector<16xi32>
              %sign3A_813 = arith.subi %sign3A_808, %sign3A_812 : vector<16xi32>
              %sign3A_814 = arith.constant 0 : i32
              %sign3A_815 = arith.cmpi sgt, %jit3A_802, %sign3A_814 : i32
              %sign3A_816 = arith.extui %sign3A_815 : i1 to i32
              %sign3A_817 = arith.constant 0 : i32
              %sign3A_818 = arith.cmpi slt, %jit3A_802, %sign3A_817 : i32
              %sign3A_819 = arith.extui %sign3A_818 : i1 to i32
              %sign3A_820 = arith.subi %sign3A_816, %sign3A_819 : i32
              %ne3A_821 = vector.broadcast %sign3A_820 : i32 to vector<16xi32>
              %ne3A_822 = arith.cmpi ne, %sign3A_813, %ne3A_821 : vector<16xi32>
              %rem3A_823 = vector.broadcast %jit3A_802 : i32 to vector<16xi32>
              %rem3A_824 = arith.remsi %get3A_761, %rem3A_823 : vector<16xi32>
              %ne3A_825 = arith.constant 0 : i32
              %ne3A_826 = vector.broadcast %ne3A_825 : i32 to vector<16xi32>
              %ne3A_827 = arith.cmpi ne, %rem3A_824, %ne3A_826 : vector<16xi32>
              %and3A_828 = arith.andi %ne3A_822, %ne3A_827 : vector<16xi1>
              %sub3A_829 = arith.constant 1 : i32
              %sub3A_830 = vector.broadcast %sub3A_829 : i32 to vector<16xi32>
              %sub3A_831 = arith.subi %div3A_804, %sub3A_830 : vector<16xi32>
              %select_n3A_832 = arith.select %and3A_828, %sub3A_831, %div3A_804 : vector<16xi1>, vector<16xi32>
              tpu.vector_store_idx %arg12[%select_n3A_832], %broadcast_in_dim3A_0 masked %and3A_797 : memref<1264xf32, #tpu.memory_space<vmem>>[vector<16xi32>], vector<16xf32>, vector<16xi1>
              %swap3A_833 = arith.index_cast %while3A_756 : i32 to index
              %swap3A_834 = tpu.vector_load %arg13[%swap3A_833] masked %and3A_801 {strides = array<i32>} : memref<1280xi32, #tpu.memory_space<vmem>>, vector<16xi32>, vector<16xi1>
              tpu.vector_store %arg13[%swap3A_833], %get3A_761 masked %and3A_801 {strides = array<i32>} : memref<1280xi32, #tpu.memory_space<vmem>>, vector<16xi32>, vector<16xi1>
              %all_reduce_population_count3A_835 = tpu.all_reduce %and3A_801 {dim = 0 : i64, kind = #tpu.reduction_kind<sum>} : vector<16xi1> -> vector<16xi32>
              %slice3A_836 = vector.extract_strided_slice %all_reduce_population_count3A_835 {offsets = [0], sizes = [1], strides = [1]} : vector<16xi32> to vector<1xi32>
              %squeeze3A_837 = vector.extract %slice3A_836[0] : i32 from vector<1xi32>
              %add3A_838 = arith.addi %while3A_756, %squeeze3A_837 : i32
              scf.yield %add3A_838 : i32
            }
            %while3A_752 = arith.constant 1 : i32
            %while3A_753 = scf.for %while3A_755 = %while3A_749 to %while3A_745 step %while3A_752 iter_args(%while3A_756 = %while3A_751) -> (i32)  : i32 {
              %mul3A_757 = arith.constant 16 : i32
              %mul3A_758 = arith.muli %while3A_755, %mul3A_757 : i32
              %add3A_759 = arith.addi %select_n3A_714, %mul3A_758 : i32
              %get3A_760 = arith.index_cast %add3A_759 : i32 to index
              %get3A_761 = tpu.vector_load %arg13[%get3A_760] {strides = array<i32>} : memref<1280xi32, #tpu.memory_space<vmem>>, vector<16xi32>,
              %mul3A_762 = arith.constant 16 : i32
              %mul3A_763 = arith.muli %while3A_755, %mul3A_762 : i32
              %add3A_764 = vector.broadcast %mul3A_763 : i32 to vector<16xi32>
              %add3A_765 = arith.addi %add3A_764, %iota3A : vector<16xi32>
              %lt3A_766 = vector.broadcast %sub3A_715 : i32 to vector<16xi32>
              %lt3A_767 = arith.cmpi slt, %add3A_765, %lt3A_766 : vector<16xi32>
              %gather3A_768 = tpu.vector_load_idx %arg8[%get3A_761] masked %lt3A_767 : memref<20224xf32, #tpu.memory_space<vmem>>[vector<16xi32>], vector<16xf32>, vector<16xi1>
              %gather3A_769 = tpu.vector_load_idx %arg9[%get3A_761] masked %lt3A_767 : memref<20224xf32, #tpu.memory_space<vmem>>[vector<16xi32>], vector<16xf32>, vector<16xi1>
              %gather3A_770 = tpu.vector_load_idx %arg10[%get3A_761] masked %lt3A_767 : memref<20224xf32, #tpu.memory_space<vmem>>[vector<16xi32>], vector<16xf32>, vector<16xi1>
              %gather3A_771 = tpu.vector_load_idx %arg11[%get3A_761] masked %lt3A_767 : memref<20224xf32, #tpu.memory_space<vmem>>[vector<16xi32>], vector<16xf32>, vector<16xi1>
              %sub3A_772 = arith.subf %gather3A_770, %gather3A_768 : vector<16xf32>
              %max3A_773 = arith.constant 0.000000e+00 : f32
              %max3A_774 = vector.broadcast %max3A_773 : f32 to vector<16xf32>
              %max3A_775 = arith.maximumf %sub3A_772, %max3A_774 : vector<16xf32>
              %sub3A_776 = arith.subf %gather3A_771, %gather3A_769 : vector<16xf32>
              %max3A_777 = arith.constant 0.000000e+00 : f32
              %max3A_778 = vector.broadcast %max3A_777 : f32 to vector<16xf32>
              %max3A_779 = arith.maximumf %sub3A_776, %max3A_778 : vector<16xf32>
              %mul3A_780 = arith.mulf %max3A_775, %max3A_779 : vector<16xf32>
              %broadcast_in_dim3A_781 = arith.constant 0 : i32
              %broadcast_in_dim3A_782 = vector.broadcast %broadcast_in_dim3A_781 : i32 to vector<16xi32>
              %while3A_783 = arith.constant 0 : i32
              %while3A_784 = arith.subi %squeeze3A_692, %while3A_783 : i32
              %while3A_785 = arith.addi %while3A_783, %while3A_784 : i32
              %while3A_786 = arith.constant 1 : i32
              %while3A_787 = arith.divsi %while3A_784, %while3A_786 : i32
              %while3A_788 = arith.muli %while3A_787, %while3A_786 : i32
              %while3A_789 = arith.addi %while3A_783, %while3A_788 : i32
              %while3A_790 = arith.constant 1 : i32
              %while3A_791 = scf.for %while3A_839 = %while3A_783 to %while3A_789 step %while3A_790 iter_args(%while3A_840 = %broadcast_in_dim3A_782) -> (vector<16xi32>)  : i32 {
                %broadcast_in_dim3A_841 = vector.broadcast %while3A_839 : i32 to vector<16xi32>
                %lt3A_842 = arith.constant 0 : i32
                %lt3A_843 = vector.broadcast %lt3A_842 : i32 to vector<16xi32>
                %lt3A_844 = arith.cmpi slt, %broadcast_in_dim3A_841, %lt3A_843 : vector<16xi32>
                %add3A_845 = arith.constant 16 : i32
                %add3A_846 = vector.broadcast %add3A_845 : i32 to vector<16xi32>
                %add3A_847 = arith.addi %broadcast_in_dim3A_841, %add3A_846 : vector<16xi32>
                %select_n3A_848 = arith.select %lt3A_844, %add3A_847, %broadcast_in_dim3A_841 : vector<16xi1>, vector<16xi32>
                %broadcast_in_dim3A_849 = vector.shape_cast %select_n3A_848 : vector<16xi32> to vector<16x1xi32>
                %gather3A_850 = vector.shape_cast %broadcast_in_dim3A_849 : vector<16x1xi32> to vector<16xi32>
                %gather3A_851 = tpu.dynamic_gather %gather3A_699[%gather3A_850] in [0] : vector<16xf32>, vector<16xi32> -> vector<16xf32>
                %lt3A_852 = arith.constant 0 : i32
                %lt3A_853 = vector.broadcast %lt3A_852 : i32 to vector<16xi32>
                %lt3A_854 = arith.cmpi slt, %broadcast_in_dim3A_841, %lt3A_853 : vector<16xi32>
                %add3A_855 = arith.constant 16 : i32
                %add3A_856 = vector.broadcast %add3A_855 : i32 to vector<16xi32>
                %add3A_857 = arith.addi %broadcast_in_dim3A_841, %add3A_856 : vector<16xi32>
                %select_n3A_858 = arith.select %lt3A_854, %add3A_857, %broadcast_in_dim3A_841 : vector<16xi1>, vector<16xi32>
                %broadcast_in_dim3A_859 = vector.shape_cast %select_n3A_858 : vector<16xi32> to vector<16x1xi32>
                %gather3A_860 = vector.shape_cast %broadcast_in_dim3A_859 : vector<16x1xi32> to vector<16xi32>
                %gather3A_861 = tpu.dynamic_gather %gather3A_700[%gather3A_860] in [0] : vector<16xf32>, vector<16xi32> -> vector<16xf32>
                %lt3A_862 = arith.constant 0 : i32
                %lt3A_863 = vector.broadcast %lt3A_862 : i32 to vector<16xi32>
                %lt3A_864 = arith.cmpi slt, %broadcast_in_dim3A_841, %lt3A_863 : vector<16xi32>
                %add3A_865 = arith.constant 16 : i32
                %add3A_866 = vector.broadcast %add3A_865 : i32 to vector<16xi32>
                %add3A_867 = arith.addi %broadcast_in_dim3A_841, %add3A_866 : vector<16xi32>
                %select_n3A_868 = arith.select %lt3A_864, %add3A_867, %broadcast_in_dim3A_841 : vector<16xi1>, vector<16xi32>
                %broadcast_in_dim3A_869 = vector.shape_cast %select_n3A_868 : vector<16xi32> to vector<16x1xi32>
                %gather3A_870 = vector.shape_cast %broadcast_in_dim3A_869 : vector<16x1xi32> to vector<16xi32>
                %gather3A_871 = tpu.dynamic_gather %gather3A_701[%gather3A_870] in [0] : vector<16xf32>, vector<16xi32> -> vector<16xf32>
                %lt3A_872 = arith.constant 0 : i32
                %lt3A_873 = vector.broadcast %lt3A_872 : i32 to vector<16xi32>
                %lt3A_874 = arith.cmpi slt, %broadcast_in_dim3A_841, %lt3A_873 : vector<16xi32>
                %add3A_875 = arith.constant 16 : i32
                %add3A_876 = vector.broadcast %add3A_875 : i32 to vector<16xi32>
                %add3A_877 = arith.addi %broadcast_in_dim3A_841, %add3A_876 : vector<16xi32>
                %select_n3A_878 = arith.select %lt3A_874, %add3A_877, %broadcast_in_dim3A_841 : vector<16xi1>, vector<16xi32>
                %broadcast_in_dim3A_879 = vector.shape_cast %select_n3A_878 : vector<16xi32> to vector<16x1xi32>
                %gather3A_880 = vector.shape_cast %broadcast_in_dim3A_879 : vector<16x1xi32> to vector<16xi32>
                %gather3A_881 = tpu.dynamic_gather %gather3A_702[%gather3A_880] in [0] : vector<16xf32>, vector<16xi32> -> vector<16xf32>
                %lt3A_882 = arith.constant 0 : i32
                %lt3A_883 = vector.broadcast %lt3A_882 : i32 to vector<16xi32>
                %lt3A_884 = arith.cmpi slt, %broadcast_in_dim3A_841, %lt3A_883 : vector<16xi32>
                %add3A_885 = arith.constant 16 : i32
                %add3A_886 = vector.broadcast %add3A_885 : i32 to vector<16xi32>
                %add3A_887 = arith.addi %broadcast_in_dim3A_841, %add3A_886 : vector<16xi32>
                %select_n3A_888 = arith.select %lt3A_884, %add3A_887, %broadcast_in_dim3A_841 : vector<16xi1>, vector<16xi32>
                %broadcast_in_dim3A_889 = vector.shape_cast %select_n3A_888 : vector<16xi32> to vector<16x1xi32>
                %gather3A_890 = vector.shape_cast %broadcast_in_dim3A_889 : vector<16x1xi32> to vector<16xi32>
                %gather3A_891 = tpu.dynamic_gather %mul3A_711[%gather3A_890] in [0] : vector<16xf32>, vector<16xi32> -> vector<16xf32>
                %max3A_892 = arith.maximumf %gather3A_768, %gather3A_851 : vector<16xf32>
                %max3A_893 = arith.maximumf %gather3A_769, %gather3A_861 : vector<16xf32>
                %min3A_894 = arith.minimumf %gather3A_770, %gather3A_871 : vector<16xf32>
                %min3A_895 = arith.minimumf %gather3A_771, %gather3A_881 : vector<16xf32>
                %sub3A_896 = arith.subf %min3A_894, %max3A_892 : vector<16xf32>
                %max3A_897 = arith.constant 0.000000e+00 : f32
                %max3A_898 = vector.broadcast %max3A_897 : f32 to vector<16xf32>
                %max3A_899 = arith.maximumf %sub3A_896, %max3A_898 : vector<16xf32>
                %sub3A_900 = arith.subf %min3A_895, %max3A_893 : vector<16xf32>
                %max3A_901 = arith.constant 0.000000e+00 : f32
                %max3A_902 = vector.broadcast %max3A_901 : f32 to vector<16xf32>
                %max3A_903 = arith.maximumf %sub3A_900, %max3A_902 : vector<16xf32>
                %mul3A_904 = arith.mulf %max3A_899, %max3A_903 : vector<16xf32>
                %add3A_905 = arith.addf %gather3A_891, %mul3A_780 : vector<16xf32>
                %sub3A_906 = arith.subf %add3A_905, %mul3A_904 : vector<16xf32>
                %add3A_907 = arith.constant 9.99999996E-13 : f32
                %add3A_908 = vector.broadcast %add3A_907 : f32 to vector<16xf32>
                %add3A_909 = arith.addf %sub3A_906, %add3A_908 : vector<16xf32>
                %div3A_910 = arith.divf %mul3A_904, %add3A_909 : vector<16xf32>
                %gt3A_911 = arith.constant 4.500000e-01 : f32
                %gt3A_912 = vector.broadcast %gt3A_911 : f32 to vector<16xf32>
                %gt3A_913 = arith.cmpf ogt, %div3A_910, %gt3A_912 : vector<16xf32>
                %convert_element_type3A_914 = arith.extui %gt3A_913 : vector<16xi1> to vector<16xi32>
                %or3A = arith.ori %while3A_840, %convert_element_type3A_914 : vector<16xi32>
                scf.yield %or3A : vector<16xi32>
              }
              %while3A_792 = arith.constant 1 : i32
              %while3A_793 = scf.for %while3A_839 = %while3A_789 to %while3A_785 step %while3A_792 iter_args(%while3A_840 = %while3A_791) -> (vector<16xi32>)  : i32 {
                %broadcast_in_dim3A_841 = vector.broadcast %while3A_839 : i32 to vector<16xi32>
                %lt3A_842 = arith.constant 0 : i32
                %lt3A_843 = vector.broadcast %lt3A_842 : i32 to vector<16xi32>
                %lt3A_844 = arith.cmpi slt, %broadcast_in_dim3A_841, %lt3A_843 : vector<16xi32>
                %add3A_845 = arith.constant 16 : i32
                %add3A_846 = vector.broadcast %add3A_845 : i32 to vector<16xi32>
                %add3A_847 = arith.addi %broadcast_in_dim3A_841, %add3A_846 : vector<16xi32>
                %select_n3A_848 = arith.select %lt3A_844, %add3A_847, %broadcast_in_dim3A_841 : vector<16xi1>, vector<16xi32>
                %broadcast_in_dim3A_849 = vector.shape_cast %select_n3A_848 : vector<16xi32> to vector<16x1xi32>
                %gather3A_850 = vector.shape_cast %broadcast_in_dim3A_849 : vector<16x1xi32> to vector<16xi32>
                %gather3A_851 = tpu.dynamic_gather %gather3A_699[%gather3A_850] in [0] : vector<16xf32>, vector<16xi32> -> vector<16xf32>
                %lt3A_852 = arith.constant 0 : i32
                %lt3A_853 = vector.broadcast %lt3A_852 : i32 to vector<16xi32>
                %lt3A_854 = arith.cmpi slt, %broadcast_in_dim3A_841, %lt3A_853 : vector<16xi32>
                %add3A_855 = arith.constant 16 : i32
                %add3A_856 = vector.broadcast %add3A_855 : i32 to vector<16xi32>
                %add3A_857 = arith.addi %broadcast_in_dim3A_841, %add3A_856 : vector<16xi32>
                %select_n3A_858 = arith.select %lt3A_854, %add3A_857, %broadcast_in_dim3A_841 : vector<16xi1>, vector<16xi32>
                %broadcast_in_dim3A_859 = vector.shape_cast %select_n3A_858 : vector<16xi32> to vector<16x1xi32>
                %gather3A_860 = vector.shape_cast %broadcast_in_dim3A_859 : vector<16x1xi32> to vector<16xi32>
                %gather3A_861 = tpu.dynamic_gather %gather3A_700[%gather3A_860] in [0] : vector<16xf32>, vector<16xi32> -> vector<16xf32>
                %lt3A_862 = arith.constant 0 : i32
                %lt3A_863 = vector.broadcast %lt3A_862 : i32 to vector<16xi32>
                %lt3A_864 = arith.cmpi slt, %broadcast_in_dim3A_841, %lt3A_863 : vector<16xi32>
                %add3A_865 = arith.constant 16 : i32
                %add3A_866 = vector.broadcast %add3A_865 : i32 to vector<16xi32>
                %add3A_867 = arith.addi %broadcast_in_dim3A_841, %add3A_866 : vector<16xi32>
                %select_n3A_868 = arith.select %lt3A_864, %add3A_867, %broadcast_in_dim3A_841 : vector<16xi1>, vector<16xi32>
                %broadcast_in_dim3A_869 = vector.shape_cast %select_n3A_868 : vector<16xi32> to vector<16x1xi32>
                %gather3A_870 = vector.shape_cast %broadcast_in_dim3A_869 : vector<16x1xi32> to vector<16xi32>
                %gather3A_871 = tpu.dynamic_gather %gather3A_701[%gather3A_870] in [0] : vector<16xf32>, vector<16xi32> -> vector<16xf32>
                %lt3A_872 = arith.constant 0 : i32
                %lt3A_873 = vector.broadcast %lt3A_872 : i32 to vector<16xi32>
                %lt3A_874 = arith.cmpi slt, %broadcast_in_dim3A_841, %lt3A_873 : vector<16xi32>
                %add3A_875 = arith.constant 16 : i32
                %add3A_876 = vector.broadcast %add3A_875 : i32 to vector<16xi32>
                %add3A_877 = arith.addi %broadcast_in_dim3A_841, %add3A_876 : vector<16xi32>
                %select_n3A_878 = arith.select %lt3A_874, %add3A_877, %broadcast_in_dim3A_841 : vector<16xi1>, vector<16xi32>
                %broadcast_in_dim3A_879 = vector.shape_cast %select_n3A_878 : vector<16xi32> to vector<16x1xi32>
                %gather3A_880 = vector.shape_cast %broadcast_in_dim3A_879 : vector<16x1xi32> to vector<16xi32>
                %gather3A_881 = tpu.dynamic_gather %gather3A_702[%gather3A_880] in [0] : vector<16xf32>, vector<16xi32> -> vector<16xf32>
                %lt3A_882 = arith.constant 0 : i32
                %lt3A_883 = vector.broadcast %lt3A_882 : i32 to vector<16xi32>
                %lt3A_884 = arith.cmpi slt, %broadcast_in_dim3A_841, %lt3A_883 : vector<16xi32>
                %add3A_885 = arith.constant 16 : i32
                %add3A_886 = vector.broadcast %add3A_885 : i32 to vector<16xi32>
                %add3A_887 = arith.addi %broadcast_in_dim3A_841, %add3A_886 : vector<16xi32>
                %select_n3A_888 = arith.select %lt3A_884, %add3A_887, %broadcast_in_dim3A_841 : vector<16xi1>, vector<16xi32>
                %broadcast_in_dim3A_889 = vector.shape_cast %select_n3A_888 : vector<16xi32> to vector<16x1xi32>
                %gather3A_890 = vector.shape_cast %broadcast_in_dim3A_889 : vector<16x1xi32> to vector<16xi32>
                %gather3A_891 = tpu.dynamic_gather %mul3A_711[%gather3A_890] in [0] : vector<16xf32>, vector<16xi32> -> vector<16xf32>
                %max3A_892 = arith.maximumf %gather3A_768, %gather3A_851 : vector<16xf32>
                %max3A_893 = arith.maximumf %gather3A_769, %gather3A_861 : vector<16xf32>
                %min3A_894 = arith.minimumf %gather3A_770, %gather3A_871 : vector<16xf32>
                %min3A_895 = arith.minimumf %gather3A_771, %gather3A_881 : vector<16xf32>
                %sub3A_896 = arith.subf %min3A_894, %max3A_892 : vector<16xf32>
                %max3A_897 = arith.constant 0.000000e+00 : f32
                %max3A_898 = vector.broadcast %max3A_897 : f32 to vector<16xf32>
                %max3A_899 = arith.maximumf %sub3A_896, %max3A_898 : vector<16xf32>
                %sub3A_900 = arith.subf %min3A_895, %max3A_893 : vector<16xf32>
                %max3A_901 = arith.constant 0.000000e+00 : f32
                %max3A_902 = vector.broadcast %max3A_901 : f32 to vector<16xf32>
                %max3A_903 = arith.maximumf %sub3A_900, %max3A_902 : vector<16xf32>
                %mul3A_904 = arith.mulf %max3A_899, %max3A_903 : vector<16xf32>
                %add3A_905 = arith.addf %gather3A_891, %mul3A_780 : vector<16xf32>
                %sub3A_906 = arith.subf %add3A_905, %mul3A_904 : vector<16xf32>
                %add3A_907 = arith.constant 9.99999996E-13 : f32
                %add3A_908 = vector.broadcast %add3A_907 : f32 to vector<16xf32>
                %add3A_909 = arith.addf %sub3A_906, %add3A_908 : vector<16xf32>
                %div3A_910 = arith.divf %mul3A_904, %add3A_909 : vector<16xf32>
                %gt3A_911 = arith.constant 4.500000e-01 : f32
                %gt3A_912 = vector.broadcast %gt3A_911 : f32 to vector<16xf32>
                %gt3A_913 = arith.cmpf ogt, %div3A_910, %gt3A_912 : vector<16xf32>
                %convert_element_type3A_914 = arith.extui %gt3A_913 : vector<16xi1> to vector<16xi32>
                %or3A = arith.ori %while3A_840, %convert_element_type3A_914 : vector<16xi32>
                scf.yield %or3A : vector<16xi32>
              }
              %ne3A_794 = arith.constant 0 : i32
              %ne3A_795 = vector.broadcast %ne3A_794 : i32 to vector<16xi32>
              %ne3A_796 = arith.cmpi ne, %while3A_793, %ne3A_795 : vector<16xi32>
              %and3A_797 = arith.andi %ne3A_796, %lt3A_767 : vector<16xi1>
              %eq3A_798 = arith.constant 0 : i32
              %eq3A_799 = vector.broadcast %eq3A_798 : i32 to vector<16xi32>
              %eq3A_800 = arith.cmpi eq, %while3A_793, %eq3A_799 : vector<16xi32>
              %and3A_801 = arith.andi %lt3A_767, %eq3A_800 : vector<16xi1>
              %jit3A_802 = arith.constant 16 : i32
              %div3A_803 = vector.broadcast %jit3A_802 : i32 to vector<16xi32>
              %div3A_804 = arith.divsi %get3A_761, %div3A_803 : vector<16xi32>
              %sign3A_805 = arith.constant 0 : i32
              %sign3A_806 = vector.broadcast %sign3A_805 : i32 to vector<16xi32>
              %sign3A_807 = arith.cmpi sgt, %get3A_761, %sign3A_806 : vector<16xi32>
              %sign3A_808 = arith.extui %sign3A_807 : vector<16xi1> to vector<16xi32>
              %sign3A_809 = arith.constant 0 : i32
              %sign3A_810 = vector.broadcast %sign3A_809 : i32 to vector<16xi32>
              %sign3A_811 = arith.cmpi slt, %get3A_761, %sign3A_810 : vector<16xi32>
              %sign3A_812 = arith.extui %sign3A_811 : vector<16xi1> to vector<16xi32>
              %sign3A_813 = arith.subi %sign3A_808, %sign3A_812 : vector<16xi32>
              %sign3A_814 = arith.constant 0 : i32
              %sign3A_815 = arith.cmpi sgt, %jit3A_802, %sign3A_814 : i32
              %sign3A_816 = arith.extui %sign3A_815 : i1 to i32
              %sign3A_817 = arith.constant 0 : i32
              %sign3A_818 = arith.cmpi slt, %jit3A_802, %sign3A_817 : i32
              %sign3A_819 = arith.extui %sign3A_818 : i1 to i32
              %sign3A_820 = arith.subi %sign3A_816, %sign3A_819 : i32
              %ne3A_821 = vector.broadcast %sign3A_820 : i32 to vector<16xi32>
              %ne3A_822 = arith.cmpi ne, %sign3A_813, %ne3A_821 : vector<16xi32>
              %rem3A_823 = vector.broadcast %jit3A_802 : i32 to vector<16xi32>
              %rem3A_824 = arith.remsi %get3A_761, %rem3A_823 : vector<16xi32>
              %ne3A_825 = arith.constant 0 : i32
              %ne3A_826 = vector.broadcast %ne3A_825 : i32 to vector<16xi32>
              %ne3A_827 = arith.cmpi ne, %rem3A_824, %ne3A_826 : vector<16xi32>
              %and3A_828 = arith.andi %ne3A_822, %ne3A_827 : vector<16xi1>
              %sub3A_829 = arith.constant 1 : i32
              %sub3A_830 = vector.broadcast %sub3A_829 : i32 to vector<16xi32>
              %sub3A_831 = arith.subi %div3A_804, %sub3A_830 : vector<16xi32>
              %select_n3A_832 = arith.select %and3A_828, %sub3A_831, %div3A_804 : vector<16xi1>, vector<16xi32>
              tpu.vector_store_idx %arg12[%select_n3A_832], %broadcast_in_dim3A_0 masked %and3A_797 : memref<1264xf32, #tpu.memory_space<vmem>>[vector<16xi32>], vector<16xf32>, vector<16xi1>
              %swap3A_833 = arith.index_cast %while3A_756 : i32 to index
              %swap3A_834 = tpu.vector_load %arg13[%swap3A_833] masked %and3A_801 {strides = array<i32>} : memref<1280xi32, #tpu.memory_space<vmem>>, vector<16xi32>, vector<16xi1>
              tpu.vector_store %arg13[%swap3A_833], %get3A_761 masked %and3A_801 {strides = array<i32>} : memref<1280xi32, #tpu.memory_space<vmem>>, vector<16xi32>, vector<16xi1>
              %all_reduce_population_count3A_835 = tpu.all_reduce %and3A_801 {dim = 0 : i64, kind = #tpu.reduction_kind<sum>} : vector<16xi1> -> vector<16xi32>
              %slice3A_836 = vector.extract_strided_slice %all_reduce_population_count3A_835 {offsets = [0], sizes = [1], strides = [1]} : vector<16xi32> to vector<1xi32>
              %squeeze3A_837 = vector.extract %slice3A_836[0] : i32 from vector<1xi32>
              %add3A_838 = arith.addi %while3A_756, %squeeze3A_837 : i32
              scf.yield %add3A_838 : i32
            }
            %convert_element_type3A_754 = arith.extui %ge3A : i1 to i32
            scf.yield %while3A_753, %convert_element_type3A_754 : i32, i32
          }
          scf.yield %cond3A_56#0, %cond3A_56#1 : i32, i32
        }
        %scan3A_47 = arith.constant 64 : i32
        scf.yield %scan3A_46#0, %scan3A_46#1 : i32, i32
      }
      scf.yield %cond3A_41#0, %cond3A_41#1 : i32, i32
    }
    %scan3A_35 = arith.constant 313 : i32
    "tpu.region"() ({
      %run_scoped3A = tpu.sem_alloc : memref<!tpu.dma_semaphore, #tpu.memory_space<semaphore_mem>>
      %dma_start3A = arith.constant 0 : i32
      %dma_start3A_36 = tpu.memref_slice %arg7[%arg1, %dma_start3A] : memref<16x1264xf32, #tpu.memory_space<hbm>> -> memref<1x1264xf32, #tpu.memory_space<hbm>>
      %dma_start3A_37 = tpu.memref_squeeze %dma_start3A_36 : memref<1x1264xf32, #tpu.memory_space<hbm>> -> memref<1264xf32, #tpu.memory_space<hbm>>
      %dma_start3A_38 = arith.constant 0 : i32
      %dma_start3A_39 = tpu.memref_slice %arg7[%arg1, %dma_start3A_38] : memref<16x1264xf32, #tpu.memory_space<hbm>> -> memref<1x1264xf32, #tpu.memory_space<hbm>>
      %dma_start3A_40 = tpu.memref_squeeze %dma_start3A_39 : memref<1x1264xf32, #tpu.memory_space<hbm>> -> memref<1264xf32, #tpu.memory_space<hbm>>
      tpu.enqueue_dma source(%arg12 : memref<1264xf32, #tpu.memory_space<vmem>>) target(%dma_start3A_40 : memref<1264xf32, #tpu.memory_space<hbm>>) target_semaphore(%run_scoped3A : memref<!tpu.dma_semaphore, #tpu.memory_space<semaphore_mem>>)
      %dma_wait3A = arith.constant 0 : i32
      %dma_wait3A_41 = tpu.memref_slice %arg7[%arg1, %dma_wait3A] : memref<16x1264xf32, #tpu.memory_space<hbm>> -> memref<1x1264xf32, #tpu.memory_space<hbm>>
      %dma_wait3A_42 = tpu.memref_squeeze %dma_wait3A_41 : memref<1x1264xf32, #tpu.memory_space<hbm>> -> memref<1264xf32, #tpu.memory_space<hbm>>
      %dma_wait3A_43 = arith.constant 0 : i32
      %dma_wait3A_44 = tpu.memref_slice %arg7[%arg1, %dma_wait3A_43] : memref<16x1264xf32, #tpu.memory_space<hbm>> -> memref<1x1264xf32, #tpu.memory_space<hbm>>
      %dma_wait3A_45 = tpu.memref_squeeze %dma_wait3A_44 : memref<1x1264xf32, #tpu.memory_space<hbm>> -> memref<1264xf32, #tpu.memory_space<hbm>>
      tpu.wait_dma2 semaphore(%run_scoped3A : memref<!tpu.dma_semaphore, #tpu.memory_space<semaphore_mem>>) src(%arg12 : memref<1264xf32, #tpu.memory_space<vmem>>) dst(%dma_wait3A_45 : memref<1264xf32, #tpu.memory_space<hbm>>)
      tpu.yield
    }) : () -> ()
    return
  }
}

</mosaic_0001>

<sc_bundles>
// kernel: gather_offload_async_start.1
scs
__scs_entry_jumppad:
0x0: {  	(pc) =	sbr.rel $0x88, $3  }
0x1: {  	(tag) =	ssettag $0x0;
	lr =	simm.s32 $0x1  }
0x2: {  	[smem:$0x3F9F] =	sst lr;
	_ =	strace $0xD0000000  }
0x3: {  	_ = 	snop  }
0x4: {  	_ = 	snop  }
0x5: {  	_ = 	snop  }
0x6: {  	_ = 	snop  }
0x7: {  	_ = 	snop  }
__scs_overlays_trampoline_lowered:
0x8: {  	[smem:$0x3FAE] =	sst s0  }
0x9: {  	[smem:$0x3FAF] =	sst s1  }
0xa: {  	[smem:$0x3FB0] =	sst s2  }
0xb: {  	[smem:$0x3FB1] =	sst s3  }
0xc: {  	[smem:$0x3FB2] =	sst s4  }
0xd: {  	[smem:$0x3FB3] =	sst s5  }
0xe: {  	[smem:$0x3FB4] =	sst s6  }
0xf: {  	[smem:$0x3FB5] =	sst s7  }
0x10: {  	[smem:$0x3FB6] =	sst s8  }
0x11: {  	[smem:$0x3FB7] =	sst s9;
	s0 =	simm.s32 @!p0 $0x0  }
0x12: {  	s1 =	sld [smem:$0x3F9D];
	s0 =	simm.s32 @p0 $0x1  }
0x13: {  	[smem:$0x3FB8] =	sst s0;
	s0 =	simm.s32 @!p1 $0x0  }
0x14: {  	s2 =	sld [smem:$0x3F9C];
	s0 =	simm.s32 @p1 $0x1  }
0x15: {  	[smem:$0x3FB9] =	sst s0;
	s0 =	simm.s32 @!p2 $0x0  }
0x16: {  	s3 =	sld [smem:$0x3FDB];
	s0 =	simm.s32 @p2 $0x1  }
0x17: {  	s4 =	simm.s32 $0x1BF5;
	[smem:$0x3FBB] =	sst s0  }
0x18: {  	s0 =	sld [smem:$0x3F9E];
	_ =	swait.ge [sflag:s4], $0x0  }
0x19: {  	s7 =	sld [smem:$0x3F9F]  }
0x1a: {  	s8 =	sadd.s32 $0xFFFFE003, lr  }
0x1b: {  	s9 =	sadd.s32 $0xFFFFFEF7, lr;
	s5 =	simm.s32 $0xFFFFFFFF;
	p2 =	slt.u32 s8, $0xFFFFF086  }
0x1c: {  	p1 =	slt.u32 s9, $0xF7A;
	s5 =	simm.s32 @!p2 $0x0  }
0x1d: {  	s5 =	simm.s32 @p1 $0x1;
	p0 =	seq.s32 s7, s2  }
0x1e: {  	s7 =	smul.u32 @!p0 $0xF7A, s2;
	p2 =	seq.s32 @!p0 s5, $0x0  }
0x1f: {  	s9 =	smul.u32 $0xF7A, s1;
	s8 =	simm.s32 @!p0 $0x1BF5;
	p2 =	por !p2, p0  }
0x20: {  	[sflag:s8] =	ssyncset.s32 @!p0 $0xFFFFF086;
	s6 =	sadd.s32 @!p0 s3, s7;
	s7 =	simm.s32 @!p0 $0x108  }
0x21: {  	s3 =	sadd.s32 s3, s9;
	s6 =	sadd.s32 @!p0 $0x88, s6;
	s7 =	simm.s32 @p2 $0x1082  }
0x22: {  	[simem:s7], [sflag:s8] =	dma.local @!p0 [hbm:s6], $0xF7A  }
0x23: {  	s9 =	sor.u32 $0xD0000000, s2;
	s6 =	simm.s32 $0x108;
	_ =	swait.ge @!p0 [sflag:s8], $0x0  }
0x24: {  	s3 =	sadd.s32 $0x88, s3;
	s6 =	simm.s32 @!p1 $0x1082;
	[sflag:s4] =	ssyncset.s32 $0xFFFFF086  }
0x25: {  	[simem:s6], [sflag:s4] =	dma.local [hbm:s3], $0xF7A  }
0x26: {  	[smem:$0x3F9F] =	sst s1;
	(tag) =	ssettag s2;
	_ =	strace s9  }
0x27: {  	s1 =	sld [smem:$0x3FAF]  }
0x28: {  	s2 =	sld [smem:$0x3FB0]  }
0x29: {  	s4 =	sld [smem:$0x3FB2]  }
0x2a: {  	p0 =	seq.s32 s5, $0x0;
	s5 =	sld [smem:$0x3FB3]  }
0x2b: {  	s6 =	sld [smem:$0x3FB4]  }
0x2c: {  	s7 =	sld [smem:$0x3FB5]  }
0x2d: {  	s3 =	simm.s32 $0x108;
	s8 =	sld [smem:$0x3FB6]  }
0x2e: {  	s3 =	simm.s32 @!p0 $0x1082;
	s9 =	sld [smem:$0x3FB7]  }
0x2f: {  	lr =	sadd.s32 s0, s3;
	s0 =	sld [smem:$0x3FAE]  }
0x30: {  	s3 =	sld [smem:$0x3FB1]  }
0x31: {  	[smem:$0x3FBA] =	sst s10  }
0x32: {  	s10 =	sld [smem:$0x3FB8];
	_ =	sdelay $0x3  }
0x33: {  	p0 =	seq.s32 s10, $0x1;
	s10 =	sld [smem:$0x3FBA];
	_ =	sdelay $0x3  }
0x34: {  	[smem:$0x3FBA] =	sst s10  }
0x35: {  	s10 =	sld [smem:$0x3FB9];
	_ =	sdelay $0x3  }
0x36: {  	p1 =	seq.s32 s10, $0x1;
	s10 =	sld [smem:$0x3FBA];
	_ =	sdelay $0x3  }
0x37: {  	[smem:$0x3FBA] =	sst s10  }
0x38: {  	s10 =	sld [smem:$0x3FBB]  }
0x39: {  	_ = 	snop;
	(pc) =	sbr.ind lr, $3  }
0x3a: {  	_ = 	snop  }
0x3b: {  	_ = 	snop  }
0x3c: {  	p2 =	seq.s32 s10, $0x1;
	s10 =	sld [smem:$0x3FBA]  }
0x3d: {  	_ =	shalt  }
0x3e: {  	_ =	shalt  }
0x3f: {  	_ =	shalt  }
0x40: {  	_ =	shalt  }
0x41: {  	_ =	shalt  }
0x42: {  	_ =	shalt  }
0x43: {  	_ =	shalt  }
0x44: {  	_ =	shalt  }
0x45: {  	_ =	shalt  }
0x46: {  	_ =	shalt  }
0x47: {  	_ =	shalt  }
0x48: {  	_ =	shalt  }
0x49: {  	_ =	shalt  }
0x4a: {  	_ =	shalt  }
0x4b: {  	_ =	shalt  }
0x4c: {  	_ =	shalt  }
0x4d: {  	_ =	shalt  }
0x4e: {  	_ =	shalt  }
0x4f: {  	_ =	shalt  }
0x50: {  	_ =	shalt  }
0x51: {  	_ =	shalt  }
0x52: {  	_ =	shalt  }
0x53: {  	_ =	shalt  }
0x54: {  	_ =	shalt  }
0x55: {  	_ =	shalt  }
0x56: {  	_ =	shalt  }
0x57: {  	_ =	shalt  }
0x58: {  	_ =	shalt  }
0x59: {  	_ =	shalt  }
0x5a: {  	_ =	shalt  }
0x5b: {  	_ =	shalt  }
0x5c: {  	_ =	shalt  }
0x5d: {  	_ =	shalt  }
0x5e: {  	_ =	shalt  }
0x5f: {  	_ =	shalt  }
0x60: {  	_ =	shalt  }
0x61: {  	_ =	shalt  }
0x62: {  	_ =	shalt  }
0x63: {  	_ =	shalt  }
0x64: {  	_ =	shalt  }
0x65: {  	_ =	shalt  }
0x66: {  	_ =	shalt  }
0x67: {  	_ =	shalt  }
0x68: {  	_ =	shalt  }
0x69: {  	_ =	shalt  }
0x6a: {  	_ =	shalt  }
0x6b: {  	_ =	shalt  }
0x6c: {  	_ =	shalt  }
0x6d: {  	_ =	shalt  }
0x6e: {  	_ =	shalt  }
0x6f: {  	_ =	shalt  }
0x70: {  	_ =	shalt  }
0x71: {  	_ =	shalt  }
0x72: {  	_ =	shalt  }
0x73: {  	_ =	shalt  }
0x74: {  	_ =	shalt  }
0x75: {  	_ =	shalt  }
0x76: {  	_ =	shalt  }
0x77: {  	_ =	shalt  }
0x78: {  	_ =	shalt  }
0x79: {  	_ =	shalt  }
0x7a: {  	_ =	shalt  }
0x7b: {  	_ =	shalt  }
0x7c: {  	_ =	shalt  }
0x7d: {  	_ =	shalt  }
0x7e: {  	_ =	shalt  }
0x7f: {  	_ =	shalt  }
0x80: {  	_ =	shalt  }
0x81: {  	_ =	shalt  }
0x82: {  	_ =	shalt  }
0x83: {  	_ =	shalt  }
0x84: {  	_ =	shalt  }
0x85: {  	_ =	shalt  }
0x86: {  	_ =	shalt  }
0x87: {  	_ =	shalt  }
.Lfunc_end0:
.L_simem_size_0:
called_computation.1_lowered:
.L_overlay_start_0:
0x88: {  	s2 =	sld [smem:$0x3FD9]  }
0x89: {  	s3 =	sld [smem:$0x3FFE];
	_ =	sdelay $0x1  }
0x8a: {  	s1 =	srdreg.scid  }
0x8b: {  	s0 =	sand.u32 $0x1, s1  }
0x8c: {  	s17 =	sshll.u32 s0, $0xA;
	s2 =	sadd.s32 s3, s2  }
0x8d: {  	s2 =	sadd.s32 s2, s17  }
0x8e: {  	[smem:$0x3FC6] =	sst s2  }
0x8f: {  	_ = 	snop  }
0x90: {  	s2 =	sld [smem:$0x3FC8]  }
0x91: {  	s18 =	sld [smem:$0x3FD0];
	(tm) =	ssettm $0x1  }
0x92: {  	s4 =	sld [smem:$0x3FFB];
	_ =	sdelay $0x3  }
0x93: {  	_ =	strace s4  }
0x94: {  	s4 =	sld [smem:$0x3FFC];
	_ =	sdelay $0x3  }
0x95: {  	_ =	strace s4  }
0x96: {  	s4 =	sld [smem:$0x3FFD];
	_ =	sdelay $0x3  }
0x97: {  	_ =	strace s4  }
0x98: {  	_ =	strace $0x8FFFFFFF  }
0x99: {  	s19 =	sld [smem:$0x3FDB];
	_ =	sdelay $0x1  }
0x9a: {  	s5 =	simm.s32 $_scs_section_size  }
0x9b: {  	s6 =	simm.s32 $_size__tile_overlayer_lowered;
	s7 =	simm.s32 $_tile_overlayer_lowered  }
0x9c: {  	s22 =	simm.s32 $0x1BFF;
	s21 =	sshll.u32 s7, $0x1;
	s4 =	sadd.s32 s5, s19  }
0x9d: {  	s8 =	simm.s32 $0x0;
	s20 =	sshll.u32 s6, $0x1;
	s6 =	sadd.s32 s21, s4  }
0x9e: {  	[timem:s8], [sflag:s22] =	dma.local [hbm:s6], s20  }
0x9f: {  	_ =	swait.ge [sflag:s22], s20  }
0xa0: {  	s5 =	ssub.s32 $0x0, s20;
	[sflag:s22] =	ssyncset.done $0x0  }
0xa1: {  	[sflag:s22] =	ssyncadd.s32 s5;
	_ =	sdelay $0x1  }
0xa2: {  	s23 =	simm.s32 $0x1B8B  }
0xa3: {  	_ =	swait.ge [sflag:s23], $0x1  }
0xa4: {  	[sflag:s23] =	ssyncset.done $0x0  }
0xa5: {  	s25 =	simm.s32 $0x1B8E;
	s24 =	sld [smem:$0x3FFE];
	[sflag:s23] =	ssyncadd.s32 $0xFFFFFFFF  }
0xa6: {  	s26 =	simm.s32 $execute0_lowered;
	[smem:$0x3FD2] =	sst s25  }
0xa7: {  	s6 =	sshll.u32 s26, $0x1;
	_ =	strace $0x80000046;
	[dreg:$0x1] =	wrdreg $0xFFFFFFFF  }
0xa8: {  	s28 =	simm.s32 $_size_execute0_lowered;
	s4 =	sadd.s32 s4, s6;
	[dreg:$0x0] =	wrdreg $0x0  }
0xa9: {  	s6 =	sshll.u32 s28, $0x1;
	[dreg:$0x2] =	wrdreg s4  }
0xaa: {  	[dreg:$0x3] =	wrdreg s6  }
0xab: {  	[dreg:$0x4] =	wrdreg $0xC0  }
0xac: {  	_ =	task [dreg:s8], $0x5FFFF  }
0xad: {  	[dreg:$0x1] =	wrdreg $0xFFFFFFFF  }
0xae: {  	[dreg:$0x0] =	wrdreg $0x60  }
0xaf: {  	[dreg:$0x2] =	wrdreg s2  }
0xb0: {  	[dreg:$0x3] =	wrdreg s18  }
0xb1: {  	[dreg:$0x4] =	wrdreg s24  }
0xb2: {  	[dreg:$0x5] =	wrdreg $0xA  }
0xb3: {  	_ =	task.clear_ibuf [dreg:s8], $0x6FFFF;
	_ =	strace $0x90000046  }
0xb4: {  	s29 =	simm.s32 $0xA;
	_ =	strace $0x80000048  }
0xb5: {  	_ =	swait.ge [sflag:s29], $0x1  }
0xb6: {  	[sflag:s29] =	ssyncadd.s32 $0xFFFFFFFF  }
0xb7: {  	_ =	strace $0x90000048  }
0xb8: {  	_ =	sfence  }
0xb9: {  	s30 =	sld [smem:$0x0];
	_ =	sdelay $0x2  }
0xba: {  	s31 =	sshll.u32 s1, $0xD;
	s1 =	sshrl.u32 s1, $0x2  }
0xbb: {  	s3 =	sand.u32 $0x4000, s31;
	s1 =	sadd.s32 s1, s30  }
0xbc: {  	s0 =	sor.u32 s3, s0;
	s1 =	sshll.u32 s1, $0x11  }
0xbd: {  	s0 =	sor.u32 s1, s0  }
0xbe: {  	s0 =	sadd.s32 $0x8F2B, s0  }
0xbf: {  	[sflag:s0] =	ssyncadd.remote.s32 $0x1  }
0xc0: {  	_ =	sfence.sel $0xFFFF  }
0xc1: {  	[dreg:$0x0] =	wrdreg $0xFFFFFFFF;
	(pc) =	sbr.abs _section_cstart, $3  }
0xc2: {  	[dreg:$0x1] =	wrdreg $0xFFFFFFFF  }
0xc3: {  	_ =	task.clear_ibuf [dreg:s8], $0x2FFFF;
	_ =	strace $0x9FFFFFFF  }
0xc4: {  	(tm) =	ssettm $0x7FFFFFFF  }
0xc5: {  	_ =	shalt  }
tec
execute0_lowered:
.L_overlay_start_1:
0x0: {  	(tag) =	ssettag $0x1  }
0x1: {  	s2 =	rddreg [dreg:$0x0]  }
0x2: {  	s3 =	rddreg [dreg:$0x1]  }
0x3: {  	s8 =	rddreg [dreg:$0x2];
	s1 =	stileid.u32  }
0x4: {  	s4 =	srdreg.scid;
	s0 =	rddreg [dreg:$0x3];
	_ =	strace $0x80000047  }
0x5: {  	s7 =	simm.s32 $0x1;
	s9 =	simm.s32 $0x1;
	s10 =	simm.s32 $0x3  }
0x6: {  	s13 =	simm.s32 $0x0;
	s5 =	sand.u32 $0x1, s4;
	s6 =	sshll.u32 s1, $0x1  }
0x7: {  	s12 =	simm.s32 $0x0;
	s4 =	simm.s32 $0x1;
	s5 =	sor.u32 s6, s5  }
.Ltmp0:
0x8: {  	[sflag:s4] =	ssyncpa.u1 $0x0;
	p0 =	slt.u32 s5, $0x13;
	(pc) =	sbr.rel .LBB2_1-.Ltmp0, $4  }
0x9: {  	s6 =	simm.s32 $0x2;
	s7 =	simm.s32 @!p0 $0x0;
	p0 =	sne.s32 s5, $0x12  }
0xa: {  	[sflag:s6] =	ssyncpa.u1 $0x0;
	s5 =	smul.u32 $0x190, s5;
	s9 =	simm.s32 @!p0 $0x0  }
0xb: {  	s8 =	sadd.s32 $0xA00, s8;
	[sflag:s10] =	ssyncpa.u1 $0x0;
	s7 =	sadd.s32 s9, s7  }
0xc: {  	vm0 =	vmmov $0xffff;
	s10 =	simm.s32 $0x0;
	s11 =	smov.u32 s5;
	s9 =	sadd.s32 $0x1, s7  }
.LBB2_4:
0xd: {  	v2 =	vnsel vm1, $0x0, v2  }
0xe: {  	vm1 =	vgt.s32 v0, $0x0;
	v2 =	vmin.u32 v2, $0x4E1F  }
0xf: {  	v0 =	vnsel vm1, $0x0, v0  }
0x10: {  	v0 =	vmin.u32 v0, $0x4E1F  }
0x11: {  	[tilespmem:s18], [sflag:$0x1] =	stream.indirect_vreg.gather [hbm4b:s2+s10], $0x1, v1, vm0, $0x4038;
	[tilespmem:$0x640] =	vst v63  }
0x12: {  	(ifvalue) =	ssetifvalue $0x7FFFFFFF  }
0x13: {  	[tilespmem:s15], [sflag:$0x1] =	stream.indirect_vreg.gather [hbm4b:s2+s10], $0x1, v2, vm0, $0x4038;
	[tilespmem:$0x640] =	vst v63  }
0x14: {  	s29 =	sadd.s32 $0x10, s15;
	(ifvalue) =	ssetifvalue $0x7FFFFFFF  }
0x15: {  	[tilespmem:s29], [sflag:$0x1] =	stream.indirect_vreg.gather [hbm4b:s2+s10], $0x1, v0, vm0, $0x4038;
	[tilespmem:$0x640] =	vst v63  }
0x16: {  	_ =	swait.ge [sflag:s4], $0x190  }
0x17: {  	s30 =	sshrl.u32 s13, $0x3;
	[sflag:s4] =	ssyncset.done $0x0  }
0x18: {  	s31 =	sand.u32 $0x7, s13;
	s15 =	sadd.s32 s8, s30;
	[sflag:s4] =	ssyncadd.s32 $0xFFFFFE70  }
0x19: {  	[hbm4b:s15+s31] =	stream.linear.scatter [tilespmem:s14], [sflag:$0x3], $0x190, $0x38;
	[tilespmem:$0x640] =	vst v63  }
.LBB2_5:
0x1a: {  	s15 =	sadd.s32 $0x3200, s11  }
0x1b: {  	p1 =	sgt.s32 s15, $0x4E1F  }
0x1c: {  	s15 =	smov.u32 @p1 s5;
	p1 =	sne.s32 s12, s9  }
.Ltmp1:
0x1d: {  	p0 =	slt.u32 s12, $0x2;
	(pc) =	sbr.rel @!p1 .LBB2_6-.Ltmp1, $4  }
0x1e: {  	s14 =	simm.s32 @!p0 $0x3  }
0x1f: {  	_ =	swait.ge @!p0 [sflag:s14], $0x190  }
0x20: {  	s16 =	sadd.s32 $0x1, s12;
	s13 =	smov.u32 s11;
	[sflag:s14] =	ssyncset.done @!p0 $0x0  }
0x21: {  	s12 =	smov.u32 s16;
	s11 =	smov.u32 s15;
	[sflag:s14] =	ssyncadd.s32 @!p0 $0xFFFFFE70  }
.LBB2_1:
0x22: {  	p0 =	sge.u32 s12, s7  }
0x23: {  	s14 =	sxor.u32 @!p0 $0x1, s12  }
0x24: {  	s14 =	smul.u32 @!p0 $0x640, s14  }
0x25: {  	s31 =	sadd.s32 $0xFFFFFFFF, s12;
	s15 =	sshrl.u32 @!p0 s11, $0x3  }
0x26: {  	s16 =	sand.u32 @!p0 $0x7, s11;
	s15 =	sadd.s32 @!p0 s3, s15;
	s14 =	sshra.s32 @!p0 s14, $0x2  }
0x27: {  	[tilespmem:s14], [sflag:$0x2] =	stream.linear.gather @!p0 [hbm4b:s15+s16], $0x190, $0x38;
	[tilespmem:$0x640] =	vst v63  }
0x28: {  	p0 =	sge.u32 s31, s7  }
.Ltmp2:
0x29: {  	_ = 	snop;
	(pc) =	sbr.rel @p0 .LBB2_5-.Ltmp2, $1  }
0x2a: {  	_ =	sdelay $0x3  }
0x2b: {  	s14 =	sand.u32 $0x1, s12  }
0x2c: {  	_ =	swait.ge [sflag:s6], $0x190;
	p0 =	seq.s32 s14, $0x1;
	s14 =	simm.s32 $0x190  }
0x2d: {  	[sflag:s6] =	ssyncset.done $0x0;
	s14 =	simm.s32 @!p0 $0x0  }
0x2e: {  	[sflag:s6] =	ssyncadd.s32 $0xFFFFFE70;
	(ifvalue) =	ssetifvalue $0x7FFFFFFF;
	v0 =	vld.msk [tilespmem:s14+$0x0 ss:$0x1], $0xffff;
	_ =	sdelay $0x4  }
0x2f: {  	s15 =	sadd.s32 $0x10, s14;
	vm1 =	vgt.s32 v0, $0x0  }
0x30: {  	v2 =	vld.msk [tilespmem:s15+$0x0 ss:$0x1], $0xffff;
	v1 =	vnsel vm1, $0x0, v0  }
0x31: {  	v1 =	vmin.u32 v1, $0x4E1F;
	_ =	sdelay $0x2  }
0x32: {  	s17 =	simm.s32 $0x20;
	s14 =	sadd.s32 $0x320, s14;
	s16 =	sadd.s32 $0x10, s15  }
0x33: {  	s15 =	sadd.s32 $0x10, s14;
	s18 =	smov.u32 s14;
	v0 =	vld.msk [tilespmem:s16+$0x0 ss:$0x1], $0xffff;
	vm1 =	vgt.s32 v2, $0x0;
	(ifvalue) =	ssetifvalue $0x7FFFFFFF  }
.LBB2_3:
0x34: {  	[tilespmem:s18], [sflag:$0x1] =	stream.indirect_vreg.gather [hbm4b:s2+s10], $0x1, v1, vm0, $0x4038;
	[tilespmem:$0x640] =	vst v63  }
0x35: {  	s17 =	sadd.s32 $0x10, s17  }
0x36: {  	v2 =	vnsel vm1, $0x0, v2;
	p0 =	slt.u32 s17, $0x180  }
.Ltmp3:
0x37: {  	s18 =	smov.u32 s15;
	v1 =	vmin.u32 v2, $0x4E1F;
	(pc) =	sbr.rel @p0 .LBB2_3-.Ltmp3, $3  }
0x38: {  	_ =	sdelay $0x1  }
0x39: {  	s16 =	sadd.s32 $0x10, s16  }
0x3a: {  	vm1 =	vgt.s32 v0, $0x0;
	s15 =	sadd.s32 $0x10, s15;
	v2 =	vmov v0;
	(ifvalue) =	ssetifvalue $0x7FFFFFFF;
	v0 =	vld.msk [tilespmem:s16+$0x0 ss:$0x1], $0xffff  }
.Ltmp4:
0x3b: {  	_ = 	snop;
	(pc) =	sbr.rel .LBB2_4-.Ltmp4, $1  }
0x3c: {  	_ =	sdelay $0x3  }
.LBB2_6:
0x3d: {  	_ =	sfence.sel $0x180000  }
0x3e: {  	s2 =	simm.s32 $0x2;
	[bflag:$0x0] =	sbarrier.arrive $0xFFFF  }
0x3f: {  	s30 =	simm.s32 $0x3;
	[sflag:s2] =	ssyncpa.u1 $0x1  }
0x40: {  	s31 =	simm.s32 $0x1;
	[sflag:s30] =	ssyncpa.u1 $0x1  }
0x41: {  	[sflag:s31] =	ssyncpa.u1 $0x1  }
0x42: {  	p0 =	sne.s32 s1, $0x0;
	_ =	strace $0x90000047  }
0x43: {  	s0 =	sadd.s32 @!p0 $0x100000, s0;
	[bflag:$0x2] =	sbarrier.arrive $0xFFFF  }
0x44: {  	[sflag:s0] =	ssyncadd.tile.s32 @!p0 $0x1;
	_ =	shalt  }
.Lfunc_end2:
_tile_overlayer_lowered:
.L_overlay_start_2:
0x45: {  	(tag) =	ssettag $0x2  }
0x46: {  	s0 =	rddreg [dreg:$0x0];
	s2 =	stileid.u32  }
0x47: {  	s1 =	rddreg [dreg:$0x1];
	p0 =	sne.s32 s2, $0x0  }
0x48: {  	s3 =	rddreg [dreg:$0x2];
	[bflag:$0x3] =	sbarrier.arrive $0xFFFF;
	s2 =	simm.s32 @!p0 $0x1C01  }
0x49: {  	[timem:s3], [sflag:s2] =	dma.local @!p0 [hbm:s0], s1  }
0x4a: {  	s0 =	simm.s32 @!p0 $0x1  }
0x4b: {  	_ =	swait.ge @!p0 [sflag:s0], s1  }
0x4c: {  	s1 =	ssub.s32 @!p0 $0x0, s1;
	[sflag:s0] =	ssyncset.done @!p0 $0x0  }
0x4d: {  	[sflag:s0] =	ssyncadd.s32 @!p0 s1  }
0x4e: {  	[bflag:$0x3] =	sbarrier.arrive $0xFFFF  }
0x4f: {  	_ =	shalt  }

// kernel: gather_offload_async_start
scs
__scs_entry_jumppad:
0x0: {  	(pc) =	sbr.rel $0x88, $3  }
0x1: {  	(tag) =	ssettag $0x0;
	lr =	simm.s32 $0x1  }
0x2: {  	[smem:$0x3F9F] =	sst lr;
	_ =	strace $0xD0000000  }
0x3: {  	_ = 	snop  }
0x4: {  	_ = 	snop  }
0x5: {  	_ = 	snop  }
0x6: {  	_ = 	snop  }
0x7: {  	_ = 	snop  }
__scs_overlays_trampoline_lowered:
0x8: {  	[smem:$0x3FAE] =	sst s0  }
0x9: {  	[smem:$0x3FAF] =	sst s1  }
0xa: {  	[smem:$0x3FB0] =	sst s2  }
0xb: {  	[smem:$0x3FB1] =	sst s3  }
0xc: {  	[smem:$0x3FB2] =	sst s4  }
0xd: {  	[smem:$0x3FB3] =	sst s5  }
0xe: {  	[smem:$0x3FB4] =	sst s6  }
0xf: {  	[smem:$0x3FB5] =	sst s7  }
0x10: {  	[smem:$0x3FB6] =	sst s8  }
0x11: {  	[smem:$0x3FB7] =	sst s9;
	s0 =	simm.s32 @!p0 $0x0  }
0x12: {  	s1 =	sld [smem:$0x3F9D];
	s0 =	simm.s32 @p0 $0x1  }
0x13: {  	[smem:$0x3FB8] =	sst s0;
	s0 =	simm.s32 @!p1 $0x0  }
0x14: {  	s2 =	sld [smem:$0x3F9C];
	s0 =	simm.s32 @p1 $0x1  }
0x15: {  	[smem:$0x3FB9] =	sst s0;
	s0 =	simm.s32 @!p2 $0x0  }
0x16: {  	s3 =	sld [smem:$0x3FDB];
	s0 =	simm.s32 @p2 $0x1  }
0x17: {  	s4 =	simm.s32 $0x1BF5;
	[smem:$0x3FBB] =	sst s0  }
0x18: {  	s0 =	sld [smem:$0x3F9E];
	_ =	swait.ge [sflag:s4], $0x0  }
0x19: {  	s7 =	sld [smem:$0x3F9F]  }
0x1a: {  	s8 =	sadd.s32 $0xFFFFE003, lr  }
0x1b: {  	s9 =	sadd.s32 $0xFFFFFEF7, lr;
	s5 =	simm.s32 $0xFFFFFFFF;
	p2 =	slt.u32 s8, $0xFFFFF086  }
0x1c: {  	p1 =	slt.u32 s9, $0xF7A;
	s5 =	simm.s32 @!p2 $0x0  }
0x1d: {  	s5 =	simm.s32 @p1 $0x1;
	p0 =	seq.s32 s7, s2  }
0x1e: {  	s7 =	smul.u32 @!p0 $0xF7A, s2;
	p2 =	seq.s32 @!p0 s5, $0x0  }
0x1f: {  	s9 =	smul.u32 $0xF7A, s1;
	s8 =	simm.s32 @!p0 $0x1BF5;
	p2 =	por !p2, p0  }
0x20: {  	[sflag:s8] =	ssyncset.s32 @!p0 $0xFFFFF086;
	s6 =	sadd.s32 @!p0 s3, s7;
	s7 =	simm.s32 @!p0 $0x108  }
0x21: {  	s3 =	sadd.s32 s3, s9;
	s6 =	sadd.s32 @!p0 $0x88, s6;
	s7 =	simm.s32 @p2 $0x1082  }
0x22: {  	[simem:s7], [sflag:s8] =	dma.local @!p0 [hbm:s6], $0xF7A  }
0x23: {  	s9 =	sor.u32 $0xD0000000, s2;
	s6 =	simm.s32 $0x108;
	_ =	swait.ge @!p0 [sflag:s8], $0x0  }
0x24: {  	s3 =	sadd.s32 $0x88, s3;
	s6 =	simm.s32 @!p1 $0x1082;
	[sflag:s4] =	ssyncset.s32 $0xFFFFF086  }
0x25: {  	[simem:s6], [sflag:s4] =	dma.local [hbm:s3], $0xF7A  }
0x26: {  	[smem:$0x3F9F] =	sst s1;
	(tag) =	ssettag s2;
	_ =	strace s9  }
0x27: {  	s1 =	sld [smem:$0x3FAF]  }
0x28: {  	s2 =	sld [smem:$0x3FB0]  }
0x29: {  	s4 =	sld [smem:$0x3FB2]  }
0x2a: {  	p0 =	seq.s32 s5, $0x0;
	s5 =	sld [smem:$0x3FB3]  }
0x2b: {  	s6 =	sld [smem:$0x3FB4]  }
0x2c: {  	s7 =	sld [smem:$0x3FB5]  }
0x2d: {  	s3 =	simm.s32 $0x108;
	s8 =	sld [smem:$0x3FB6]  }
0x2e: {  	s3 =	simm.s32 @!p0 $0x1082;
	s9 =	sld [smem:$0x3FB7]  }
0x2f: {  	lr =	sadd.s32 s0, s3;
	s0 =	sld [smem:$0x3FAE]  }
0x30: {  	s3 =	sld [smem:$0x3FB1]  }
0x31: {  	[smem:$0x3FBA] =	sst s10  }
0x32: {  	s10 =	sld [smem:$0x3FB8];
	_ =	sdelay $0x3  }
0x33: {  	p0 =	seq.s32 s10, $0x1;
	s10 =	sld [smem:$0x3FBA];
	_ =	sdelay $0x3  }
0x34: {  	[smem:$0x3FBA] =	sst s10  }
0x35: {  	s10 =	sld [smem:$0x3FB9];
	_ =	sdelay $0x3  }
0x36: {  	p1 =	seq.s32 s10, $0x1;
	s10 =	sld [smem:$0x3FBA];
	_ =	sdelay $0x3  }
0x37: {  	[smem:$0x3FBA] =	sst s10  }
0x38: {  	s10 =	sld [smem:$0x3FBB]  }
0x39: {  	_ = 	snop;
	(pc) =	sbr.ind lr, $3  }
0x3a: {  	_ = 	snop  }
0x3b: {  	_ = 	snop  }
0x3c: {  	p2 =	seq.s32 s10, $0x1;
	s10 =	sld [smem:$0x3FBA]  }
0x3d: {  	_ =	shalt  }
0x3e: {  	_ =	shalt  }
0x3f: {  	_ =	shalt  }
0x40: {  	_ =	shalt  }
0x41: {  	_ =	shalt  }
0x42: {  	_ =	shalt  }
0x43: {  	_ =	shalt  }
0x44: {  	_ =	shalt  }
0x45: {  	_ =	shalt  }
0x46: {  	_ =	shalt  }
0x47: {  	_ =	shalt  }
0x48: {  	_ =	shalt  }
0x49: {  	_ =	shalt  }
0x4a: {  	_ =	shalt  }
0x4b: {  	_ =	shalt  }
0x4c: {  	_ =	shalt  }
0x4d: {  	_ =	shalt  }
0x4e: {  	_ =	shalt  }
0x4f: {  	_ =	shalt  }
0x50: {  	_ =	shalt  }
0x51: {  	_ =	shalt  }
0x52: {  	_ =	shalt  }
0x53: {  	_ =	shalt  }
0x54: {  	_ =	shalt  }
0x55: {  	_ =	shalt  }
0x56: {  	_ =	shalt  }
0x57: {  	_ =	shalt  }
0x58: {  	_ =	shalt  }
0x59: {  	_ =	shalt  }
0x5a: {  	_ =	shalt  }
0x5b: {  	_ =	shalt  }
0x5c: {  	_ =	shalt  }
0x5d: {  	_ =	shalt  }
0x5e: {  	_ =	shalt  }
0x5f: {  	_ =	shalt  }
0x60: {  	_ =	shalt  }
0x61: {  	_ =	shalt  }
0x62: {  	_ =	shalt  }
0x63: {  	_ =	shalt  }
0x64: {  	_ =	shalt  }
0x65: {  	_ =	shalt  }
0x66: {  	_ =	shalt  }
0x67: {  	_ =	shalt  }
0x68: {  	_ =	shalt  }
0x69: {  	_ =	shalt  }
0x6a: {  	_ =	shalt  }
0x6b: {  	_ =	shalt  }
0x6c: {  	_ =	shalt  }
0x6d: {  	_ =	shalt  }
0x6e: {  	_ =	shalt  }
0x6f: {  	_ =	shalt  }
0x70: {  	_ =	shalt  }
0x71: {  	_ =	shalt  }
0x72: {  	_ =	shalt  }
0x73: {  	_ =	shalt  }
0x74: {  	_ =	shalt  }
0x75: {  	_ =	shalt  }
0x76: {  	_ =	shalt  }
0x77: {  	_ =	shalt  }
0x78: {  	_ =	shalt  }
0x79: {  	_ =	shalt  }
0x7a: {  	_ =	shalt  }
0x7b: {  	_ =	shalt  }
0x7c: {  	_ =	shalt  }
0x7d: {  	_ =	shalt  }
0x7e: {  	_ =	shalt  }
0x7f: {  	_ =	shalt  }
0x80: {  	_ =	shalt  }
0x81: {  	_ =	shalt  }
0x82: {  	_ =	shalt  }
0x83: {  	_ =	shalt  }
0x84: {  	_ =	shalt  }
0x85: {  	_ =	shalt  }
0x86: {  	_ =	shalt  }
0x87: {  	_ =	shalt  }
.Lfunc_end0:
.L_simem_size_0:
called_computation_lowered:
.L_overlay_start_0:
0x88: {  	s2 =	sld [smem:$0x3FD9]  }
0x89: {  	s3 =	sld [smem:$0x3FFE];
	_ =	sdelay $0x1  }
0x8a: {  	s1 =	srdreg.scid  }
0x8b: {  	s0 =	sand.u32 $0x1, s1  }
0x8c: {  	s17 =	sshll.u32 s0, $0xA;
	s2 =	sadd.s32 s3, s2  }
0x8d: {  	s2 =	sadd.s32 s2, s17  }
0x8e: {  	[smem:$0x3FC6] =	sst s2  }
0x8f: {  	_ = 	snop  }
0x90: {  	s18 =	sld [smem:$0x3FD0];
	(tm) =	ssettm $0x1  }
0x91: {  	s19 =	sld [smem:$0x3FFB];
	_ =	sdelay $0x3  }
0x92: {  	_ =	strace s19  }
0x93: {  	s2 =	sld [smem:$0x3FFC];
	_ =	sdelay $0x3  }
0x94: {  	_ =	strace s2  }
0x95: {  	s2 =	sld [smem:$0x3FFD];
	_ =	sdelay $0x3  }
0x96: {  	_ =	strace s2  }
0x97: {  	_ =	strace $0x8FFFFFFF  }
0x98: {  	s20 =	sld [smem:$0x3FDB];
	_ =	sdelay $0x1  }
0x99: {  	s4 =	simm.s32 $_scs_section_size  }
0x9a: {  	s5 =	simm.s32 $_size__tile_overlayer_lowered;
	s6 =	simm.s32 $_tile_overlayer_lowered  }
0x9b: {  	s7 =	simm.s32 $0x1BFF;
	s21 =	sshll.u32 s6, $0x1;
	s4 =	sadd.s32 s4, s20  }
0x9c: {  	s22 =	simm.s32 $0x0;
	s5 =	sshll.u32 s5, $0x1;
	s6 =	sadd.s32 s21, s4  }
0x9d: {  	[timem:s22], [sflag:s7] =	dma.local [hbm:s6], s5  }
0x9e: {  	_ =	swait.ge [sflag:s7], s5  }
0x9f: {  	s5 =	ssub.s32 $0x0, s5;
	[sflag:s7] =	ssyncset.done $0x0  }
0xa0: {  	[sflag:s7] =	ssyncadd.s32 s5;
	_ =	sdelay $0x1  }
0xa1: {  	s23 =	simm.s32 $0x1B8B  }
0xa2: {  	_ =	swait.ge [sflag:s23], $0x1  }
0xa3: {  	[sflag:s23] =	ssyncset.done $0x0  }
0xa4: {  	[sflag:s23] =	ssyncadd.s32 $0xFFFFFFFF  }
0xa5: {  	s5 =	sld [smem:$0x0]  }
0xa6: {  	s6 =	sand.u32 $0xFFFFFFFE, s1  }
0xa7: {  	p0 =	sne.s32 s1, s6  }
0xa8: {  	s6 =	sshll.u32 @p0 s6, $0xE  }
0xa9: {  	s6 =	sadd.s32 @p0 $0x11B8D, s6;
	s7 =	sshll.u32 @p0 s5, $0x11  }
0xaa: {  	s6 =	sor.u32 @p0 s7, s6  }
0xab: {  	[sflag:s6] =	ssyncadd.remote.s32 @p0 $0x1;
	_ =	sdelay $0x1  }
0xac: {  	s6 =	simm.s32 @p0 $0x1B8D  }
0xad: {  	_ =	swait.eq @p0 [sflag:s6], $0x1  }
0xae: {  	[sflag:s6] =	ssyncadd.s32 @p0 $0xFFFFFFFF  }
0xaf: {  	s7 =	sshll.u32 @!p0 s1, $0xE  }
0xb0: {  	s7 =	sor.u32 @!p0 $0x4000, s7;
	s6 =	simm.s32 @!p0 $0x1B8D  }
0xb1: {  	s5 =	sshll.u32 @!p0 s5, $0x11;
	s7 =	sadd.s32 @!p0 $0x11B8D, s7;
	_ =	swait.eq @!p0 [sflag:s6], $0x1  }
0xb2: {  	s5 =	sor.u32 @!p0 s5, s7;
	[sflag:s6] =	ssyncadd.s32 @!p0 $0xFFFFFFFF  }
0xb3: {  	s25 =	simm.s32 $0x1B8E;
	s24 =	sld [smem:$0x3FFE];
	[sflag:s5] =	ssyncadd.remote.s32 @!p0 $0x1  }
0xb4: {  	s26 =	simm.s32 $execute0_lowered;
	[smem:$0x3FD2] =	sst s25  }
0xb5: {  	s6 =	sshll.u32 s26, $0x1;
	_ =	strace $0x80000049;
	[dreg:$0x1] =	wrdreg $0xFFFFFFFF  }
0xb6: {  	s28 =	simm.s32 $_size_execute0_lowered;
	s4 =	sadd.s32 s4, s6;
	[dreg:$0x0] =	wrdreg $0x0  }
0xb7: {  	s6 =	sshll.u32 s28, $0x1;
	[dreg:$0x2] =	wrdreg s4  }
0xb8: {  	[dreg:$0x3] =	wrdreg s6  }
0xb9: {  	[dreg:$0x4] =	wrdreg $0xC0  }
0xba: {  	_ =	task [dreg:s22], $0x5FFFF  }
0xbb: {  	[dreg:$0x1] =	wrdreg $0xFFFFFFFF  }
0xbc: {  	[dreg:$0x0] =	wrdreg $0x60  }
0xbd: {  	[dreg:$0x2] =	wrdreg s24  }
0xbe: {  	[dreg:$0x3] =	wrdreg s18  }
0xbf: {  	[dreg:$0x4] =	wrdreg $0x9  }
0xc0: {  	_ =	task.clear_ibuf [dreg:s22], $0x5FFFF;
	_ =	strace $0x90000049  }
0xc1: {  	s29 =	simm.s32 $0x9;
	_ =	strace $0x8000004B  }
0xc2: {  	_ =	swait.ge [sflag:s29], $0x1  }
0xc3: {  	[sflag:s29] =	ssyncadd.s32 $0xFFFFFFFF  }
0xc4: {  	_ =	strace $0x9000004B  }
0xc5: {  	_ =	sfence  }
0xc6: {  	s30 =	sld [smem:$0x0];
	_ =	sdelay $0x2  }
0xc7: {  	s31 =	sshll.u32 s1, $0xD;
	s1 =	sshrl.u32 s1, $0x2  }
0xc8: {  	s4 =	sand.u32 $0x4000, s31;
	s1 =	sadd.s32 s1, s30  }
0xc9: {  	s0 =	sor.u32 s4, s0;
	s1 =	sshll.u32 s1, $0x11  }
0xca: {  	s0 =	sor.u32 s1, s0  }
0xcb: {  	s0 =	sadd.s32 $0x8F2B, s0  }
0xcc: {  	[sflag:s0] =	ssyncadd.remote.s32 $0x1  }
0xcd: {  	_ =	sfence.sel $0xFFFF  }
0xce: {  	[dreg:$0x0] =	wrdreg $0xFFFFFFFF;
	(pc) =	sbr.abs _section_cstart, $3  }
0xcf: {  	[dreg:$0x1] =	wrdreg $0xFFFFFFFF  }
0xd0: {  	_ =	task.clear_ibuf [dreg:s22], $0x2FFFF;
	_ =	strace $0x9FFFFFFF  }
0xd1: {  	(tm) =	ssettm $0x7FFFFFFF  }
tec
execute0_lowered:
.L_overlay_start_1:
0x0: {  	(tag) =	ssettag $0x1  }
0x1: {  	s0 =	srdreg.scid  }
0x2: {  	s1 =	sshll.u32 s0, $0x4  }
0x3: {  	s0 =	stileid.u32;
	s1 =	sand.u32 $0x10, s1  }
0x4: {  	s2 =	sor.u32 s0, s1  }
0x5: {  	s1 =	smin.u32 s2, $0x12  }
0x6: {  	s1 =	sadd.s32 s2, s1  }
0x7: {  	p0 =	slt.u32 s2, $0x12;
	s2 =	simm.s32 $0x320;
	s1 =	smul.u32 $0x190, s1  }
0x8: {  	s2 =	simm.s32 @!p0 $0x190  }
0x9: {  	s2 =	sadd.s32 s2, s1  }
0xa: {  	s3 =	smin.u32 s2, $0x4E20  }
0xb: {  	s7 =	ssub.s32 s3, s1  }
0xc: {  	p0 =	sgt.s32 s7, $0x0  }
0xd: {  	s7 =	simm.s32 @!p0 $0x0  }
0xe: {  	s31 =	sand.u32 $0xFFF0, s7  }
0xf: {  	s2 =	sshrl.u32 s31, $0x4  }
0x10: {  	s9 =	rddreg [dreg:$0x0];
	s2 =	smul.u32 $0xA3E, s2  }
0x11: {  	s4 =	rddreg [dreg:$0x1];
	s6 =	simm.s32 $0x1  }
0x12: {  	s11 =	simm.s32 $0x3;
	s13 =	simm.s32 $0x0;
	s8 =	sshrl.u32 s2, $0x10  }
0x13: {  	s12 =	simm.s32 $0x0;
	s5 =	sadd.s32 $0x1400, s9;
	s10 =	smul.u32 $0x190, s8  }
.Ltmp0:
0x14: {  	s9 =	sadd.s32 $0x4F600, s9;
	s2 =	rddreg [dreg:$0x2];
	(pc) =	sbr.rel .LBB2_1-.Ltmp0, $4  }
0x15: {  	_ =	strace $0x8000004A;
	p0 =	sne.s32 s7, s10;
	s10 =	simm.s32 $0x1  }
0x16: {  	[sflag:s6] =	ssyncpa.u1 $0x0;
	s7 =	simm.s32 $0x2;
	s10 =	simm.s32 @!p0 $0x0  }
0x17: {  	[sflag:s7] =	ssyncpa.u1 $0x0;
	p0 =	por $0x0, $0x0;
	s8 =	sadd.s32 s8, s10  }
0x18: {  	vm0 =	vmmov $0xff;
	vm1 =	vcmask $0x3F20;
	[sflag:s11] =	ssyncpa.u1 $0x0;
	s11 =	smov.u32 s1;
	s10 =	sadd.s32 $0x1, s8  }
.LBB2_6:
0x19: {  	[hbm:s17] =	stream.linear.scatter [tilespmem:s14], [sflag:$0x3], $0x400, $0x38;
	[tilespmem:$0x19320] =	vst v63  }
.LBB2_7:
0x1a: {  	s13 =	sadd.s32 $0x190, s11  }
0x1b: {  	s15 =	smov.u32 s1;
	p2 =	slt.s32 s13, s3  }
0x1c: {  	s15 =	smov.u32 @p2 s13;
	p2 =	sne.s32 s12, s10  }
.Ltmp1:
0x1d: {  	p1 =	slt.u32 s12, $0x2;
	(pc) =	sbr.rel @!p2 .LBB2_8-.Ltmp1, $4  }
0x1e: {  	s14 =	simm.s32 @!p1 $0x3  }
0x1f: {  	s16 =	sadd.s32 $0x1, s12;
	_ =	swait.ge @!p1 [sflag:s14], $0xC800  }
0x20: {  	p0 =	por !p0, !p0;
	s13 =	smov.u32 s11;
	[sflag:s14] =	ssyncset.done @!p1 $0x0  }
0x21: {  	s12 =	smov.u32 s16;
	s11 =	smov.u32 s15;
	[sflag:s14] =	ssyncadd.s32 @!p1 $0xFFFF3800  }
.LBB2_1:
0x22: {  	p1 =	sge.u32 s12, s8  }
0x23: {  	s14 =	sxor.u32 @!p1 $0xFFFFFFFF, s12  }
0x24: {  	s14 =	sand.u32 @!p1 $0x1, s14  }
0x25: {  	s14 =	smul.u32 @!p1 $0x640, s14  }
0x26: {  	s31 =	sadd.s32 $0xFFFFFFFF, s12;
	s15 =	sshrl.u32 @!p1 s11, $0x3  }
0x27: {  	s16 =	sand.u32 @!p1 $0x7, s11;
	s15 =	sadd.s32 @!p1 s4, s15;
	s14 =	sshrl.u32 @!p1 s14, $0x2  }
0x28: {  	[tilespmem:s14], [sflag:$0x2] =	stream.linear.gather @!p1 [hbm4b:s15+s16], $0x190, $0x38;
	[tilespmem:$0x19320] =	vst v63  }
0x29: {  	p1 =	sge.u32 s31, s8  }
.Ltmp2:
0x2a: {  	_ = 	snop;
	(pc) =	sbr.rel @p1 .LBB2_7-.Ltmp2, $1  }
0x2b: {  	_ =	sdelay $0x3  }
0x2c: {  	s14 =	simm.s32 $0x1  }
0x2d: {  	s14 =	simm.s32 @!p0 $0x0  }
0x2e: {  	s15 =	smul.u32 $0x640, s14  }
0x2f: {  	_ =	swait.ge [sflag:s7], $0x190  }
0x30: {  	[sflag:s7] =	ssyncset.done $0x0;
	s16 =	sshrl.u32 s15, $0x2  }
0x31: {  	[sflag:s7] =	ssyncadd.s32 $0xFFFFFE70;
	s15 =	sadd.s32 $0x0, s16  }
0x32: {  	v0 =	vld.msk [tilespmem:s15+$0x0 ss:$0x1], $0xffff;
	_ =	sdelay $0x4  }
0x33: {  	vm2 =	vgt.s32 v0, $0x0  }
0x34: {  	v0 =	vnsel vm2, $0x0, v0  }
0x35: {  	v0 =	vmin.u32 v0, $0x4E1F  }
0x36: {  	v0 =	vshll.u32 v0, $0x4  }
0x37: {  	s14 =	smul.u32 $0x32000, s14;
	_ =	sdelay $0x1  }
0x38: {  	s14 =	sshrl.u32 s14, $0x2  }
0x39: {  	s14 =	sor.u32 $0x320, s14  }
0x3a: {  	[tilespmem:s14], [sflag:$0x1] =	stream.indirect_vreg.gather [hbm:s5], $0x80, v0, vm0, $0x38;
	[tilespmem:$0x19320] =	vst v63  }
0x3b: {  	s17 =	sadd.s32 $0x10, s16;
	s15 =	sadd.s32 $0x400, s14  }
0x3c: {  	[tilespmem:s15], [sflag:$0x1] =	stream.indirect_vreg.gather [hbm:s5], $0x80, v0, vm1, $0x38;
	[tilespmem:$0x19320] =	vst v63  }
0x3d: {  	s18 =	simm.s32 $0x80;
	v0 =	vld.msk [tilespmem:s17+$0x0 ss:$0x1], $0xffff;
	s17 =	smov.u32 s14  }
.LBB2_3:
0x3e: {  	p1 =	sne.s32 s18, $0x600;
	_ =	sdelay $0x4  }
0x3f: {  	vm2 =	vgt.s32 v0, $0x0  }
0x40: {  	v0 =	vnsel vm2, $0x0, v0  }
0x41: {  	v0 =	vmin.u32 v0, $0x4E1F  }
0x42: {  	v0 =	vshll.u32 v0, $0x4;
	_ =	sdelay $0x3  }
.Ltmp3:
0x43: {  	s19 =	sshra.s32 s18, $0x2;
	s17 =	sadd.s32 $0x800, s17;
	(pc) =	sbr.rel @p1 .LBB2_3-.Ltmp3, $4  }
0x44: {  	[tilespmem:s17], [sflag:$0x1] =	stream.indirect_vreg.gather [hbm:s5], $0x80, v0, vm0, $0x38;
	[tilespmem:$0x19320] =	vst v63  }
0x45: {  	s19 =	sadd.s32 s19, s16;
	s20 =	sadd.s32 $0x400, s17  }
0x46: {  	[tilespmem:s20], [sflag:$0x1] =	stream.indirect_vreg.gather [hbm:s5], $0x80, v0, vm1, $0x38;
	[tilespmem:$0x19320] =	vst v63  }
0x47: {  	s18 =	sadd.s32 $0x40, s18;
	v0 =	vld.msk [tilespmem:s19+$0x0 ss:$0x1], $0xffff  }
0x48: {  	_ =	sdelay $0x3  }
0x49: {  	vm2 =	vgt.s32 v0, $0x0  }
0x4a: {  	v0 =	vnsel vm2, $0x0, v0  }
0x4b: {  	v0 =	vmin.u32 v0, $0x4E1F  }
0x4c: {  	v0 =	vshll.u32 v0, $0x4;
	_ =	sdelay $0x3  }
0x4d: {  	s16 =	sadd.s32 $0x800, s17  }
0x4e: {  	[tilespmem:s16], [sflag:$0x1] =	stream.indirect_vreg.gather [hbm:s5], $0x80, v0, vm0, $0x38;
	[tilespmem:$0x19320] =	vst v63  }
0x4f: {  	s16 =	sadd.s32 $0x400, s16  }
0x50: {  	[tilespmem:s16], [sflag:$0x1] =	stream.indirect_vreg.gather [hbm:s5], $0x80, v0, vm1, $0x38;
	[tilespmem:$0x19320] =	vst v63  }
0x51: {  	s13 =	sshll.u32 s13, $0x4;
	_ =	swait.ge [sflag:s6], $0xC800  }
0x52: {  	s13 =	sadd.s32 s13, s9;
	[sflag:s6] =	ssyncset.done $0x0  }
0x53: {  	s17 =	sadd.s32 $0x0, s13;
	s16 =	simm.s32 $0x80;
	[sflag:s6] =	ssyncadd.s32 $0xFFFF3800  }
.LBB2_5:
0x54: {  	[hbm:s17] =	stream.linear.scatter [tilespmem:s14], [sflag:$0x3], $0x400, $0x38;
	[tilespmem:$0x19320] =	vst v63  }
0x55: {  	s17 =	smov.u32 s16;
	s14 =	smov.u32 s15;
	p1 =	sne.s32 s16, $0x1880  }
.Ltmp4:
0x56: {  	s16 =	sadd.s32 $0x80, s16;
	(pc) =	sbr.rel @p1 .LBB2_5-.Ltmp4, $2  }
0x57: {  	_ =	sdelay $0x2  }
0x58: {  	s15 =	sadd.s32 $0x400, s15;
	s17 =	sadd.s32 s17, s13  }
.Ltmp5:
0x59: {  	_ = 	snop;
	(pc) =	sbr.rel .LBB2_6-.Ltmp5, $1  }
0x5a: {  	_ =	sdelay $0x3  }
.LBB2_8:
0x5b: {  	_ =	sfence.sel $0x180000  }
0x5c: {  	s1 =	simm.s32 $0x2;
	[bflag:$0x0] =	sbarrier.arrive $0xFFFF  }
0x5d: {  	s30 =	simm.s32 $0x3;
	[sflag:s1] =	ssyncpa.u1 $0x1  }
0x5e: {  	s31 =	simm.s32 $0x1;
	[sflag:s30] =	ssyncpa.u1 $0x1  }
0x5f: {  	[sflag:s31] =	ssyncpa.u1 $0x1  }
0x60: {  	p0 =	sne.s32 s0, $0x0;
	_ =	strace $0x9000004A  }
0x61: {  	s0 =	sadd.s32 @!p0 $0x100000, s2;
	[bflag:$0x2] =	sbarrier.arrive $0xFFFF  }
0x62: {  	[sflag:s0] =	ssyncadd.tile.s32 @!p0 $0x1;
	_ =	shalt  }
.Lfunc_end2:
_tile_overlayer_lowered:
.L_overlay_start_2:
0x63: {  	(tag) =	ssettag $0x2  }
0x64: {  	s0 =	rddreg [dreg:$0x0];
	s2 =	stileid.u32  }
0x65: {  	s1 =	rddreg [dreg:$0x1];
	p0 =	sne.s32 s2, $0x0  }
0x66: {  	s3 =	rddreg [dreg:$0x2];
	[bflag:$0x3] =	sbarrier.arrive $0xFFFF;
	s2 =	simm.s32 @!p0 $0x1C01  }
0x67: {  	[timem:s3], [sflag:s2] =	dma.local @!p0 [hbm:s0], s1  }
0x68: {  	s0 =	simm.s32 @!p0 $0x1  }
0x69: {  	_ =	swait.ge @!p0 [sflag:s0], s1  }
0x6a: {  	s1 =	ssub.s32 @!p0 $0x0, s1;
	[sflag:s0] =	ssyncset.done @!p0 $0x0  }
0x6b: {  	[sflag:s0] =	ssyncadd.s32 @!p0 s1  }
0x6c: {  	[bflag:$0x3] =	sbarrier.arrive $0xFFFF  }
0x6d: {  	_ =	shalt  }

// kernel: kernel.3.cloned.1.call-start
scs
__scs_entry_jumppad:
0x0: {  	(pc) =	sbr.rel $0x88, $3  }
0x1: {  	(tag) =	ssettag $0x0;
	lr =	simm.s32 $0x1  }
0x2: {  	[smem:$0x3F9F] =	sst lr;
	_ =	strace $0xD0000000  }
0x3: {  	_ = 	snop  }
0x4: {  	_ = 	snop  }
0x5: {  	_ = 	snop  }
0x6: {  	_ = 	snop  }
0x7: {  	_ = 	snop  }
__scs_overlays_trampoline_lowered:
0x8: {  	[smem:$0x3FAE] =	sst s0  }
0x9: {  	[smem:$0x3FAF] =	sst s1  }
0xa: {  	[smem:$0x3FB0] =	sst s2  }
0xb: {  	[smem:$0x3FB1] =	sst s3  }
0xc: {  	[smem:$0x3FB2] =	sst s4  }
0xd: {  	[smem:$0x3FB3] =	sst s5  }
0xe: {  	[smem:$0x3FB4] =	sst s6  }
0xf: {  	[smem:$0x3FB5] =	sst s7  }
0x10: {  	[smem:$0x3FB6] =	sst s8  }
0x11: {  	[smem:$0x3FB7] =	sst s9;
	s0 =	simm.s32 @!p0 $0x0  }
0x12: {  	s1 =	sld [smem:$0x3F9D];
	s0 =	simm.s32 @p0 $0x1  }
0x13: {  	[smem:$0x3FB8] =	sst s0;
	s0 =	simm.s32 @!p1 $0x0  }
0x14: {  	s2 =	sld [smem:$0x3F9C];
	s0 =	simm.s32 @p1 $0x1  }
0x15: {  	[smem:$0x3FB9] =	sst s0;
	s0 =	simm.s32 @!p2 $0x0  }
0x16: {  	s3 =	sld [smem:$0x3FDB];
	s0 =	simm.s32 @p2 $0x1  }
0x17: {  	s4 =	simm.s32 $0x1BF5;
	[smem:$0x3FBB] =	sst s0  }
0x18: {  	s0 =	sld [smem:$0x3F9E];
	_ =	swait.ge [sflag:s4], $0x0  }
0x19: {  	s7 =	sld [smem:$0x3F9F]  }
0x1a: {  	s8 =	sadd.s32 $0xFFFFE003, lr  }
0x1b: {  	s9 =	sadd.s32 $0xFFFFFEF7, lr;
	s5 =	simm.s32 $0xFFFFFFFF;
	p2 =	slt.u32 s8, $0xFFFFF086  }
0x1c: {  	p1 =	slt.u32 s9, $0xF7A;
	s5 =	simm.s32 @!p2 $0x0  }
0x1d: {  	s5 =	simm.s32 @p1 $0x1;
	p0 =	seq.s32 s7, s2  }
0x1e: {  	s7 =	smul.u32 @!p0 $0xF7A, s2;
	p2 =	seq.s32 @!p0 s5, $0x0  }
0x1f: {  	s9 =	smul.u32 $0xF7A, s1;
	s8 =	simm.s32 @!p0 $0x1BF5;
	p2 =	por !p2, p0  }
0x20: {  	[sflag:s8] =	ssyncset.s32 @!p0 $0xFFFFF086;
	s6 =	sadd.s32 @!p0 s3, s7;
	s7 =	simm.s32 @!p0 $0x108  }
0x21: {  	s3 =	sadd.s32 s3, s9;
	s6 =	sadd.s32 @!p0 $0x88, s6;
	s7 =	simm.s32 @p2 $0x1082  }
0x22: {  	[simem:s7], [sflag:s8] =	dma.local @!p0 [hbm:s6], $0xF7A  }
0x23: {  	s9 =	sor.u32 $0xD0000000, s2;
	s6 =	simm.s32 $0x108;
	_ =	swait.ge @!p0 [sflag:s8], $0x0  }
0x24: {  	s3 =	sadd.s32 $0x88, s3;
	s6 =	simm.s32 @!p1 $0x1082;
	[sflag:s4] =	ssyncset.s32 $0xFFFFF086  }
0x25: {  	[simem:s6], [sflag:s4] =	dma.local [hbm:s3], $0xF7A  }
0x26: {  	[smem:$0x3F9F] =	sst s1;
	(tag) =	ssettag s2;
	_ =	strace s9  }
0x27: {  	s1 =	sld [smem:$0x3FAF]  }
0x28: {  	s2 =	sld [smem:$0x3FB0]  }
0x29: {  	s4 =	sld [smem:$0x3FB2]  }
0x2a: {  	p0 =	seq.s32 s5, $0x0;
	s5 =	sld [smem:$0x3FB3]  }
0x2b: {  	s6 =	sld [smem:$0x3FB4]  }
0x2c: {  	s7 =	sld [smem:$0x3FB5]  }
0x2d: {  	s3 =	simm.s32 $0x108;
	s8 =	sld [smem:$0x3FB6]  }
0x2e: {  	s3 =	simm.s32 @!p0 $0x1082;
	s9 =	sld [smem:$0x3FB7]  }
0x2f: {  	lr =	sadd.s32 s0, s3;
	s0 =	sld [smem:$0x3FAE]  }
0x30: {  	s3 =	sld [smem:$0x3FB1]  }
0x31: {  	[smem:$0x3FBA] =	sst s10  }
0x32: {  	s10 =	sld [smem:$0x3FB8];
	_ =	sdelay $0x3  }
0x33: {  	p0 =	seq.s32 s10, $0x1;
	s10 =	sld [smem:$0x3FBA];
	_ =	sdelay $0x3  }
0x34: {  	[smem:$0x3FBA] =	sst s10  }
0x35: {  	s10 =	sld [smem:$0x3FB9];
	_ =	sdelay $0x3  }
0x36: {  	p1 =	seq.s32 s10, $0x1;
	s10 =	sld [smem:$0x3FBA];
	_ =	sdelay $0x3  }
0x37: {  	[smem:$0x3FBA] =	sst s10  }
0x38: {  	s10 =	sld [smem:$0x3FBB]  }
0x39: {  	_ = 	snop;
	(pc) =	sbr.ind lr, $3  }
0x3a: {  	_ = 	snop  }
0x3b: {  	_ = 	snop  }
0x3c: {  	p2 =	seq.s32 s10, $0x1;
	s10 =	sld [smem:$0x3FBA]  }
0x3d: {  	_ =	shalt  }
0x3e: {  	_ =	shalt  }
0x3f: {  	_ =	shalt  }
0x40: {  	_ =	shalt  }
0x41: {  	_ =	shalt  }
0x42: {  	_ =	shalt  }
0x43: {  	_ =	shalt  }
0x44: {  	_ =	shalt  }
0x45: {  	_ =	shalt  }
0x46: {  	_ =	shalt  }
0x47: {  	_ =	shalt  }
0x48: {  	_ =	shalt  }
0x49: {  	_ =	shalt  }
0x4a: {  	_ =	shalt  }
0x4b: {  	_ =	shalt  }
0x4c: {  	_ =	shalt  }
0x4d: {  	_ =	shalt  }
0x4e: {  	_ =	shalt  }
0x4f: {  	_ =	shalt  }
0x50: {  	_ =	shalt  }
0x51: {  	_ =	shalt  }
0x52: {  	_ =	shalt  }
0x53: {  	_ =	shalt  }
0x54: {  	_ =	shalt  }
0x55: {  	_ =	shalt  }
0x56: {  	_ =	shalt  }
0x57: {  	_ =	shalt  }
0x58: {  	_ =	shalt  }
0x59: {  	_ =	shalt  }
0x5a: {  	_ =	shalt  }
0x5b: {  	_ =	shalt  }
0x5c: {  	_ =	shalt  }
0x5d: {  	_ =	shalt  }
0x5e: {  	_ =	shalt  }
0x5f: {  	_ =	shalt  }
0x60: {  	_ =	shalt  }
0x61: {  	_ =	shalt  }
0x62: {  	_ =	shalt  }
0x63: {  	_ =	shalt  }
0x64: {  	_ =	shalt  }
0x65: {  	_ =	shalt  }
0x66: {  	_ =	shalt  }
0x67: {  	_ =	shalt  }
0x68: {  	_ =	shalt  }
0x69: {  	_ =	shalt  }
0x6a: {  	_ =	shalt  }
0x6b: {  	_ =	shalt  }
0x6c: {  	_ =	shalt  }
0x6d: {  	_ =	shalt  }
0x6e: {  	_ =	shalt  }
0x6f: {  	_ =	shalt  }
0x70: {  	_ =	shalt  }
0x71: {  	_ =	shalt  }
0x72: {  	_ =	shalt  }
0x73: {  	_ =	shalt  }
0x74: {  	_ =	shalt  }
0x75: {  	_ =	shalt  }
0x76: {  	_ =	shalt  }
0x77: {  	_ =	shalt  }
0x78: {  	_ =	shalt  }
0x79: {  	_ =	shalt  }
0x7a: {  	_ =	shalt  }
0x7b: {  	_ =	shalt  }
0x7c: {  	_ =	shalt  }
0x7d: {  	_ =	shalt  }
0x7e: {  	_ =	shalt  }
0x7f: {  	_ =	shalt  }
0x80: {  	_ =	shalt  }
0x81: {  	_ =	shalt  }
0x82: {  	_ =	shalt  }
0x83: {  	_ =	shalt  }
0x84: {  	_ =	shalt  }
0x85: {  	_ =	shalt  }
0x86: {  	_ =	shalt  }
0x87: {  	_ =	shalt  }
.Lfunc_end0:
.L_simem_size_0:
called_computation.2_lowered:
.L_overlay_start_0:
0x88: {  	s0 =	sld [smem:$0x3FD9]  }
0x89: {  	s1 =	sld [smem:$0x3FFE];
	_ =	sdelay $0x3  }
0x8a: {  	s0 =	sadd.s32 s1, s0  }
0x8b: {  	[smem:$0x3FC6] =	sst s0  }
0x8c: {  	_ = 	snop  }
0x8d: {  	s0 =	sld [smem:$0x3FD0];
	(tm) =	ssettm $0x1  }
0x8e: {  	s16 =	sld [smem:$0x3FFB];
	_ =	sdelay $0x3  }
0x8f: {  	_ =	strace s16  }
0x90: {  	s1 =	sld [smem:$0x3FFC];
	_ =	sdelay $0x3  }
0x91: {  	_ =	strace s1  }
0x92: {  	s1 =	sld [smem:$0x3FFD];
	_ =	sdelay $0x3  }
0x93: {  	_ =	strace s1  }
0x94: {  	_ =	strace $0x8FFFFFFF  }
0x95: {  	s17 =	sld [smem:$0x3FDB];
	_ =	sdelay $0x1  }
0x96: {  	s2 =	simm.s32 $_scs_section_size  }
0x97: {  	s3 =	simm.s32 $_size__tile_overlayer_lowered;
	s4 =	simm.s32 $_tile_overlayer_lowered  }
0x98: {  	s20 =	simm.s32 $0x1BFF;
	s19 =	sshll.u32 s4, $0x1;
	s1 =	sadd.s32 s2, s17  }
0x99: {  	s5 =	simm.s32 $0x0;
	s18 =	sshll.u32 s3, $0x1;
	s3 =	sadd.s32 s19, s1  }
0x9a: {  	[timem:s5], [sflag:s20] =	dma.local [hbm:s3], s18  }
0x9b: {  	_ =	swait.ge [sflag:s20], s18  }
0x9c: {  	s2 =	ssub.s32 $0x0, s18;
	[sflag:s20] =	ssyncset.done $0x0  }
0x9d: {  	[sflag:s20] =	ssyncadd.s32 s2;
	_ =	sdelay $0x1  }
0x9e: {  	s21 =	simm.s32 $0x1B8B  }
0x9f: {  	_ =	swait.ge [sflag:s21], $0x1  }
0xa0: {  	[sflag:s21] =	ssyncset.done $0x0  }
0xa1: {  	s23 =	simm.s32 $0x1B8E;
	s22 =	sld [smem:$0x3FFE];
	[sflag:s21] =	ssyncadd.s32 $0xFFFFFFFF  }
0xa2: {  	s24 =	simm.s32 $execute0_lowered;
	[smem:$0x3FD2] =	sst s23  }
0xa3: {  	s3 =	sshll.u32 s24, $0x1;
	_ =	strace $0x8000004C;
	[dreg:$0x1] =	wrdreg $0xFFFFFFFF  }
0xa4: {  	s25 =	simm.s32 $_size_execute0_lowered;
	s1 =	sadd.s32 s1, s3;
	[dreg:$0x0] =	wrdreg $0x0  }
0xa5: {  	s3 =	sshll.u32 s25, $0x1;
	[dreg:$0x2] =	wrdreg s1  }
0xa6: {  	[dreg:$0x3] =	wrdreg s3  }
0xa7: {  	[dreg:$0x4] =	wrdreg $0xC0  }
0xa8: {  	_ =	task [dreg:s5], $0x5FFFF  }
0xa9: {  	[dreg:$0x1] =	wrdreg $0xFFFFFFFF  }
0xaa: {  	[dreg:$0x0] =	wrdreg $0x60  }
0xab: {  	[dreg:$0x2] =	wrdreg s0  }
0xac: {  	[dreg:$0x3] =	wrdreg s22  }
0xad: {  	[dreg:$0x4] =	wrdreg $0x149000  }
0xae: {  	[dreg:$0x5] =	wrdreg $0x9  }
0xaf: {  	_ =	task.clear_ibuf [dreg:s5], $0x6FFFF;
	_ =	strace $0x9000004C  }
0xb0: {  	s26 =	simm.s32 $0x9;
	_ =	strace $0x8000004E  }
0xb1: {  	_ =	swait.ge [sflag:s26], $0x1  }
0xb2: {  	[sflag:s26] =	ssyncadd.s32 $0xFFFFFFFF  }
0xb3: {  	_ =	strace $0x9000004E  }
0xb4: {  	_ =	sfence  }
0xb5: {  	s28 =	sld [smem:$0x0];
	_ =	sdelay $0x1  }
0xb6: {  	s29 =	srdreg.scid  }
0xb7: {  	s30 =	sshll.u32 s29, $0xD;
	s31 =	sshrl.u32 s29, $0x2  }
0xb8: {  	s2 =	sand.u32 $0x4000, s30;
	s1 =	sand.u32 $0x1, s29;
	s0 =	sadd.s32 s31, s28  }
0xb9: {  	s1 =	sor.u32 s2, s1;
	s0 =	sshll.u32 s0, $0x11  }
0xba: {  	s0 =	sor.u32 s0, s1  }
0xbb: {  	s0 =	sadd.s32 $0x8F2B, s0  }
0xbc: {  	[sflag:s0] =	ssyncadd.remote.s32 $0x1  }
0xbd: {  	_ =	sfence.sel $0xFFFF  }
0xbe: {  	[dreg:$0x0] =	wrdreg $0xFFFFFFFF;
	(pc) =	sbr.abs _section_cstart, $3  }
0xbf: {  	[dreg:$0x1] =	wrdreg $0xFFFFFFFF  }
0xc0: {  	_ =	task.clear_ibuf [dreg:s5], $0x2FFFF;
	_ =	strace $0x9FFFFFFF  }
0xc1: {  	(tm) =	ssettm $0x7FFFFFFF  }
tec
execute0_lowered:
.L_overlay_start_1:
0x0: {  	(tag) =	ssettag $0x1  }
0x1: {  	s2 =	rddreg [dreg:$0x0]  }
0x2: {  	s4 =	rddreg [dreg:$0x1]  }
0x3: {  	s1 =	rddreg [dreg:$0x2];
	s16 =	simm.s32 $0x0  }
0x4: {  	[smem:$0x7FF] =	sst s16  }
0x5: {  	s0 =	rddreg [dreg:$0x3];
	s6 =	simm.s32 $0x1;
	_ =	strace $0x8000004D  }
0x6: {  	[tilespmem:s16], [sflag:$0x1] =	stream.linear.gather [hbm4b:s2+s16], $0x4F00, $0x38;
	[tilespmem:$0x14940] =	vst v63  }
0x7: {  	_ =	swait.ge [sflag:s6], $0x4F00  }
0x8: {  	[sflag:s6] =	ssyncset.done $0x0  }
0x9: {  	s3 =	simm.s32 $0x4F00;
	s24 =	sadd.s32 $0x1400, s4;
	[sflag:s6] =	ssyncadd.s32 $0xFFFFB100  }
0xa: {  	[tilespmem:s3], [sflag:$0x1] =	stream.linear.gather [hbm4b:s24+s16], $0x4F00, $0x38;
	[tilespmem:$0x14940] =	vst v63  }
0xb: {  	_ =	swait.ge [sflag:s6], $0x4F00  }
0xc: {  	s7 =	simm.s32 $0x9E00;
	s2 =	stileid.u32;
	[sflag:s6] =	ssyncset.done $0x0  }
0xd: {  	s25 =	sadd.s32 $0x2800, s4;
	s5 =	sshrl.u32 s2, $0x3;
	[sflag:s6] =	ssyncadd.s32 $0xFFFFB100  }
0xe: {  	[tilespmem:s7], [sflag:$0x1] =	stream.linear.gather [hbm4b:s25+s16], $0x4F00, $0x38;
	[tilespmem:$0x14940] =	vst v63  }
0xf: {  	s26 =	smul.u32 $0x2800, s5;
	s5 =	sshll.u32 s2, $0x7;
	_ =	swait.ge [sflag:s6], $0x4F00  }
0x10: {  	s29 =	simm.s32 $0xED00;
	s8 =	sand.u32 $0x380, s5;
	[sflag:s6] =	ssyncset.done $0x0  }
0x11: {  	s28 =	sadd.s32 $0x1E00, s4;
	s3 =	sor.u32 s8, s26;
	[sflag:s6] =	ssyncadd.s32 $0xFFFFB100  }
0x12: {  	[tilespmem:s29], [sflag:$0x1] =	stream.linear.gather [hbm4b:s28+s16], $0x4F00, $0x38;
	[tilespmem:$0x14940] =	vst v63  }
0x13: {  	s31 =	simm.s32 $0x80;
	s3 =	sshrl.u32 s3, $0x3;
	_ =	swait.ge [sflag:s6], $0x4F00  }
0x14: {  	v0 =	vlaneseq.u32;
	s9 =	simm.s32 $0x400;
	s30 =	sadd.s32 s3, s4;
	[sflag:s6] =	ssyncset.done $0x0  }
0x15: {  	s10 =	simm.s32 $0x13C00;
	v0 =	vmul.u32 $0x10, v0;
	v1 =	vmov s16;
	s7 =	sadd.s32 $0xA00, s30;
	[sflag:s6] =	ssyncadd.s32 $0xFFFFB100  }
0x16: {  	v2 =	vshll.u32 v1, $0x4;
	[tilespmem:s10], [sflag:$0x1] =	stream.strided.gather [hbm4b:s7+s31], $0x500, s9, s31, $0x38;
	[tilespmem:$0x14940] =	vst v63  }
0x17: {  	v2 =	vor.u32 v0, v2;
	v1 =	vmov s2;
	_ =	swait.ge [sflag:s6], $0x500  }
0x18: {  	v2 =	vor.u32 v1, v2;
	[sflag:s6] =	ssyncset.done $0x0  }
0x19: {  	v2 =	vmin.u32 v2, $0x4EFF;
	[sflag:s6] =	ssyncadd.s32 $0xFFFFFB00;
	s6 =	simm.s32 $0x14100  }
0x1a: {  	s4 =	sadd.s32 $0x3200, s4;
	s7 =	simm.s32 $0x10;
	[tilespmem:s6+$0x0] =	vst v2  }
.LBB2_1:
0x1b: {  	v2 =	vmov s7;
	p0 =	sne.s32 s7, $0x4E0;
	s7 =	sadd.s32 $0x10, s7  }
.Ltmp0:
0x1c: {  	v2 =	vshll.u32 v2, $0x4;
	(pc) =	sbr.rel @p0 .LBB2_1-.Ltmp0, $4  }
0x1d: {  	v2 =	vor.u32 v0, v2  }
0x1e: {  	v2 =	vor.u32 v1, v2  }
0x1f: {  	s6 =	sadd.s32 $0x10, s6;
	v2 =	vmin.u32 v2, $0x4EFF  }
0x20: {  	[tilespmem:s6+$0x0] =	vst v2  }
0x21: {  	vm1 =	vcmask $0x130C  }
0x22: {  	vm2 =	vcmask $0x33C;
	vm0 =	vmmov $0x1;
	vm3 =	vcmask $0x231C  }
0x23: {  	vm4 =	vmmov $0x3;
	v0 =	vimm.s32 $0x0;
	vm5 =	vcmask $0x332C  }
0x24: {  	vm6 =	vcmask $0x2718;
	vm7 =	vcmask $0x738;
	vm8 =	vcmask $0x1714  }
0x25: {  	vm9 =	vcmask $0x2724;
	vm10 =	vcmask $0x1710;
	vm11 =	vcmask $0x2F28  }
0x26: {  	vm12 =	vmmov $0x3f;
	v1 =	vimm.s32 $0x32107654;
	vm13 =	vmmov $0x7f  }
0x27: {  	v2 =	vimm.s32 $0x76543210;
	v3 =	vimm.s32 $0xFEDCBA98;
	v0 =	vsel vm4, $0xFFFFFFFF, v0  }
0x28: {  	vm1 =	vmor vm2, vm1;
	vm4 =	vmmov $0x7;
	[tilespmem:$0x1FF50] =	vst v0;
	v0 =	vimm.s32 $0x0  }
0x29: {  	v4 =	vimm.s32 $0xDCFE98BA;
	v0 =	vsel vm4, $0xFFFFFFFF, v0;
	vm4 =	vmor vm1, vm3  }
0x2a: {  	v5 =	vimm.s32 $0xEFCDAB89;
	[tilespmem:$0x1FF60] =	vst v0;
	vm4 =	vmor vm4, vm5;
	v0 =	vimm.s32 $0x0  }
0x2b: {  	v6 =	vimm.s32 $0x67452301;
	vm1 =	vcmask $0xB08;
	v0 =	vsel vm4, $0xFFFFFFFF, v0  }
0x2c: {  	vm2 =	vmor vm2, vm1;
	vm4 =	vmor vm7, vm6;
	[tilespmem:$0x1FF70] =	vst v0;
	v0 =	vimm.s32 $0x0  }
0x2d: {  	vm5 =	vcmask $0x1310;
	v0 =	vsel vm4, $0xFFFFFFFF, v0;
	vm4 =	vmor vm2, vm8  }
0x2e: {  	vm6 =	vcmask $0x1B18;
	vm4 =	vmor vm4, vm3;
	vm3 =	vcmask $0x2B28  }
0x2f: {  	vm2 =	vmor vm2, vm5;
	vm8 =	vcmask $0x3734;
	vm4 =	vmor vm4, vm3  }
0x30: {  	[tilespmem:$0x1FF80] =	vst v0;
	vm2 =	vmor vm2, vm6;
	v0 =	vimm.s32 $0x0;
	vm4 =	vmor vm4, vm8  }
0x31: {  	vm7 =	vmor vm7, vm10;
	vm2 =	vmor vm2, vm9;
	v0 =	vsel vm4, $0xFFFFFFFF, v0  }
0x32: {  	vm9 =	vcmask $0x2F2C;
	vm4 =	vmor vm7, vm11;
	[tilespmem:$0x1FF90] =	vst v0;
	v0 =	vimm.s32 $0x0  }
0x33: {  	vm15 =	vmmov $0xff;
	vm2 =	vmor vm2, vm9;
	v0 =	vsel vm4, $0xFFFFFFFF, v0  }
0x34: {  	v1 =	vunpack.c.l.s4.s8 v1;
	vm2 =	vmor vm2, vm8;
	[tilespmem:$0x1FFA0] =	vst v0;
	v0 =	vimm.s32 $0x0  }
0x35: {  	vm4 =	vcmask $0xF00;
	v0 =	vsel vm2, $0xFFFFFFFF, v0;
	vm2 =	vcmask $0x2F20  }
0x36: {  	vm7 =	vcmask $0x700;
	[tilespmem:$0x1FFB0] =	vst v0;
	vm2 =	vmor vm4, vm2;
	v0 =	vimm.s32 $0x0  }
0x37: {  	vm4 =	vcmask $0x2720;
	v0 =	vsel vm2, $0xFFFFFFFF, v0;
	vm2 =	vmor vm7, vm10  }
0x38: {  	v2 =	vunpack.c.l.s4.s8 v2;
	vm2 =	vmor vm2, vm4;
	vm4 =	vcmask $0x3730  }
0x39: {  	v3 =	vunpack.c.l.s4.s8 v3;
	[tilespmem:$0x1FFC0] =	vst v0;
	v0 =	vimm.s32 $0x0;
	vm2 =	vmor vm2, vm4  }
0x3a: {  	v5 =	vunpack.c.l.s4.s8 v5;
	v6 =	vunpack.c.l.s4.s8 v6;
	v0 =	vsel vm2, $0xFFFFFFFF, v0  }
0x3b: {  	v3 =	vunpack.c.0.s8.s32 v3;
	vm2 =	vmmov $0xf;
	[tilespmem:$0x1FFD0] =	vst v0;
	v0 =	vimm.s32 $0x0  }
0x3c: {  	v5 =	vunpack.c.0.s8.s32 v5;
	v6 =	vunpack.c.0.s8.s32 v6;
	v0 =	vsel vm2, $0xFFFFFFFF, v0  }
0x3d: {  	v1 =	vunpack.c.0.s8.s32 v1;
	v2 =	vunpack.c.0.s8.s32 v2;
	[tilespmem:$0x1FFE0] =	vst v0;
	v0 =	vimm.s32 $0xBA98FEDC  }
0x3e: {  	v3 =	vand.u32 $0xF, v3;
	v5 =	vcombine.low v6, v5;
	v0 =	vunpack.c.l.s4.s8 v0  }
0x3f: {  	v6 =	vimm.f32 $0.0e+00;
	vm9 =	vmmov $0x7fff;
	vm7 =	vcmask $0x300  }
0x40: {  	vm11 =	vmmov $0x1f;
	vm1 =	vmor vm7, vm1;
	v0 =	vunpack.c.0.s8.s32 v0  }
0x41: {  	vm8 =	vmmov $0x3fff;
	vm7 =	vmmov $0x1fff;
	vm1 =	vmor vm1, vm5  }
0x42: {  	v1 =	vcombine.low v1, v0;
	v0 =	vunpack.c.l.s4.s8 v4;
	v4 =	vimm.s32 $0x54761032  }
0x43: {  	vm1 =	vmor vm1, vm6;
	vm2 =	vcmask $0x2320;
	v4 =	vunpack.c.l.s4.s8 v4  }
0x44: {  	vm4 =	vmmov $0x3ff;
	vm1 =	vmor vm1, vm2;
	vm2 =	vcmask $0x3330  }
0x45: {  	vm1 =	vmor vm1, vm3;
	v0 =	vunpack.c.0.s8.s32 v0;
	v4 =	vunpack.c.0.s8.s32 v4  }
.Ltmp1:
0x46: {  	vm5 =	vmmov $0x7ff;
	vm1 =	vmor vm1, vm2;
	vm2 =	vcmask $0x3B38;
	(pc) =	sbr.rel .LBB2_3-.Ltmp1, $4  }
0x47: {  	s18 =	simm.s32 $0x4E2;
	s5 =	sshrl.u32 s5, $0x2;
	vm1 =	vmor vm1, vm2;
	v4 =	vcombine.low v4, v0;
	v0 =	vimm.s32 $0x0  }
0x48: {  	s6 =	simm.s32 $0x14600;
	s7 =	simm.s32 $0x1;
	s8 =	simm.s32 $0x14680;
	vm6 =	vmmov $0xfff;
	vm3 =	vmmov $0x1ff;
	v0 =	vsel vm1, $0xFFFFFFFF, v0  }
0x49: {  	s9 =	simm.s32 $0x4F00;
	s10 =	simm.s32 $0x9E00;
	s11 =	simm.s32 $0xED00;
	v1 =	vand.u32 $0xF, v1;
	[tilespmem:$0x1FFF0] =	vst v0;
	v0 =	vcombine.low v3, v2;
	v2 =	vand.u32 $0xF, v4  }
0x4a: {  	s12 =	simm.s32 $0x13C00;
	s13 =	simm.s32 $0x14880;
	s14 =	simm.s32 $0x0;
	v3 =	vand.u32 $0xF, v5;
	v4 =	vlaneseq.u32;
	v5 =	vimm.s32 $0x0  }
.LBB2_4:
0x4b: {  	s16 =	simm.s32 $0x1  }
.LBB2_34:
0x4c: {  	s14 =	sadd.s32 $0x1, s14  }
0x4d: {  	p0 =	sne.s32 s14, $0x139  }
.Ltmp2:
0x4e: {  	_ = 	snop;
	(pc) =	sbr.rel @!p0 .LBB2_35-.Ltmp2, $1  }
0x4f: {  	_ =	sdelay $0x3  }
.LBB2_3:
0x50: {  	p0 =	seq.s32 s16, $0x1  }
.Ltmp3:
0x51: {  	_ = 	snop;
	(pc) =	sbr.rel @p0 .LBB2_4-.Ltmp3, $1  }
0x52: {  	_ =	sdelay $0x3  }
.Ltmp4:
0x53: {  	(pc) =	sbr.rel .LBB2_6-.Ltmp4, $2  }
0x54: {  	_ =	sdelay $0x2  }
0x55: {  	s16 =	simm.s32 $0x0;
	s15 =	simm.s32 $0x0  }
.LBB2_32:
0x56: {  	p0 =	sgt.s32 s16, $0x4EFF;
	s16 =	simm.s32 $0x1  }
0x57: {  	s18 =	smov.u32 s17;
	s16 =	simm.s32 @!p0 $0x0  }
.LBB2_33:
0x58: {  	s15 =	sadd.s32 $0x1, s15  }
0x59: {  	p0 =	sne.s32 s15, $0x40  }
.Ltmp5:
0x5a: {  	_ = 	snop;
	(pc) =	sbr.rel @!p0 .LBB2_34-.Ltmp5, $1  }
0x5b: {  	_ =	sdelay $0x3  }
.LBB2_6:
0x5c: {  	p0 =	seq.s32 s16, $0x1  }
.Ltmp6:
0x5d: {  	_ = 	snop;
	(pc) =	sbr.rel @p0 .LBB2_33-.Ltmp6, $2  }
0x5e: {  	_ =	sdelay $0x2  }
0x5f: {  	s16 =	simm.s32 $0x1  }
0x60: {  	v7 =	vld [tilespmem:$0x14100];
	_ =	sdelay $0x4  }
0x61: {  	(v2sf) =	vpush v7, $0x0  }
0x62: {  	(v2sf) =	vpush v7, $0x1;
	_ =	sdelay $0xd  }
0x63: {  	p0 =	sgt.s32 s18, $0x0;
	s17 =	sshll.u32 s15, $0x9;
	s19 =	spop (v2sf)  }
0x64: {  	s19 =	simm.s32 @!p0 $0x4F00;
	p0 =	sgt.s32 s18, $0x1;
	s16 =	spop (v2sf)  }
0x65: {  	s17 =	sand.u32 $0x200, s17;
	s16 =	simm.s32 @!p0 $0x4F00;
	v7 =	vmov s19  }
0x66: {  	s31 =	sadd.s32 s17, s1;
	[tilespmem:$0x14600] =	vst v7;
	v8 =	vmov s16  }
0x67: {  	s17 =	sadd.s32 s5, s31;
	[tilespmem:$0x14610] =	vst v8  }
0x68: {  	[spmem:s17] =	stream.linear.scatter [tilespmem:s6], [sflag:$0x1], $0x20, $0x38;
	[tilespmem:$0x14940] =	vst v63  }
0x69: {  	_ =	swait.ge [sflag:s7], $0x20  }
0x6a: {  	[sflag:s7] =	ssyncset.done $0x0  }
0x6b: {  	[sflag:s7] =	ssyncadd.s32 $0xFFFFFFE0  }
0x6c: {  	[bflag:$0x0] =	sbarrier.arrive $0xFFFF  }
0x6d: {  	[tilespmem:s8], [sflag:$0x1] =	stream.linear.gather [spmem:s31], $0x200, $0x38;
	[tilespmem:$0x14940] =	vst v63  }
0x6e: {  	_ =	swait.ge [sflag:s7], $0x200  }
0x6f: {  	v14 =	vld [tilespmem:$0x1FF50];
	_ =	sdelay $0x3  }
0x70: {  	[sflag:s7] =	ssyncset.done $0x0  }
0x71: {  	[sflag:s7] =	ssyncadd.s32 $0xFFFFFE00;
	vm2 =	vnez.u8 v14;
	v14 =	vld [tilespmem:$0x1FF60]  }
0x72: {  	v8 =	vld [tilespmem:$0x14680]  }
0x73: {  	v9 =	vld [tilespmem:$0x146A0]  }
0x74: {  	v10 =	vld [tilespmem:$0x146C0]  }
0x75: {  	v11 =	vld [tilespmem:$0x146E0]  }
0x76: {  	vm10 =	vnez.u8 v14;
	v14 =	vld [tilespmem:$0x1FFE0]  }
0x77: {  	v12 =	vld [tilespmem:$0x14700]  }
0x78: {  	v13 =	vld [tilespmem:$0x14720]  }
0x79: {  	v8 =	vsel vm0, v8, v9;
	v9 =	vld [tilespmem:$0x14740]  }
0x7a: {  	v8 =	vsel vm2, v8, v10;
	v10 =	vld [tilespmem:$0x14760]  }
0x7b: {  	v8 =	vsel vm10, v8, v11;
	v11 =	vld [tilespmem:$0x14780];
	vm14 =	vnez.u8 v14  }
0x7c: {  	v8 =	vsel vm14, v8, v12;
	v12 =	vld [tilespmem:$0x147A0]  }
0x7d: {  	v8 =	vsel vm11, v8, v13;
	v13 =	vld [tilespmem:$0x147C0]  }
0x7e: {  	v8 =	vsel vm12, v8, v9;
	v9 =	vld [tilespmem:$0x147E0]  }
0x7f: {  	v8 =	vsel vm13, v8, v10;
	v10 =	vld [tilespmem:$0x14800]  }
0x80: {  	v8 =	vsel vm15, v8, v11;
	v11 =	vld [tilespmem:$0x14820]  }
0x81: {  	v8 =	vsel vm3, v8, v12;
	v12 =	vld [tilespmem:$0x14840]  }
0x82: {  	v8 =	vsel vm4, v8, v13;
	v13 =	vld [tilespmem:$0x14860]  }
0x83: {  	v8 =	vsel vm5, v8, v9  }
0x84: {  	v8 =	vsel vm6, v8, v10  }
0x85: {  	v8 =	vsel vm7, v8, v11  }
0x86: {  	v8 =	vsel vm8, v8, v12  }
0x87: {  	v8 =	vsel vm9, v8, v13  }
0x88: {  	v9 =	vperm.xlane v8, v3;
	_ =	sdelay $0x1  }
0x89: {  	vm1 =	vlt.s32 v8, v9  }
0x8a: {  	v10 =	vsel vm1, v8, v9;
	v8 =	vsel vm1, v9, v8;
	v9 =	vld [tilespmem:$0x1FF70];
	_ =	sdelay $0x4  }
0x8b: {  	vm1 =	vnez.u8 v9  }
0x8c: {  	v8 =	vsel vm1, v10, v8  }
0x8d: {  	v9 =	vperm.xlane v8, v2;
	_ =	sdelay $0x1  }
0x8e: {  	vm1 =	vlt.s32 v8, v9  }
0x8f: {  	v10 =	vsel vm1, v8, v9;
	v8 =	vsel vm1, v9, v8;
	v9 =	vld [tilespmem:$0x1FF80];
	_ =	sdelay $0x4  }
0x90: {  	v14 =	vld [tilespmem:$0x1FF90];
	vm1 =	vnez.u8 v9  }
0x91: {  	v8 =	vsel vm1, v10, v8  }
0x92: {  	v11 =	vld [tilespmem:$0x146B0];
	v9 =	vperm.xlane v8, v3  }
0x93: {  	v10 =	vld [tilespmem:$0x14690]  }
0x94: {  	v12 =	vld [tilespmem:$0x146D0];
	vm1 =	vlt.s32 v8, v9  }
0x95: {  	v13 =	vsel vm1, v8, v9;
	v8 =	vsel vm1, v9, v8;
	v9 =	vld [tilespmem:$0x146F0];
	vm1 =	vnez.u8 v14  }
0x96: {  	v8 =	vsel vm1, v13, v8;
	v13 =	vld [tilespmem:$0x14710]  }
0x97: {  	v15 =	vld [tilespmem:$0x14730];
	v14 =	vperm.xlane v8, v1  }
0x98: {  	v10 =	vsel vm0, v10, v11;
	v11 =	vld [tilespmem:$0x14750]  }
0x99: {  	v10 =	vsel vm2, v10, v12;
	v12 =	vld [tilespmem:$0x14770];
	vm1 =	vlt.s32 v8, v14  }
0x9a: {  	v16 =	vsel vm1, v8, v14;
	v9 =	vsel vm10, v10, v9;
	v10 =	vld [tilespmem:$0x14790]  }
0x9b: {  	v8 =	vsel vm1, v14, v8;
	vm1 =	vcmask $0xF30;
	v9 =	vsel vm14, v9, v13;
	v13 =	vld [tilespmem:$0x147B0]  }
0x9c: {  	v8 =	vsel vm1, v16, v8;
	v9 =	vsel vm11, v9, v15;
	v15 =	vld [tilespmem:$0x147D0]  }
0x9d: {  	v14 =	vperm.xlane v8, v2;
	v9 =	vsel vm12, v9, v11;
	v11 =	vld [tilespmem:$0x147F0]  }
0x9e: {  	v9 =	vsel vm13, v9, v12;
	v12 =	vld [tilespmem:$0x14810]  }
0x9f: {  	vm1 =	vlt.s32 v8, v14;
	v9 =	vsel vm15, v9, v10;
	v10 =	vld [tilespmem:$0x14830]  }
0xa0: {  	v16 =	vsel vm1, v8, v14;
	v8 =	vsel vm1, v14, v8;
	v14 =	vld [tilespmem:$0x1FFA0]  }
0xa1: {  	v9 =	vsel vm3, v9, v13  }
0xa2: {  	v9 =	vsel vm4, v9, v15  }
0xa3: {  	v9 =	vsel vm5, v9, v11  }
0xa4: {  	v9 =	vsel vm6, v9, v12  }
0xa5: {  	vm1 =	vnez.u8 v14;
	v9 =	vsel vm7, v9, v10;
	v10 =	vld [tilespmem:$0x1FFB0]  }
0xa6: {  	v8 =	vsel vm1, v16, v8  }
0xa7: {  	v14 =	vperm.xlane v8, v3;
	_ =	sdelay $0x1  }
0xa8: {  	v13 =	vld [tilespmem:$0x14850];
	vm1 =	vlt.s32 v8, v14  }
0xa9: {  	v15 =	vld [tilespmem:$0x14870];
	v11 =	vsel vm1, v8, v14;
	v8 =	vsel vm1, v14, v8;
	vm1 =	vnez.u8 v10  }
0xaa: {  	v8 =	vsel vm1, v11, v8  }
0xab: {  	v10 =	vperm.xlane v8, v0;
	_ =	sdelay $0x1  }
0xac: {  	v9 =	vsel vm8, v9, v13;
	vm1 =	vlt.s32 v8, v10  }
0xad: {  	v9 =	vsel vm9, v9, v15;
	v12 =	vsel vm1, v8, v10;
	v8 =	vsel vm1, v10, v8  }
0xae: {  	v11 =	vperm.xlane v9, v0;
	v8 =	vsel vm15, v12, v8  }
0xaf: {  	v10 =	vperm.xlane v8, v1  }
0xb0: {  	vm1 =	vlt.s32 v9, v11  }
0xb1: {  	v9 =	vsel vm1, v9, v11;
	vm1 =	vlt.s32 v8, v10  }
0xb2: {  	v12 =	vsel vm1, v8, v10;
	v8 =	vsel vm1, v10, v8;
	v10 =	vld [tilespmem:$0x1FFC0];
	_ =	sdelay $0x2  }
0xb3: {  	v11 =	vperm.xlane v9, v1;
	_ =	sdelay $0x1  }
0xb4: {  	vm2 =	vlt.s32 v9, v11;
	vm1 =	vnez.u8 v10  }
0xb5: {  	v9 =	vsel vm2, v9, v11;
	v8 =	vsel vm1, v12, v8;
	v12 =	vld [tilespmem:$0x1FFD0]  }
0xb6: {  	v10 =	vperm.xlane v9, v2  }
0xb7: {  	v11 =	vperm.xlane v8, v2  }
0xb8: {  	vm1 =	vlt.s32 v9, v10  }
0xb9: {  	v9 =	vsel vm1, v9, v10;
	vm2 =	vlt.s32 v8, v11  }
0xba: {  	v10 =	vsel vm2, v8, v11;
	v8 =	vsel vm2, v11, v8;
	vm1 =	vnez.u8 v12  }
0xbb: {  	v11 =	vperm.xlane v9, v3;
	v8 =	vsel vm1, v10, v8  }
0xbc: {  	v10 =	vperm.xlane v8, v3  }
0xbd: {  	vm1 =	vlt.s32 v9, v11  }
0xbe: {  	v9 =	vsel vm1, v9, v11;
	vm1 =	vlt.s32 v8, v10  }
0xbf: {  	v12 =	vsel vm1, v8, v10;
	v8 =	vsel vm1, v10, v8;
	v10 =	vld [tilespmem:$0x1FFF0];
	_ =	sdelay $0x4  }
0xc0: {  	v11 =	vbroadcast v9, $0x0;
	vm1 =	vnez.u8 v10  }
0xc1: {  	v8 =	vsel vm1, v12, v8  }
0xc2: {  	vm14 =	vlt.s32 v8, v11  }
0xc3: {  	(v2sf) =	vpush v9, $0x0;
	v9 =	vmpcnt.ones.xlane vm14  }
0xc4: {  	(v2sf) =	vpush v12, $0x0  }
0xc5: {  	(v2sf) =	vpush v9, $0x0;
	_ =	sdelay $0xb  }
0xc6: {  	vm1 =	vlt.s32 v8, $0x4EFF  }
0xc7: {  	v9 =	vnsel vm1, $0x4EFF, v8;
	s20 =	spop (v2sf)  }
0xc8: {  	s16 =	spop (v2sf)  }
0xc9: {  	s21 =	spop (v2sf)  }
0xca: {  	p0 =	slt.s32 s21, $0x1  }
.Ltmp7:
0xcb: {  	s17 =	simm.s32 $0x0;
	(pc) =	sbr.rel @p0 .LBB2_17-.Ltmp7, $4  }
0xcc: {  	v10 =	vld.idx.msk [tilespmem:v9+s17+$0x0], $0xffff  }
0xcd: {  	v11 =	vld.idx.msk [tilespmem:v9+s9+$0x0], $0xffff  }
0xce: {  	v12 =	vld.idx.msk [tilespmem:v9+s10+$0x0], $0xffff  }
0xcf: {  	vm1 =	vmxor vm1, vm1;
	v13 =	vld.idx.msk [tilespmem:v9+s11+$0x0], $0xffff  }
0xd0: {  	_ =	sdelay $0x2  }
0xd1: {  	v15 =	vmov s17  }
0xd2: {  	v16 =	vperm.xlane v10, v15;
	v9 =	vsub.f32 v12, v10;
	v14 =	vsub.f32 v13, v11  }
0xd3: {  	v17 =	vperm.xlane v11, v15;
	v18 =	vperm.xlane v12, v15  }
0xd4: {  	p2 =	sne.s32 s21, $0x1;
	v19 =	vperm.xlane v13, v15;
	v9 =	vmax.f32 v9, $0.0e+00;
	v14 =	vmax.f32 v14, $0.0e+00  }
.Ltmp8:
0xd5: {  	v14 =	vmul.f32 v14, v9;
	v9 =	vmax.f32 v10, v16;
	(pc) =	sbr.rel @!p2 .LBB2_9-.Ltmp8, $4  }
0xd6: {  	v16 =	vmax.f32 v11, v17;
	v17 =	vmin.f32 v12, v18;
	v18 =	vmin.f32 v13, v19  }
0xd7: {  	v17 =	vsub.f32 v17, v9;
	v16 =	vsub.f32 v18, v16;
	v19 =	vperm.xlane v14, v15  }
0xd8: {  	v9 =	vimm.s32 $0x0  }
0xd9: {  	s22 =	simm.s32 $0x1;
	p0 =	por $0x0, $0x0;
	p1 =	por $0x0, $0x0;
	v22 =	vmax.f32 v17, $0.0e+00;
	v23 =	vmax.f32 v16, $0.0e+00;
	v19 =	vadd.f32 v19, v14  }
0xda: {  	v21 =	vmul.f32 v23, v22;
	v16 =	vmov s22  }
0xdb: {  	v17 =	vperm.xlane v10, v16;
	v20 =	vperm.xlane v12, v16  }
0xdc: {  	p2 =	sne.s32 s21, $0x2;
	v22 =	vperm.xlane v13, v16;
	v18 =	vsub.f32 v19, v21;
	v19 =	vperm.xlane v11, v16  }
.Ltmp9:
0xdd: {  	v23 =	vperm.xlane v14, v16;
	v17 =	vmax.f32 v10, v17;
	v20 =	vmin.f32 v12, v20;
	(pc) =	sbr.rel @!p2 .LBB2_11-.Ltmp9, $4  }
0xde: {  	v22 =	vmin.f32 v13, v22;
	v18 =	vadd.f32 $9.999999960e-13, v18;
	v19 =	vmax.f32 v11, v19  }
0xdf: {  	v17 =	vsub.f32 v20, v17;
	v20 =	vsub.f32 v22, v19  }
0xe0: {  	v19 =	vadd.f32 v23, v14  }
0xe1: {  	s22 =	simm.s32 $0x2;
	p0 =	por $0x1, $0x1;
	(erf) = vrcp.f32 v18;
	v22 =	vmax.f32 v17, $0.0e+00;
	v23 =	vmax.f32 v20, $0.0e+00  }
0xe2: {  	_ =	sdelay $0x1  }
0xe3: {  	v18 =	vmul.f32 v23, v22  }
0xe4: {  	v17 =	vmov s22  }
0xe5: {  	v20 =	vperm.xlane v10, v17;
	v22 =	vperm.xlane v12, v17;
	v19 =	vsub.f32 v19, v18  }
0xe6: {  	v23 =	vperm.xlane v11, v17;
	v24 =	vperm.xlane v13, v17  }
0xe7: {  	v63 =	vperm.xlane v9, v15;
	p2 =	sne.s32 s21, $0x3;
	v20 =	vmax.f32 v10, v20;
	v19 =	vadd.f32 $9.999999960e-13, v19  }
.Ltmp10:
0xe8: {  	v22 =	vmin.f32 v12, v22;
	v23 =	vmax.f32 v11, v23;
	v24 =	vmin.f32 v13, v24;
	(pc) =	sbr.rel @!p2 .LBB2_13-.Ltmp10, $4  }
0xe9: {  	v20 =	vsub.f32 v22, v20;
	v23 =	vsub.f32 v24, v23;
	v25 =	vpop (erf);
	(erf) = vrcp.f32 v19  }
0xea: {  	vm1 =	vlt.u32 v15, v4;
	v26 =	vperm.xlane v14, v17;
	v21 =	vmul.f32 v25, v21  }
0xeb: {  	vm2 =	veq.s32 v63, $0x0;
	v22 =	vmax.f32 v20, $0.0e+00;
	v23 =	vmax.f32 v23, $0.0e+00  }
0xec: {  	s22 =	simm.s32 $0x3;
	p1 =	por $0x1, $0x1;
	v20 =	vimm.s32 $0x0;
	v19 =	vadd.f32 v26, v14;
	vm10 =	vgt.f32 v21, $4.499999880e-01  }
.LBB2_14:
0xed: {  	v15 =	vmul.f32 v23, v22;
	vm1 =	vmand vm1, vm10;
	s23 =	smov.u32 s22;
	s22 =	sadd.s32 $0x1, s22  }
0xee: {  	v21 =	vmov s23;
	p2 =	sne.s32 s21, s22;
	vm1 =	vmand vm2, vm1  }
0xef: {  	v22 =	vperm.xlane v10, v21;
	v23 =	vperm.xlane v14, v21;
	v19 =	vsub.f32 v19, v15  }
0xf0: {  	v24 =	vperm.xlane v11, v21;
	v25 =	vperm.xlane v12, v21;
	v26 =	vsel vm1, $0x1, v5  }
0xf1: {  	v27 =	vperm.xlane v13, v21;
	v22 =	vmax.f32 v10, v22;
	v19 =	vadd.f32 $9.999999960e-13, v19  }
.Ltmp11:
0xf2: {  	v20 =	vor.u32 v26, v20;
	v24 =	vmax.f32 v11, v24;
	v25 =	vmin.f32 v12, v25;
	v28 =	vpop (erf);
	(pc) =	sbr.rel @p2 .LBB2_14-.Ltmp11, $4  }
0xf3: {  	v26 =	vmin.f32 v13, v27;
	v22 =	vsub.f32 v25, v22;
	(erf) = vrcp.f32 v19  }
0xf4: {  	v24 =	vsub.f32 v26, v24;
	v25 =	vperm.xlane v20, v16;
	v26 =	vmul.f32 v28, v18;
	v18 =	vmovc v15  }
0xf5: {  	vm1 =	vlt.u32 v16, v4;
	v16 =	vmovc v17;
	v17 =	vmovc v21;
	v19 =	vadd.f32 v23, v14;
	v22 =	vmax.f32 v22, $0.0e+00  }
0xf6: {  	v23 =	vmax.f32 v24, $0.0e+00;
	vm2 =	veq.s32 v25, $0x0;
	vm10 =	vgt.f32 v26, $4.499999880e-01  }
0xf7: {  	v10 =	vmov v16;
	v21 =	vmov v18;
	v15 =	vmov v17  }
.LBB2_16:
0xf8: {  	v11 =	vmul.f32 v23, v22;
	_ =	sdelay $0x1  }
0xf9: {  	v12 =	vsub.f32 v19, v11;
	_ =	sdelay $0x1  }
0xfa: {  	v12 =	vadd.f32 $9.999999960e-13, v12  }
0xfb: {  	vm1 =	vmand @p1 vm1, vm10  }
0xfc: {  	vm1 =	vmand @p1 vm2, vm1  }
0xfd: {  	v13 =	vsel @p1 vm1, $0x1, v5;
	(erf) = vrcp.f32 v12  }
0xfe: {  	v13 =	vor.u32 @p1 v13, v20;
	v12 =	vpop @p0 (erf)  }
0xff: {  	v13 =	vpsel p1, v13, v9;
	v12 =	vmul.f32 @p0 v12, v21  }
0x100: {  	v14 =	vperm.xlane @p0 v13, v10  }
0x101: {  	vm1 =	vlt.u32 @p0 v10, v4;
	vm2 =	vgt.f32 @p0 v12, $4.499999880e-01  }
0x102: {  	vm1 =	vmmov @p0 vm1;
	vm10 =	veq.s32 @p0 v14, $0x0;
	vm2 =	vmmov @p0 vm2  }
0x103: {  	vm10 =	vmmov @p0 vm10;
	vm1 =	vmand @p0 vm1, vm2  }
0x104: {  	vm1 =	vmand @p0 vm10, vm1  }
0x105: {  	v10 =	vsel @p0 vm1, $0x1, v5  }
0x106: {  	v63 =	vpop (erf);
	v10 =	vor.u32 @p0 v10, v13  }
0x107: {  	v9 =	vpsel p0, v10, v9;
	v10 =	vmul.f32 v63, v11  }
0x108: {  	v11 =	vperm.xlane v9, v15  }
0x109: {  	vm1 =	vlt.u32 v15, v4;
	vm2 =	vgt.f32 v10, $4.499999880e-01  }
0x10a: {  	vm10 =	veq.s32 v11, $0x0;
	vm1 =	vmand vm1, vm2  }
0x10b: {  	vm1 =	vmand vm10, vm1  }
0x10c: {  	v10 =	vsel vm1, $0x1, v5  }
0x10d: {  	v9 =	vor.u32 v10, v9  }
0x10e: {  	vm1 =	vne.s32 v9, $0x0  }
.LBB2_17:
0x10f: {  	vm2 =	veq.s32 v8, v7  }
0x110: {  	vm2 =	vmand vm2, vm1  }
0x111: {  	vm2 =	vmand vm14, vm2  }
0x112: {  	v7 =	vmpcnt.ones.xlane vm2;
	_ =	sdelay $0x1  }
0x113: {  	(v2sf) =	vpush v7, $0x0;
	_ =	sdelay $0x7  }
0x114: {  	s21 =	sshra.s32 s19, $0x1F  }
0x115: {  	s22 =	sand.u32 $0xF, s19;
	vm1 =	vmneg vm1;
	s21 =	sshrl.u32 s21, $0x1C  }
0x116: {  	p0 =	slt.s32 s19, $0x1;
	p1 =	sne.s32 s22, $0x0;
	vm1 =	vmand vm14, vm1;
	s21 =	sadd.s32 s21, s19  }
0x117: {  	p0 =	por !p0, !p1;
	p1 =	slt.s32 s19, s20;
	s20 =	simm.s32 $0x1;
	v7 =	vmpcnt.ones.xlane vm1  }
0x118: {  	s29 =	sshra.s32 s21, $0x4;
	p0 =	por !p0, !p0;
	s21 =	simm.s32 $0x1  }
0x119: {  	s20 =	simm.s32 @!p1 $0x0;
	s21 =	simm.s32 @!p0 $0x0;
	(v2sf) =	vpush v7, $0x0  }
0x11a: {  	s19 =	ssub.s32 s29, s21;
	s21 =	ssub.s32 s18, s20  }
0x11b: {  	s18 =	sadd.s32 $0xF, s21;
	s28 =	spop (v2sf)  }
0x11c: {  	s30 =	sand.u32 $0xF, s18;
	s31 =	sshra.s32 s18, $0x1F;
	p2 =	sgt.s32 s28, $0x0  }
0x11d: {  	p5 =	slt.s32 s18, $0x1;
	p4 =	por !p1, !p2;
	p1 =	slt.s32 s19, $0x4EF  }
0x11e: {  	vm2 =	vmxor vm2, vm2;
	p6 =	sne.s32 s30, $0x0;
	p0 =	por !p4, !p4;
	s19 =	simm.s32 @!p1 $0x4EF  }
0x11f: {  	vm2 =	vmneg @p0 vm2;
	v9 =	vmov s19;
	s19 =	sshrl.u32 s31, $0x1C;
	p0 =	por !p5, !p6  }
0x120: {  	s18 =	sadd.s32 s19, s18;
	p0 =	por !p0, !p0;
	s19 =	simm.s32 $0x1  }
0x121: {  	vm2 =	vmand vm2, vm0;
	s18 =	sshra.s32 s18, $0x4;
	s19 =	simm.s32 @!p0 $0x0  }
0x122: {  	s18 =	ssub.s32 s18, s19  }
0x123: {  	p0 =	slt.s32 s18, $0x1  }
.Ltmp12:
0x124: {  	_ = 	snop;
	(pc) =	sbr.rel @p0 .LBB2_32-.Ltmp12, $3  }
0x125: {  	_ =	sdelay $0x1  }
0x126: {  	[tilespmem:v9+s12+$0x0] =	vst.idx.msk vm2, v6  }
0x127: {  	s19 =	spop (v2sf);
	[tilespmem:s13+$0x0] =	vst.msk vm1, v8  }
0x128: {  	v10 =	vld [tilespmem:$0x14880];
	v7 =	vbroadcast v7, $0x0;
	_ =	sdelay $0x1  }
0x129: {  	vm1 =	vgt.s32 v7, v4;
	_ =	sdelay $0x5  }
0x12a: {  	v7 =	vld.idx.msk [tilespmem:v10+s17+$0x0], vm1  }
0x12b: {  	v8 =	vld.idx.msk [tilespmem:v10+s9+$0x0], vm1  }
0x12c: {  	v9 =	vld.idx.msk [tilespmem:v10+s10+$0x0], vm1  }
0x12d: {  	v10 =	vld.idx.msk [tilespmem:v10+s11+$0x0], vm1;
	_ =	sdelay $0x3  }
.Ltmp13:
0x12e: {  	_ = 	snop;
	(pc) =	sbr.rel .LBB2_19-.Ltmp13, $3  }
0x12f: {  	v11 =	vsub.f32 v9, v7;
	v12 =	vsub.f32 v10, v8;
	_ =	sdelay $0x1  }
0x130: {  	s31 =	sor.u32 $0x14100, s20;
	s20 =	simm.s32 $0x0;
	v11 =	vmax.f32 v11, $0.0e+00;
	v12 =	vmax.f32 v12, $0.0e+00  }
0x131: {  	p0 =	slt.s32 s19, $0x1;
	v13 =	vmov s31;
	s17 =	simm.s32 $0x0;
	v11 =	vmul.f32 v12, v11;
	v12 =	vmov s21;
	s21 =	simm.s32 $0x0  }
.LBB2_21:
0x132: {  	v25 =	vimm.s32 $0x0  }
.LBB2_30:
0x133: {  	v19 =	vmax.f32 v19, v27  }
0x134: {  	v20 =	vmin.f32 v20, v28;
	v17 =	vmax.f32 v17, v29;
	v18 =	vmin.f32 v18, v30  }
0x135: {  	v18 =	vsub.f32 v18, v19;
	v17 =	vsub.f32 v20, v17  }
0x136: {  	v62 =	vperm.xlane v11, v21  }
0x137: {  	v20 =	vsub.f32 @p1 v26, v23;
	v18 =	vmax.f32 v18, $0.0e+00;
	v17 =	vmax.f32 v17, $0.0e+00  }
0x138: {  	v16 =	vadd.f32 v62, v16;
	v17 =	vmul.f32 v17, v18  }
0x139: {  	v18 =	vadd.f32 @p1 $9.999999960e-13, v20  }
0x13a: {  	v16 =	vsub.f32 v16, v17  }
0x13b: {  	(erf) = vrcp.f32 @p1 v18  }
0x13c: {  	v16 =	vadd.f32 $9.999999960e-13, v16;
	_ =	sdelay $0x1  }
0x13d: {  	(erf) = vrcp.f32 v16;
	_ =	sdelay $0x1  }
0x13e: {  	v19 =	vmov @p2 v33;
	v18 =	vmul.f32 @p3 v31, v24  }
0x13f: {  	v19 =	vpsel p2, v19, v0  }
0x140: {  	v20 =	vmov @p1 v23;
	v16 =	vpop @p2 (erf)  }
0x141: {  	v20 =	vpsel p1, v20, v22;
	v16 =	vpsel p2, v16, v0  }
0x142: {  	vm1 =	vgt.f32 @p3 v18, $4.499999880e-01;
	v18 =	vmov @p1 v20;
	v16 =	vmul.f32 @p2 v16, v19;
	v19 =	vpop @p1 (erf)  }
0x143: {  	v20 =	vsel @p3 vm1, $0x1, v5;
	v18 =	vpsel p1, v18, v0;
	v19 =	vpsel p1, v19, v0  }
0x144: {  	v20 =	vor.u32 @p3 v20, v25;
	vm1 =	vgt.f32 @p2 v16, $4.499999880e-01;
	v16 =	vmul.f32 @p1 v19, v18  }
0x145: {  	v18 =	vpsel p3, v20, v15;
	v19 =	vsel @p2 vm1, $0x1, v5;
	v63 =	vpop (erf)  }
0x146: {  	v18 =	vor.u32 @p2 v19, v18;
	vm1 =	vgt.f32 @p1 v16, $4.499999880e-01;
	v16 =	vmul.f32 v63, v17  }
0x147: {  	v17 =	vpsel p2, v18, v15;
	v18 =	vsel @p1 vm1, $0x1, v5  }
0x148: {  	v17 =	vor.u32 @p1 v18, v17;
	vm1 =	vgt.f32 v16, $4.499999880e-01  }
0x149: {  	v15 =	vpsel p1, v17, v15;
	v16 =	vsel vm1, $0x1, v5  }
0x14a: {  	v15 =	vor.u32 v16, v15  }
.LBB2_31:
0x14b: {  	vm1 =	veq.s32 v15, $0x0  }
0x14c: {  	vm1 =	vmand vm14, vm1  }
0x14d: {  	v16 =	vmpcnt.ones.xlane vm1;
	_ =	sdelay $0x1  }
0x14e: {  	(v2sf) =	vpush v16, $0x0;
	_ =	sdelay $0x5  }
0x14f: {  	v62 =	vshra.s32 v14, $0x1F;
	v17 =	vand.u32 $0xF, v14  }
0x150: {  	vm10 =	vlt.s32 v14, $0x1;
	vm2 =	vne.s32 v17, $0x0;
	v16 =	vshrl.u32 v62, $0x1C  }
0x151: {  	vm2 =	vmand vm10, vm2;
	vm10 =	vne.s32 v15, $0x0;
	v15 =	vadd.s32 v16, v14  }
0x152: {  	vm10 =	vmand vm14, vm10;
	v63 =	vsel vm2, $0xFFFFFFFF, v5;
	v15 =	vshra.s32 v15, $0x4  }
0x153: {  	s21 =	sadd.s32 $0x1, s21;
	v15 =	vadd.s32 v63, v15  }
0x154: {  	p1 =	sne.s32 s21, s18  }
.Ltmp14:
0x155: {  	_ = 	snop;
	(pc) =	sbr.rel @!p1 .LBB2_32-.Ltmp14, $3  }
0x156: {  	_ =	sdelay $0x1  }
0x157: {  	[tilespmem:v15+s12+$0x0] =	vst.idx.msk vm10, v6;
	s22 =	spop (v2sf)  }
0x158: {  	[tilespmem:s17+$0x14100] =	vst.msk vm1, v14;
	s17 =	sadd.s32 s17, s22  }
.LBB2_19:
.Ltmp15:
0x159: {  	_ = 	snop;
	(pc) =	sbr.rel @p0 .LBB2_31-.Ltmp15, $4  }
0x15a: {  	_ = 	snop  }
0x15b: {  	s22 =	sshll.u32 s21, $0x4  }
0x15c: {  	v15 =	vor.u32 s22, v4  }
0x15d: {  	v14 =	vld.idx.msk [tilespmem:v13+s22+$0x0 ss:$0x1], $0xffff;
	vm14 =	vlt.s32 v15, v12;
	v15 =	vimm.s32 $0x0  }
0x15e: {  	_ =	sdelay $0x7  }
0x15f: {  	v19 =	vld.idx.msk [tilespmem:v14+s20+$0x0], vm14  }
0x160: {  	v17 =	vld.idx.msk [tilespmem:v14+s9+$0x0], vm14  }
0x161: {  	v18 =	vld.idx.msk [tilespmem:v14+s10+$0x0], vm14  }
0x162: {  	v20 =	vld.idx.msk [tilespmem:v14+s11+$0x0], vm14;
	_ =	sdelay $0x4  }
0x163: {  	p4 =	sne.s32 s19, $0x1;
	v16 =	vsub.f32 v18, v19;
	v21 =	vsub.f32 v20, v17  }
.Ltmp16:
0x164: {  	_ = 	snop;
	(pc) =	sbr.rel @!p4 .LBB2_21-.Ltmp16, $4  }
0x165: {  	v16 =	vmax.f32 v16, $0.0e+00;
	v21 =	vmax.f32 v21, $0.0e+00  }
0x166: {  	v16 =	vmul.f32 v21, v16;
	v21 =	vmov s20  }
0x167: {  	s22 =	simm.s32 $0x1;
	v27 =	vperm.xlane v7, v21;
	v28 =	vperm.xlane v10, v21  }
0x168: {  	p1 =	por $0x0, $0x0;
	p2 =	por $0x0, $0x0;
	p3 =	por $0x0, $0x0;
	v29 =	vperm.xlane v8, v21;
	v30 =	vperm.xlane v9, v21  }
0x169: {  	_ = 	snop  }
0x16a: {  	v22 =	vmax.f32 v19, v27;
	p4 =	sne.s32 s19, $0x2;
	v25 =	vmin.f32 v18, v30  }
.Ltmp17:
0x16b: {  	v23 =	vmin.f32 v20, v28;
	v24 =	vmax.f32 v17, v29;
	v22 =	vsub.f32 v25, v22;
	(pc) =	sbr.rel @!p4 .LBB2_23-.Ltmp17, $4  }
0x16c: {  	v23 =	vsub.f32 v23, v24;
	v24 =	vperm.xlane v11, v21;
	v21 =	vmov s22  }
0x16d: {  	v27 =	vperm.xlane v7, v21;
	v28 =	vperm.xlane v10, v21  }
0x16e: {  	v29 =	vperm.xlane v8, v21;
	v22 =	vmax.f32 v22, $0.0e+00;
	v23 =	vmax.f32 v23, $0.0e+00  }
0x16f: {  	p1 =	por $0x1, $0x1;
	s22 =	simm.s32 $0x2;
	v30 =	vperm.xlane v9, v21;
	v26 =	vadd.f32 v24, v16;
	v22 =	vmul.f32 v23, v22  }
0x170: {  	_ = 	snop  }
0x171: {  	v24 =	vmin.f32 v20, v28;
	v25 =	vmax.f32 v17, v29;
	v26 =	vsub.f32 v26, v22  }
0x172: {  	v23 =	vmax.f32 v19, v27;
	p4 =	sne.s32 s19, $0x3;
	v27 =	vmin.f32 v18, v30;
	v24 =	vsub.f32 v24, v25  }
.Ltmp18:
0x173: {  	v23 =	vsub.f32 v27, v23;
	v25 =	vadd.f32 $9.999999960e-13, v26;
	(pc) =	sbr.rel @!p4 .LBB2_25-.Ltmp18, $4  }
0x174: {  	v26 =	vperm.xlane v11, v21;
	v24 =	vmax.f32 v24, $0.0e+00;
	v21 =	vmov s22  }
0x175: {  	v23 =	vmax.f32 v23, $0.0e+00;
	v27 =	vperm.xlane v7, v21;
	v28 =	vperm.xlane v10, v21  }
0x176: {  	v29 =	vperm.xlane v8, v21;
	v23 =	vmul.f32 v24, v23  }
0x177: {  	p2 =	por $0x1, $0x1;
	s22 =	simm.s32 $0x3;
	v30 =	vperm.xlane v9, v21;
	(erf) = vrcp.f32 v25;
	v26 =	vadd.f32 v26, v16  }
0x178: {  	_ = 	snop  }
0x179: {  	v24 =	vmax.f32 v19, v27  }
0x17a: {  	v25 =	vmin.f32 v20, v28;
	v28 =	vmin.f32 v18, v30;
	v26 =	vsub.f32 v26, v23  }
0x17b: {  	v27 =	vmax.f32 v17, v29;
	v29 =	vperm.xlane v11, v21;
	p4 =	sne.s32 s19, $0x4;
	v24 =	vsub.f32 v28, v24  }
.Ltmp19:
0x17c: {  	v21 =	vmov s22;
	v25 =	vsub.f32 v25, v27;
	v26 =	vadd.f32 $9.999999960e-13, v26;
	(pc) =	sbr.rel @!p4 .LBB2_27-.Ltmp19, $4  }
0x17d: {  	v27 =	vperm.xlane v7, v21;
	v24 =	vmax.f32 v24, $0.0e+00  }
0x17e: {  	v30 =	vperm.xlane v9, v21;
	v25 =	vmax.f32 v25, $0.0e+00;
	(erf) = vrcp.f32 v26  }
0x17f: {  	v28 =	vperm.xlane v10, v21;
	v32 =	vmul.f32 v25, v24;
	v26 =	vadd.f32 v29, v16  }
0x180: {  	s22 =	simm.s32 $0x4;
	p3 =	por $0x1, $0x1;
	v29 =	vperm.xlane v8, v21;
	v25 =	vimm.s32 $0x0;
	v24 =	vmov v22;
	v31 =	vpop (erf)  }
.LBB2_28:
0x181: {  	v27 =	vmax.f32 v19, v27;
	v28 =	vmin.f32 v20, v28;
	v31 =	vmul.f32 v31, v24;
	v24 =	vmovc v23;
	s23 =	smov.u32 s22;
	s22 =	sadd.s32 $0x1, s22  }
0x182: {  	v26 =	vsub.f32 v26, v32;
	v23 =	vmovc v32;
	p4 =	sne.s32 s19, s22;
	v29 =	vmax.f32 v17, v29;
	v30 =	vmin.f32 v18, v30  }
0x183: {  	v27 =	vsub.f32 v30, v27;
	v28 =	vsub.f32 v28, v29;
	vm1 =	vgt.f32 v31, $4.499999880e-01  }
.Ltmp20:
0x184: {  	v29 =	vperm.xlane v11, v21;
	v26 =	vadd.f32 $9.999999960e-13, v26;
	v21 =	vsel vm1, $0x1, v5;
	(pc) =	sbr.rel @p4 .LBB2_28-.Ltmp20, $4  }
0x185: {  	v27 =	vmax.f32 v27, $0.0e+00;
	v28 =	vmax.f32 v28, $0.0e+00;
	v25 =	vor.u32 v21, v25  }
0x186: {  	v21 =	vmov s23;
	v32 =	vmul.f32 v28, v27;
	(erf) = vrcp.f32 v26  }
0x187: {  	v27 =	vperm.xlane v7, v21;
	v28 =	vperm.xlane v10, v21;
	v26 =	vadd.f32 v29, v16;
	v31 =	vpop (erf)  }
0x188: {  	v29 =	vperm.xlane v8, v21;
	v30 =	vperm.xlane v9, v21  }
.Ltmp21:
0x189: {  	(pc) =	sbr.rel .LBB2_30-.Ltmp21, $2  }
0x18a: {  	_ =	sdelay $0x2  }
0x18b: {  	v33 =	vmov v23;
	v23 =	vmov v32  }
.LBB2_23:
.Ltmp22:
0x18c: {  	(pc) =	sbr.rel .LBB2_30-.Ltmp22, $2  }
0x18d: {  	_ =	sdelay $0x2  }
0x18e: {  	v25 =	vimm.s32 $0x0;
	v23 =	vmov v22  }
.LBB2_25:
.Ltmp23:
0x18f: {  	(pc) =	sbr.rel .LBB2_30-.Ltmp23, $2  }
0x190: {  	_ =	sdelay $0x2  }
0x191: {  	v33 =	vmov v22;
	v25 =	vimm.s32 $0x0  }
.LBB2_27:
.Ltmp24:
0x192: {  	(pc) =	sbr.rel .LBB2_30-.Ltmp24, $2  }
0x193: {  	_ =	sdelay $0x2  }
0x194: {  	v33 =	vmovc v23;
	v24 =	vmov v22;
	v23 =	vmov v32;
	v25 =	vimm.s32 $0x0  }
.LBB2_9:
.Ltmp25:
0x195: {  	(pc) =	sbr.rel .LBB2_16-.Ltmp25, $2  }
0x196: {  	_ =	sdelay $0x2  }
0x197: {  	v20 =	vimm.s32 $0x0  }
.LBB2_11:
.Ltmp26:
0x198: {  	(pc) =	sbr.rel .LBB2_16-.Ltmp26, $2  }
0x199: {  	_ =	sdelay $0x2  }
0x19a: {  	v10 =	vmov v15;
	v20 =	vimm.s32 $0x0;
	v15 =	vmov v16  }
.LBB2_13:
.Ltmp27:
0x19b: {  	(pc) =	sbr.rel .LBB2_16-.Ltmp27, $2  }
0x19c: {  	_ =	sdelay $0x2  }
0x19d: {  	v20 =	vimm.s32 $0x0;
	v10 =	vmovc v16;
	v21 =	vmov v18;
	v15 =	vmov v17  }
.LBB2_35:
0x19e: {  	s1 =	sadd.s32 s4, s3;
	s29 =	simm.s32 $0x80  }
0x19f: {  	s30 =	simm.s32 $0x400;
	s5 =	simm.s32 $0x13C00;
	s31 =	simm.s32 $0x1  }
0x1a0: {  	[hbm4b:s1+s29] =	stream.strided.scatter [tilespmem:s5], [sflag:$0x1], $0x500, s30, s29, $0x38;
	[tilespmem:$0x14940] =	vst v63  }
0x1a1: {  	_ =	swait.ge [sflag:s31], $0x500  }
0x1a2: {  	[sflag:s31] =	ssyncset.done $0x0  }
0x1a3: {  	[sflag:s31] =	ssyncadd.s32 $0xFFFFFB00  }
0x1a4: {  	_ =	sfence.sel $0x180000  }
0x1a5: {  	[bflag:$0x0] =	sbarrier.arrive $0xFFFF  }
0x1a6: {  	p0 =	sne.s32 s2, $0x0;
	_ =	strace $0x9000004D  }
0x1a7: {  	s0 =	sadd.s32 @!p0 $0x100000, s0;
	[bflag:$0x2] =	sbarrier.arrive $0xFFFF  }
0x1a8: {  	[sflag:s0] =	ssyncadd.tile.s32 @!p0 $0x1;
	_ =	shalt  }
.Lfunc_end2:
_tile_overlayer_lowered:
.L_overlay_start_2:
0x1a9: {  	(tag) =	ssettag $0x2  }
0x1aa: {  	s0 =	rddreg [dreg:$0x0];
	s2 =	stileid.u32  }
0x1ab: {  	s1 =	rddreg [dreg:$0x1];
	p0 =	sne.s32 s2, $0x0  }
0x1ac: {  	s3 =	rddreg [dreg:$0x2];
	[bflag:$0x3] =	sbarrier.arrive $0xFFFF;
	s2 =	simm.s32 @!p0 $0x1C01  }
0x1ad: {  	[timem:s3], [sflag:s2] =	dma.local @!p0 [hbm:s0], s1  }
0x1ae: {  	s0 =	simm.s32 @!p0 $0x1  }
0x1af: {  	_ =	swait.ge @!p0 [sflag:s0], s1  }
0x1b0: {  	s1 =	ssub.s32 @!p0 $0x0, s1;
	[sflag:s0] =	ssyncset.done @!p0 $0x0  }
0x1b1: {  	[sflag:s0] =	ssyncadd.s32 @!p0 s1  }
0x1b2: {  	[bflag:$0x3] =	sbarrier.arrive $0xFFFF  }
0x1b3: {  	_ =	shalt  }

</sc_bundles>
